<compile_context>
chip_gen: v7x
topology: tpu7x:2x2x1
jax: 0.10.2.dev20260603
libtpu: 0.0.44.dev20260713+nightly
codegen_flags: <defaults>
</compile_context>

<pallas_src>
import functools

import jax
import jax.numpy as jnp
from jax import lax
from jax.experimental import pallas as pl
from jax.experimental.pallas import tpu as pltpu
from jax.experimental.pallas import tpu_sc as plsc

_B = 16384
_D = 64
_NF = 5
_BLK = 128

_info = plsc.get_sparse_core_info()
_NC = _info.num_cores
_NS = _info.num_subcores
_NW = _NC * _NS
_BPW = _B // _NW
_NBLK = _BPW // _BLK

_SMALL = ((1, 11), (3, 17), (4, 81))
_STREAMED = (0, 2)


def _build():
    mesh = plsc.VectorSubcoreMesh(core_axis_name="c", subcore_axis_name="s")

    @functools.partial(
        pl.kernel,
        mesh=mesh,
        out_type=jax.ShapeDtypeStruct((_B, _NF * _D), jnp.float32),
        scratch_types=[
            pltpu.VMEM((5, _BPW), jnp.int32),
            pltpu.VMEM((11, _D), jnp.float32),
            pltpu.VMEM((17, _D), jnp.float32),
            pltpu.VMEM((81, _D), jnp.float32),
            [pltpu.VMEM((_BPW, _D), jnp.float32) for _ in range(2)],
            [[pltpu.VMEM((_BLK, _D), jnp.float32),
              pltpu.VMEM((_BLK, 2 * _D), jnp.float32)]
             for _ in range(2)],
            pltpu.SemaphoreType.DMA,
            [pltpu.SemaphoreType.DMA for _ in range(2)],
            [pltpu.SemaphoreType.DMA for _ in range(2)],
            [pltpu.SemaphoreType.DMA for _ in range(2)],
        ],
        compiler_params=pltpu.CompilerParams(use_tc_tiling_on_sc=False),
    )
    def sc_kernel(t_idx, f_idx, st_idx, so_idx, y_idx,
                  t_tab, f_tab, st_tab, so_tab, y_tab,
                  out, idx_v, fv, sov, yv, gbufs, ebufs,
                  isem, gsems, wsems, esems):
        wid = lax.axis_index("s") * _NC + lax.axis_index("c")
        base = wid * _BPW
        small_tabs = (fv, sov, yv)

        stages = [
            pltpu.async_copy(t_idx.at[pl.ds(base, _BPW)], idx_v.at[0], isem),
            pltpu.async_copy(st_idx.at[pl.ds(base, _BPW)], idx_v.at[1], isem),
            pltpu.async_copy(f_idx.at[pl.ds(base, _BPW)], idx_v.at[2], isem),
            pltpu.async_copy(so_idx.at[pl.ds(base, _BPW)], idx_v.at[3], isem),
            pltpu.async_copy(y_idx.at[pl.ds(base, _BPW)], idx_v.at[4], isem),
            pltpu.async_copy(f_tab, fv, isem),
            pltpu.async_copy(so_tab, sov, isem),
            pltpu.async_copy(y_tab, yv, isem),
        ]
        stages[0].wait()
        stages[1].wait()
        g_title = pltpu.async_copy(t_tab.at[idx_v.at[0]], gbufs[0], gsems[0])
        g_studio = pltpu.async_copy(st_tab.at[idx_v.at[1]], gbufs[1], gsems[1])
        for cp in stages[2:]:
            cp.wait()

        ewrites = {}
        for b in range(_NBLK):
            slot = b % 2
            if b >= 2:
                for w in ewrites[b - 2]:
                    w.wait()

            def body(r4, carry, b=b, slot=slot):
                for u in range(4):
                    r = r4 * 4 + u
                    for k, (buf, off) in enumerate(((0, 0), (1, 0), (1, _D))):
                        row = idx_v[2 + k, pl.ds(b * _BLK + r, 1)][0]
                        for c in range(_D // 16):
                            ebufs[slot][buf][r, pl.ds(off + c * 16, 16)] = (
                                small_tabs[k][row, pl.ds(c * 16, 16)])
                return carry

            lax.fori_loop(0, _BLK // 4, body, 0)
            ewrites[b] = [
                pltpu.async_copy(
                    ebufs[slot][0],
                    out.at[pl.ds(base + b * _BLK, _BLK), pl.ds(_D, _D)],
                    esems[slot]),
                pltpu.async_copy(
                    ebufs[slot][1],
                    out.at[pl.ds(base + b * _BLK, _BLK),
                           pl.ds(3 * _D, 2 * _D)],
                    esems[slot]),
            ]

        g_title.wait()
        w_title = pltpu.async_copy(
            gbufs[0], out.at[pl.ds(base, _BPW), pl.ds(0, _D)], wsems[0])
        g_studio.wait()
        w_studio = pltpu.async_copy(
            gbufs[1], out.at[pl.ds(base, _BPW), pl.ds(2 * _D, _D)], wsems[1])

        for b in (_NBLK - 2, _NBLK - 1):
            for w in ewrites[b]:
                w.wait()
        w_title.wait()
        w_studio.wait()

    return sc_kernel


_sc_kernel = _build()


@jax.jit
def kernel(title_idx, format_idx, studio_idx, source_idx, year_idx,
           title_table, format_table, studio_table, source_table, year_table):
    return _sc_kernel(title_idx, format_idx, studio_idx, source_idx, year_idx,
                      title_table, format_table, studio_table, source_table,
                      year_table)

# --- scband reference (transcript-rebuilt; emitter-appended) ---
"""Pipeline reference for scband-anime-model-9912784519629 (READ-ONLY COPY).

The authoritative reference and input builder live on the scoring server;
editing this copy changes nothing except your own understanding.
"""

import jax, jax.numpy as jnp
import numpy as np

TITLE_VOCAB = 100001
FORMAT_VOCAB = 11
STUDIO_VOCAB = 1001
SOURCE_VOCAB = 17
YEAR_VOCAB = 81
EMBED_DIM = 64
BATCH = 16384


def setup_inputs(seed: int = 0) -> dict:
    key = jax.random.key(seed)
    ks = jax.random.split(key, 10)
    title_idx = jax.random.randint(ks[0], (BATCH,), 0, TITLE_VOCAB, dtype=jnp.int32)
    format_idx = jax.random.randint(ks[1], (BATCH,), 0, FORMAT_VOCAB, dtype=jnp.int32)
    studio_idx = jax.random.randint(ks[2], (BATCH,), 0, STUDIO_VOCAB, dtype=jnp.int32)
    source_idx = jax.random.randint(ks[3], (BATCH,), 0, SOURCE_VOCAB, dtype=jnp.int32)
    year_idx = jax.random.randint(ks[4], (BATCH,), 0, YEAR_VOCAB, dtype=jnp.int32)
    # Learned embedding tables (StringLookup/IntegerLookup reduced to precomputed int indices)
    title_table = jax.random.normal(ks[5], (TITLE_VOCAB, EMBED_DIM), dtype=jnp.float32) * 0.05
    format_table = jax.random.normal(ks[6], (FORMAT_VOCAB, EMBED_DIM), dtype=jnp.float32) * 0.05
    studio_table = jax.random.normal(ks[7], (STUDIO_VOCAB, EMBED_DIM), dtype=jnp.float32) * 0.05
    source_table = jax.random.normal(ks[8], (SOURCE_VOCAB, EMBED_DIM), dtype=jnp.float32) * 0.05
    year_table = jax.random.normal(ks[9], (YEAR_VOCAB, EMBED_DIM), dtype=jnp.float32) * 0.05
    return {
        "title_idx": title_idx,
        "format_idx": format_idx,
        "studio_idx": studio_idx,
        "source_idx": source_idx,
        "year_idx": year_idx,
        "title_table": title_table,
        "format_table": format_table,
        "studio_table": studio_table,
        "source_table": source_table,
        "year_table": year_table,
    }


def reference(title_idx, format_idx, studio_idx, source_idx, year_idx,
              title_table, format_table, studio_table, source_table, year_table):
    # AnimeModel.call: concat of per-feature embedding lookups along axis=1
    title_emb = jnp.take(title_table, title_idx, axis=0)
    format_emb = jnp.take(format_table, format_idx, axis=0)
    studio_emb = jnp.take(studio_table, studio_idx, axis=0)
    source_emb = jnp.take(source_table, source_idx, axis=0)
    year_emb = jnp.take(year_table, year_idx, axis=0)
    return jnp.concatenate([title_emb, format_emb, studio_emb, source_emb, year_emb], axis=1)

if __name__ == "__main__":
    import jax
    _d = setup_inputs()
    print(jax.jit(kernel)(*tuple(_d.values())))

</pallas_src>

<mosaic_0001>
#map = affine_map<(d0, d1) -> (0)>
#map1 = affine_map<(d0, d1) -> (0, 0)>
module attributes {stable_mosaic.version = 14 : i64} {
  func.func @sc_kernel(%arg0: i32, %arg1: i32, %arg2: memref<16384xi32, #tpu.memory_space<hbm>>, %arg3: memref<16384xi32, #tpu.memory_space<hbm>>, %arg4: memref<16384xi32, #tpu.memory_space<hbm>>, %arg5: memref<16384xi32, #tpu.memory_space<hbm>>, %arg6: memref<16384xi32, #tpu.memory_space<hbm>>, %arg7: memref<100001x64xf32, #tpu.memory_space<hbm>>, %arg8: memref<11x64xf32, #tpu.memory_space<hbm>>, %arg9: memref<1001x64xf32, #tpu.memory_space<hbm>>, %arg10: memref<17x64xf32, #tpu.memory_space<hbm>>, %arg11: memref<81x64xf32, #tpu.memory_space<hbm>>, %arg12: memref<16384x320xf32, #tpu.memory_space<hbm>>, %arg13: memref<5x512xi32, #tpu.memory_space<vmem>>, %arg14: memref<11x64xf32, #tpu.memory_space<vmem>>, %arg15: memref<17x64xf32, #tpu.memory_space<vmem>>, %arg16: memref<81x64xf32, #tpu.memory_space<vmem>>, %arg17: memref<512x64xf32, #tpu.memory_space<vmem>>, %arg18: memref<512x64xf32, #tpu.memory_space<vmem>>, %arg19: memref<128x64xf32, #tpu.memory_space<vmem>>, %arg20: memref<128x128xf32, #tpu.memory_space<vmem>>, %arg21: memref<128x64xf32, #tpu.memory_space<vmem>>, %arg22: memref<128x128xf32, #tpu.memory_space<vmem>>, %arg23: memref<!tpu.dma_semaphore, #tpu.memory_space<semaphore_mem>>, %arg24: memref<!tpu.dma_semaphore, #tpu.memory_space<semaphore_mem>>, %arg25: memref<!tpu.dma_semaphore, #tpu.memory_space<semaphore_mem>>, %arg26: memref<!tpu.dma_semaphore, #tpu.memory_space<semaphore_mem>>, %arg27: memref<!tpu.dma_semaphore, #tpu.memory_space<semaphore_mem>>, %arg28: memref<!tpu.dma_semaphore, #tpu.memory_space<semaphore_mem>>, %arg29: memref<!tpu.dma_semaphore, #tpu.memory_space<semaphore_mem>>) attributes {dimension_semantics = [#tpu.dimension_semantics<core_parallel>, #tpu.dimension_semantics<subcore_parallel>], iteration_bounds = array<i64: 2, 16>, scalar_prefetch = 0 : i64, scratch_operands = 17 : i64, tpu.core_type = #tpu.core_type<sc_vector_subcore>, window_params = [{transform_indices = #map}, {transform_indices = #map}, {transform_indices = #map}, {transform_indices = #map}, {transform_indices = #map}, {transform_indices = #map1}, {transform_indices = #map1}, {transform_indices = #map1}, {transform_indices = #map1}, {transform_indices = #map1}, {transform_indices = #map1}]} {
    %mul3A = arith.constant 2 : i32
    %mul3A_0 = arith.muli %arg1, %mul3A : i32
    %add3A = arith.addi %mul3A_0, %arg0 : i32
    %mul3A_1 = arith.constant 512 : i32
    %mul3A_2 = arith.muli %add3A, %mul3A_1 : i32
    %dma_start3A = arith.constant 0 : i32
    %dma_start3A_3 = arith.constant 0 : i32
    %dma_start3A_4 = tpu.memref_slice %arg13[%dma_start3A, %dma_start3A_3] : memref<5x512xi32, #tpu.memory_space<vmem>> -> memref<1x512xi32, #tpu.memory_space<vmem>>
    %dma_start3A_5 = tpu.memref_squeeze %dma_start3A_4 : memref<1x512xi32, #tpu.memory_space<vmem>> -> memref<512xi32, #tpu.memory_space<vmem>>
    %dma_start3A_6 = tpu.memref_slice %arg2[%mul3A_2] : memref<16384xi32, #tpu.memory_space<hbm>> -> memref<512xi32, #tpu.memory_space<hbm>>
    %dma_start3A_7 = arith.constant 0 : i32
    %dma_start3A_8 = tpu.memref_slice %arg13[%dma_start3A, %dma_start3A_7] : memref<5x512xi32, #tpu.memory_space<vmem>> -> memref<1x512xi32, #tpu.memory_space<vmem>>
    %dma_start3A_9 = tpu.memref_squeeze %dma_start3A_8 : memref<1x512xi32, #tpu.memory_space<vmem>> -> memref<512xi32, #tpu.memory_space<vmem>>
    %dma_start3A_10 = tpu.memref_slice %arg2[%mul3A_2] : memref<16384xi32, #tpu.memory_space<hbm>> -> memref<512xi32, #tpu.memory_space<hbm>>
    tpu.enqueue_dma source(%dma_start3A_10 : memref<512xi32, #tpu.memory_space<hbm>>) target(%dma_start3A_9 : memref<512xi32, #tpu.memory_space<vmem>>) target_semaphore(%arg23 : memref<!tpu.dma_semaphore, #tpu.memory_space<semaphore_mem>>)
    %dma_start3A_11 = arith.constant 1 : i32
    %dma_start3A_12 = arith.constant 0 : i32
    %dma_start3A_13 = tpu.memref_slice %arg13[%dma_start3A_11, %dma_start3A_12] : memref<5x512xi32, #tpu.memory_space<vmem>> -> memref<1x512xi32, #tpu.memory_space<vmem>>
    %dma_start3A_14 = tpu.memref_squeeze %dma_start3A_13 : memref<1x512xi32, #tpu.memory_space<vmem>> -> memref<512xi32, #tpu.memory_space<vmem>>
    %dma_start3A_15 = tpu.memref_slice %arg4[%mul3A_2] : memref<16384xi32, #tpu.memory_space<hbm>> -> memref<512xi32, #tpu.memory_space<hbm>>
    %dma_start3A_16 = arith.constant 0 : i32
    %dma_start3A_17 = tpu.memref_slice %arg13[%dma_start3A_11, %dma_start3A_16] : memref<5x512xi32, #tpu.memory_space<vmem>> -> memref<1x512xi32, #tpu.memory_space<vmem>>
    %dma_start3A_18 = tpu.memref_squeeze %dma_start3A_17 : memref<1x512xi32, #tpu.memory_space<vmem>> -> memref<512xi32, #tpu.memory_space<vmem>>
    %dma_start3A_19 = tpu.memref_slice %arg4[%mul3A_2] : memref<16384xi32, #tpu.memory_space<hbm>> -> memref<512xi32, #tpu.memory_space<hbm>>
    tpu.enqueue_dma source(%dma_start3A_19 : memref<512xi32, #tpu.memory_space<hbm>>) target(%dma_start3A_18 : memref<512xi32, #tpu.memory_space<vmem>>) target_semaphore(%arg23 : memref<!tpu.dma_semaphore, #tpu.memory_space<semaphore_mem>>)
    %dma_start3A_20 = arith.constant 2 : i32
    %dma_start3A_21 = arith.constant 0 : i32
    %dma_start3A_22 = tpu.memref_slice %arg13[%dma_start3A_20, %dma_start3A_21] : memref<5x512xi32, #tpu.memory_space<vmem>> -> memref<1x512xi32, #tpu.memory_space<vmem>>
    %dma_start3A_23 = tpu.memref_squeeze %dma_start3A_22 : memref<1x512xi32, #tpu.memory_space<vmem>> -> memref<512xi32, #tpu.memory_space<vmem>>
    %dma_start3A_24 = tpu.memref_slice %arg3[%mul3A_2] : memref<16384xi32, #tpu.memory_space<hbm>> -> memref<512xi32, #tpu.memory_space<hbm>>
    %dma_start3A_25 = arith.constant 0 : i32
    %dma_start3A_26 = tpu.memref_slice %arg13[%dma_start3A_20, %dma_start3A_25] : memref<5x512xi32, #tpu.memory_space<vmem>> -> memref<1x512xi32, #tpu.memory_space<vmem>>
    %dma_start3A_27 = tpu.memref_squeeze %dma_start3A_26 : memref<1x512xi32, #tpu.memory_space<vmem>> -> memref<512xi32, #tpu.memory_space<vmem>>
    %dma_start3A_28 = tpu.memref_slice %arg3[%mul3A_2] : memref<16384xi32, #tpu.memory_space<hbm>> -> memref<512xi32, #tpu.memory_space<hbm>>
    tpu.enqueue_dma source(%dma_start3A_28 : memref<512xi32, #tpu.memory_space<hbm>>) target(%dma_start3A_27 : memref<512xi32, #tpu.memory_space<vmem>>) target_semaphore(%arg23 : memref<!tpu.dma_semaphore, #tpu.memory_space<semaphore_mem>>)
    %dma_start3A_29 = arith.constant 3 : i32
    %dma_start3A_30 = arith.constant 0 : i32
    %dma_start3A_31 = tpu.memref_slice %arg13[%dma_start3A_29, %dma_start3A_30] : memref<5x512xi32, #tpu.memory_space<vmem>> -> memref<1x512xi32, #tpu.memory_space<vmem>>
    %dma_start3A_32 = tpu.memref_squeeze %dma_start3A_31 : memref<1x512xi32, #tpu.memory_space<vmem>> -> memref<512xi32, #tpu.memory_space<vmem>>
    %dma_start3A_33 = tpu.memref_slice %arg5[%mul3A_2] : memref<16384xi32, #tpu.memory_space<hbm>> -> memref<512xi32, #tpu.memory_space<hbm>>
    %dma_start3A_34 = arith.constant 0 : i32
    %dma_start3A_35 = tpu.memref_slice %arg13[%dma_start3A_29, %dma_start3A_34] : memref<5x512xi32, #tpu.memory_space<vmem>> -> memref<1x512xi32, #tpu.memory_space<vmem>>
    %dma_start3A_36 = tpu.memref_squeeze %dma_start3A_35 : memref<1x512xi32, #tpu.memory_space<vmem>> -> memref<512xi32, #tpu.memory_space<vmem>>
    %dma_start3A_37 = tpu.memref_slice %arg5[%mul3A_2] : memref<16384xi32, #tpu.memory_space<hbm>> -> memref<512xi32, #tpu.memory_space<hbm>>
    tpu.enqueue_dma source(%dma_start3A_37 : memref<512xi32, #tpu.memory_space<hbm>>) target(%dma_start3A_36 : memref<512xi32, #tpu.memory_space<vmem>>) target_semaphore(%arg23 : memref<!tpu.dma_semaphore, #tpu.memory_space<semaphore_mem>>)
    %dma_start3A_38 = arith.constant 4 : i32
    %dma_start3A_39 = arith.constant 0 : i32
    %dma_start3A_40 = tpu.memref_slice %arg13[%dma_start3A_38, %dma_start3A_39] : memref<5x512xi32, #tpu.memory_space<vmem>> -> memref<1x512xi32, #tpu.memory_space<vmem>>
    %dma_start3A_41 = tpu.memref_squeeze %dma_start3A_40 : memref<1x512xi32, #tpu.memory_space<vmem>> -> memref<512xi32, #tpu.memory_space<vmem>>
    %dma_start3A_42 = tpu.memref_slice %arg6[%mul3A_2] : memref<16384xi32, #tpu.memory_space<hbm>> -> memref<512xi32, #tpu.memory_space<hbm>>
    %dma_start3A_43 = arith.constant 0 : i32
    %dma_start3A_44 = tpu.memref_slice %arg13[%dma_start3A_38, %dma_start3A_43] : memref<5x512xi32, #tpu.memory_space<vmem>> -> memref<1x512xi32, #tpu.memory_space<vmem>>
    %dma_start3A_45 = tpu.memref_squeeze %dma_start3A_44 : memref<1x512xi32, #tpu.memory_space<vmem>> -> memref<512xi32, #tpu.memory_space<vmem>>
    %dma_start3A_46 = tpu.memref_slice %arg6[%mul3A_2] : memref<16384xi32, #tpu.memory_space<hbm>> -> memref<512xi32, #tpu.memory_space<hbm>>
    tpu.enqueue_dma source(%dma_start3A_46 : memref<512xi32, #tpu.memory_space<hbm>>) target(%dma_start3A_45 : memref<512xi32, #tpu.memory_space<vmem>>) target_semaphore(%arg23 : memref<!tpu.dma_semaphore, #tpu.memory_space<semaphore_mem>>)
    tpu.enqueue_dma source(%arg8 : memref<11x64xf32, #tpu.memory_space<hbm>>) target(%arg14 : memref<11x64xf32, #tpu.memory_space<vmem>>) target_semaphore(%arg23 : memref<!tpu.dma_semaphore, #tpu.memory_space<semaphore_mem>>)
    tpu.enqueue_dma source(%arg10 : memref<17x64xf32, #tpu.memory_space<hbm>>) target(%arg15 : memref<17x64xf32, #tpu.memory_space<vmem>>) target_semaphore(%arg23 : memref<!tpu.dma_semaphore, #tpu.memory_space<semaphore_mem>>)
    tpu.enqueue_dma source(%arg11 : memref<81x64xf32, #tpu.memory_space<hbm>>) target(%arg16 : memref<81x64xf32, #tpu.memory_space<vmem>>) target_semaphore(%arg23 : memref<!tpu.dma_semaphore, #tpu.memory_space<semaphore_mem>>)
    %dma_wait3A = arith.constant 0 : i32
    %dma_wait3A_47 = arith.constant 0 : i32
    %dma_wait3A_48 = tpu.memref_slice %arg13[%dma_wait3A, %dma_wait3A_47] : memref<5x512xi32, #tpu.memory_space<vmem>> -> memref<1x512xi32, #tpu.memory_space<vmem>>
    %dma_wait3A_49 = tpu.memref_squeeze %dma_wait3A_48 : memref<1x512xi32, #tpu.memory_space<vmem>> -> memref<512xi32, #tpu.memory_space<vmem>>
    %dma_wait3A_50 = tpu.memref_slice %arg2[%mul3A_2] : memref<16384xi32, #tpu.memory_space<hbm>> -> memref<512xi32, #tpu.memory_space<hbm>>
    %dma_wait3A_51 = arith.constant 0 : i32
    %dma_wait3A_52 = tpu.memref_slice %arg13[%dma_wait3A, %dma_wait3A_51] : memref<5x512xi32, #tpu.memory_space<vmem>> -> memref<1x512xi32, #tpu.memory_space<vmem>>
    %dma_wait3A_53 = tpu.memref_squeeze %dma_wait3A_52 : memref<1x512xi32, #tpu.memory_space<vmem>> -> memref<512xi32, #tpu.memory_space<vmem>>
    %dma_wait3A_54 = tpu.memref_slice %arg2[%mul3A_2] : memref<16384xi32, #tpu.memory_space<hbm>> -> memref<512xi32, #tpu.memory_space<hbm>>
    tpu.wait_dma2 semaphore(%arg23 : memref<!tpu.dma_semaphore, #tpu.memory_space<semaphore_mem>>) src(%dma_wait3A_54 : memref<512xi32, #tpu.memory_space<hbm>>) dst(%dma_wait3A_53 : memref<512xi32, #tpu.memory_space<vmem>>)
    %dma_wait3A_55 = arith.constant 1 : i32
    %dma_wait3A_56 = arith.constant 0 : i32
    %dma_wait3A_57 = tpu.memref_slice %arg13[%dma_wait3A_55, %dma_wait3A_56] : memref<5x512xi32, #tpu.memory_space<vmem>> -> memref<1x512xi32, #tpu.memory_space<vmem>>
    %dma_wait3A_58 = tpu.memref_squeeze %dma_wait3A_57 : memref<1x512xi32, #tpu.memory_space<vmem>> -> memref<512xi32, #tpu.memory_space<vmem>>
    %dma_wait3A_59 = tpu.memref_slice %arg4[%mul3A_2] : memref<16384xi32, #tpu.memory_space<hbm>> -> memref<512xi32, #tpu.memory_space<hbm>>
    %dma_wait3A_60 = arith.constant 0 : i32
    %dma_wait3A_61 = tpu.memref_slice %arg13[%dma_wait3A_55, %dma_wait3A_60] : memref<5x512xi32, #tpu.memory_space<vmem>> -> memref<1x512xi32, #tpu.memory_space<vmem>>
    %dma_wait3A_62 = tpu.memref_squeeze %dma_wait3A_61 : memref<1x512xi32, #tpu.memory_space<vmem>> -> memref<512xi32, #tpu.memory_space<vmem>>
    %dma_wait3A_63 = tpu.memref_slice %arg4[%mul3A_2] : memref<16384xi32, #tpu.memory_space<hbm>> -> memref<512xi32, #tpu.memory_space<hbm>>
    tpu.wait_dma2 semaphore(%arg23 : memref<!tpu.dma_semaphore, #tpu.memory_space<semaphore_mem>>) src(%dma_wait3A_63 : memref<512xi32, #tpu.memory_space<hbm>>) dst(%dma_wait3A_62 : memref<512xi32, #tpu.memory_space<vmem>>)
    %dma_start3A_64 = arith.constant 0 : i32
    %dma_start3A_65 = arith.constant 0 : i32
    %dma_start3A_66 = tpu.memref_slice %arg13[%dma_start3A_64, %dma_start3A_65] : memref<5x512xi32, #tpu.memory_space<vmem>> -> memref<1x512xi32, #tpu.memory_space<vmem>>
    %dma_start3A_67 = tpu.memref_squeeze %dma_start3A_66 : memref<1x512xi32, #tpu.memory_space<vmem>> -> memref<512xi32, #tpu.memory_space<vmem>>
    %dma_start3A_68 = arith.constant 0 : i32
    %dma_start3A_69 = arith.constant 0 : i32
    %dma_start3A_70 = tpu.memref_slice %arg7[%dma_start3A_68, %dma_start3A_69] : memref<100001x64xf32, #tpu.memory_space<hbm>> -> memref<100001x64xf32, #tpu.memory_space<hbm>>
    tpu.enqueue_indirect_dma source(%dma_start3A_70 : memref<100001x64xf32, #tpu.memory_space<hbm>>) target(%arg17 : memref<512x64xf32, #tpu.memory_space<vmem>>) offsets(%dma_start3A_67 : memref<512xi32, #tpu.memory_space<vmem>>) semaphore(%arg24 : memref<!tpu.dma_semaphore, #tpu.memory_space<semaphore_mem>>)
    %dma_start3A_71 = arith.constant 1 : i32
    %dma_start3A_72 = arith.constant 0 : i32
    %dma_start3A_73 = tpu.memref_slice %arg13[%dma_start3A_71, %dma_start3A_72] : memref<5x512xi32, #tpu.memory_space<vmem>> -> memref<1x512xi32, #tpu.memory_space<vmem>>
    %dma_start3A_74 = tpu.memref_squeeze %dma_start3A_73 : memref<1x512xi32, #tpu.memory_space<vmem>> -> memref<512xi32, #tpu.memory_space<vmem>>
    %dma_start3A_75 = arith.constant 0 : i32
    %dma_start3A_76 = arith.constant 0 : i32
    %dma_start3A_77 = tpu.memref_slice %arg9[%dma_start3A_75, %dma_start3A_76] : memref<1001x64xf32, #tpu.memory_space<hbm>> -> memref<1001x64xf32, #tpu.memory_space<hbm>>
    tpu.enqueue_indirect_dma source(%dma_start3A_77 : memref<1001x64xf32, #tpu.memory_space<hbm>>) target(%arg18 : memref<512x64xf32, #tpu.memory_space<vmem>>) offsets(%dma_start3A_74 : memref<512xi32, #tpu.memory_space<vmem>>) semaphore(%arg25 : memref<!tpu.dma_semaphore, #tpu.memory_space<semaphore_mem>>)
    %dma_wait3A_78 = arith.constant 2 : i32
    %dma_wait3A_79 = arith.constant 0 : i32
    %dma_wait3A_80 = tpu.memref_slice %arg13[%dma_wait3A_78, %dma_wait3A_79] : memref<5x512xi32, #tpu.memory_space<vmem>> -> memref<1x512xi32, #tpu.memory_space<vmem>>
    %dma_wait3A_81 = tpu.memref_squeeze %dma_wait3A_80 : memref<1x512xi32, #tpu.memory_space<vmem>> -> memref<512xi32, #tpu.memory_space<vmem>>
    %dma_wait3A_82 = tpu.memref_slice %arg3[%mul3A_2] : memref<16384xi32, #tpu.memory_space<hbm>> -> memref<512xi32, #tpu.memory_space<hbm>>
    %dma_wait3A_83 = arith.constant 0 : i32
    %dma_wait3A_84 = tpu.memref_slice %arg13[%dma_wait3A_78, %dma_wait3A_83] : memref<5x512xi32, #tpu.memory_space<vmem>> -> memref<1x512xi32, #tpu.memory_space<vmem>>
    %dma_wait3A_85 = tpu.memref_squeeze %dma_wait3A_84 : memref<1x512xi32, #tpu.memory_space<vmem>> -> memref<512xi32, #tpu.memory_space<vmem>>
    %dma_wait3A_86 = tpu.memref_slice %arg3[%mul3A_2] : memref<16384xi32, #tpu.memory_space<hbm>> -> memref<512xi32, #tpu.memory_space<hbm>>
    tpu.wait_dma2 semaphore(%arg23 : memref<!tpu.dma_semaphore, #tpu.memory_space<semaphore_mem>>) src(%dma_wait3A_86 : memref<512xi32, #tpu.memory_space<hbm>>) dst(%dma_wait3A_85 : memref<512xi32, #tpu.memory_space<vmem>>)
    %dma_wait3A_87 = arith.constant 3 : i32
    %dma_wait3A_88 = arith.constant 0 : i32
    %dma_wait3A_89 = tpu.memref_slice %arg13[%dma_wait3A_87, %dma_wait3A_88] : memref<5x512xi32, #tpu.memory_space<vmem>> -> memref<1x512xi32, #tpu.memory_space<vmem>>
    %dma_wait3A_90 = tpu.memref_squeeze %dma_wait3A_89 : memref<1x512xi32, #tpu.memory_space<vmem>> -> memref<512xi32, #tpu.memory_space<vmem>>
    %dma_wait3A_91 = tpu.memref_slice %arg5[%mul3A_2] : memref<16384xi32, #tpu.memory_space<hbm>> -> memref<512xi32, #tpu.memory_space<hbm>>
    %dma_wait3A_92 = arith.constant 0 : i32
    %dma_wait3A_93 = tpu.memref_slice %arg13[%dma_wait3A_87, %dma_wait3A_92] : memref<5x512xi32, #tpu.memory_space<vmem>> -> memref<1x512xi32, #tpu.memory_space<vmem>>
    %dma_wait3A_94 = tpu.memref_squeeze %dma_wait3A_93 : memref<1x512xi32, #tpu.memory_space<vmem>> -> memref<512xi32, #tpu.memory_space<vmem>>
    %dma_wait3A_95 = tpu.memref_slice %arg5[%mul3A_2] : memref<16384xi32, #tpu.memory_space<hbm>> -> memref<512xi32, #tpu.memory_space<hbm>>
    tpu.wait_dma2 semaphore(%arg23 : memref<!tpu.dma_semaphore, #tpu.memory_space<semaphore_mem>>) src(%dma_wait3A_95 : memref<512xi32, #tpu.memory_space<hbm>>) dst(%dma_wait3A_94 : memref<512xi32, #tpu.memory_space<vmem>>)
    %dma_wait3A_96 = arith.constant 4 : i32
    %dma_wait3A_97 = arith.constant 0 : i32
    %dma_wait3A_98 = tpu.memref_slice %arg13[%dma_wait3A_96, %dma_wait3A_97] : memref<5x512xi32, #tpu.memory_space<vmem>> -> memref<1x512xi32, #tpu.memory_space<vmem>>
    %dma_wait3A_99 = tpu.memref_squeeze %dma_wait3A_98 : memref<1x512xi32, #tpu.memory_space<vmem>> -> memref<512xi32, #tpu.memory_space<vmem>>
    %dma_wait3A_100 = tpu.memref_slice %arg6[%mul3A_2] : memref<16384xi32, #tpu.memory_space<hbm>> -> memref<512xi32, #tpu.memory_space<hbm>>
    %dma_wait3A_101 = arith.constant 0 : i32
    %dma_wait3A_102 = tpu.memref_slice %arg13[%dma_wait3A_96, %dma_wait3A_101] : memref<5x512xi32, #tpu.memory_space<vmem>> -> memref<1x512xi32, #tpu.memory_space<vmem>>
    %dma_wait3A_103 = tpu.memref_squeeze %dma_wait3A_102 : memref<1x512xi32, #tpu.memory_space<vmem>> -> memref<512xi32, #tpu.memory_space<vmem>>
    %dma_wait3A_104 = tpu.memref_slice %arg6[%mul3A_2] : memref<16384xi32, #tpu.memory_space<hbm>> -> memref<512xi32, #tpu.memory_space<hbm>>
    tpu.wait_dma2 semaphore(%arg23 : memref<!tpu.dma_semaphore, #tpu.memory_space<semaphore_mem>>) src(%dma_wait3A_104 : memref<512xi32, #tpu.memory_space<hbm>>) dst(%dma_wait3A_103 : memref<512xi32, #tpu.memory_space<vmem>>)
    tpu.wait_dma2 semaphore(%arg23 : memref<!tpu.dma_semaphore, #tpu.memory_space<semaphore_mem>>) src(%arg8 : memref<11x64xf32, #tpu.memory_space<hbm>>) dst(%arg14 : memref<11x64xf32, #tpu.memory_space<vmem>>)
    tpu.wait_dma2 semaphore(%arg23 : memref<!tpu.dma_semaphore, #tpu.memory_space<semaphore_mem>>) src(%arg10 : memref<17x64xf32, #tpu.memory_space<hbm>>) dst(%arg15 : memref<17x64xf32, #tpu.memory_space<vmem>>)
    tpu.wait_dma2 semaphore(%arg23 : memref<!tpu.dma_semaphore, #tpu.memory_space<semaphore_mem>>) src(%arg11 : memref<81x64xf32, #tpu.memory_space<hbm>>) dst(%arg16 : memref<81x64xf32, #tpu.memory_space<vmem>>)
    %scan3A = arith.constant 0 : i32
    %scan3A_105 = arith.constant 0 : i32
    %scan3A_106 = arith.constant 32 : i32
    %scan3A_107 = arith.addi %scan3A_105, %scan3A_106 : i32
    %scan3A_108 = arith.constant 1 : i32
    scf.for %scan3A_238 = %scan3A_105 to %scan3A_107 step %scan3A_108  : i32 {
      %mul3A_239 = arith.constant 4 : i32
      %mul3A_240 = arith.muli %scan3A_238, %mul3A_239 : i32
      %add3A_241 = arith.constant 0 : i32
      %add3A_242 = arith.addi %mul3A_240, %add3A_241 : i32
      %add3A_243 = arith.constant 0 : i32
      %add3A_244 = arith.addi %add3A_243, %add3A_242 : i32
      %get3A = arith.constant 2 : i32
      %get3A_245 = arith.index_cast %get3A : i32 to index
      %get3A_246 = arith.index_cast %add3A_244 : i32 to index
      %get3A_247 = tpu.vector_load %arg13[%get3A_245, %get3A_246] {strides = array<i32>} : memref<5x512xi32, #tpu.memory_space<vmem>>, vector<1x1xi32>,
      %get3A_248 = vector.shape_cast %get3A_247 : vector<1x1xi32> to vector<1xi32>
      %squeeze3A = vector.extract %get3A_248[0] : i32 from vector<1xi32>
      %get3A_249 = arith.index_cast %squeeze3A : i32 to index
      %get3A_250 = arith.constant 0 : index
      %get3A_251 = tpu.vector_load %arg14[%get3A_249, %get3A_250] {strides = array<i32>} : memref<11x64xf32, #tpu.memory_space<vmem>>, vector<1x16xf32>,
      %get3A_252 = vector.shape_cast %get3A_251 : vector<1x16xf32> to vector<16xf32>
      %swap3A = arith.index_cast %add3A_242 : i32 to index
      %swap3A_253 = arith.constant 0 : index
      %swap3A_254 = tpu.vector_load %arg19[%swap3A, %swap3A_253] {strides = array<i32>} : memref<128x64xf32, #tpu.memory_space<vmem>>, vector<1x16xf32>,
      %swap3A_255 = vector.shape_cast %swap3A_254 : vector<1x16xf32> to vector<16xf32>
      %swap3A_256 = vector.shape_cast %get3A_252 : vector<16xf32> to vector<1x16xf32>
      tpu.vector_store %arg19[%swap3A, %swap3A_253], %swap3A_256 {strides = array<i32>} : memref<128x64xf32, #tpu.memory_space<vmem>>, vector<1x16xf32>,
      %get3A_257 = arith.index_cast %squeeze3A : i32 to index
      %get3A_258 = arith.constant 16 : index
      %get3A_259 = tpu.vector_load %arg14[%get3A_257, %get3A_258] {strides = array<i32>} : memref<11x64xf32, #tpu.memory_space<vmem>>, vector<1x16xf32>,
      %get3A_260 = vector.shape_cast %get3A_259 : vector<1x16xf32> to vector<16xf32>
      %swap3A_261 = arith.index_cast %add3A_242 : i32 to index
      %swap3A_262 = arith.constant 16 : index
      %swap3A_263 = tpu.vector_load %arg19[%swap3A_261, %swap3A_262] {strides = array<i32>} : memref<128x64xf32, #tpu.memory_space<vmem>>, vector<1x16xf32>,
      %swap3A_264 = vector.shape_cast %swap3A_263 : vector<1x16xf32> to vector<16xf32>
      %swap3A_265 = vector.shape_cast %get3A_260 : vector<16xf32> to vector<1x16xf32>
      tpu.vector_store %arg19[%swap3A_261, %swap3A_262], %swap3A_265 {strides = array<i32>} : memref<128x64xf32, #tpu.memory_space<vmem>>, vector<1x16xf32>,
      %get3A_266 = arith.index_cast %squeeze3A : i32 to index
      %get3A_267 = arith.constant 32 : index
      %get3A_268 = tpu.vector_load %arg14[%get3A_266, %get3A_267] {strides = array<i32>} : memref<11x64xf32, #tpu.memory_space<vmem>>, vector<1x16xf32>,
      %get3A_269 = vector.shape_cast %get3A_268 : vector<1x16xf32> to vector<16xf32>
      %swap3A_270 = arith.index_cast %add3A_242 : i32 to index
      %swap3A_271 = arith.constant 32 : index
      %swap3A_272 = tpu.vector_load %arg19[%swap3A_270, %swap3A_271] {strides = array<i32>} : memref<128x64xf32, #tpu.memory_space<vmem>>, vector<1x16xf32>,
      %swap3A_273 = vector.shape_cast %swap3A_272 : vector<1x16xf32> to vector<16xf32>
      %swap3A_274 = vector.shape_cast %get3A_269 : vector<16xf32> to vector<1x16xf32>
      tpu.vector_store %arg19[%swap3A_270, %swap3A_271], %swap3A_274 {strides = array<i32>} : memref<128x64xf32, #tpu.memory_space<vmem>>, vector<1x16xf32>,
      %get3A_275 = arith.index_cast %squeeze3A : i32 to index
      %get3A_276 = arith.constant 48 : index
      %get3A_277 = tpu.vector_load %arg14[%get3A_275, %get3A_276] {strides = array<i32>} : memref<11x64xf32, #tpu.memory_space<vmem>>, vector<1x16xf32>,
      %get3A_278 = vector.shape_cast %get3A_277 : vector<1x16xf32> to vector<16xf32>
      %swap3A_279 = arith.index_cast %add3A_242 : i32 to index
      %swap3A_280 = arith.constant 48 : index
      %swap3A_281 = tpu.vector_load %arg19[%swap3A_279, %swap3A_280] {strides = array<i32>} : memref<128x64xf32, #tpu.memory_space<vmem>>, vector<1x16xf32>,
      %swap3A_282 = vector.shape_cast %swap3A_281 : vector<1x16xf32> to vector<16xf32>
      %swap3A_283 = vector.shape_cast %get3A_278 : vector<16xf32> to vector<1x16xf32>
      tpu.vector_store %arg19[%swap3A_279, %swap3A_280], %swap3A_283 {strides = array<i32>} : memref<128x64xf32, #tpu.memory_space<vmem>>, vector<1x16xf32>,
      %add3A_284 = arith.constant 0 : i32
      %add3A_285 = arith.addi %add3A_284, %add3A_242 : i32
      %get3A_286 = arith.constant 3 : i32
      %get3A_287 = arith.index_cast %get3A_286 : i32 to index
      %get3A_288 = arith.index_cast %add3A_285 : i32 to index
      %get3A_289 = tpu.vector_load %arg13[%get3A_287, %get3A_288] {strides = array<i32>} : memref<5x512xi32, #tpu.memory_space<vmem>>, vector<1x1xi32>,
      %get3A_290 = vector.shape_cast %get3A_289 : vector<1x1xi32> to vector<1xi32>
      %squeeze3A_291 = vector.extract %get3A_290[0] : i32 from vector<1xi32>
      %get3A_292 = arith.index_cast %squeeze3A_291 : i32 to index
      %get3A_293 = arith.constant 0 : index
      %get3A_294 = tpu.vector_load %arg15[%get3A_292, %get3A_293] {strides = array<i32>} : memref<17x64xf32, #tpu.memory_space<vmem>>, vector<1x16xf32>,
      %get3A_295 = vector.shape_cast %get3A_294 : vector<1x16xf32> to vector<16xf32>
      %swap3A_296 = arith.index_cast %add3A_242 : i32 to index
      %swap3A_297 = arith.constant 0 : index
      %swap3A_298 = tpu.vector_load %arg20[%swap3A_296, %swap3A_297] {strides = array<i32>} : memref<128x128xf32, #tpu.memory_space<vmem>>, vector<1x16xf32>,
      %swap3A_299 = vector.shape_cast %swap3A_298 : vector<1x16xf32> to vector<16xf32>
      %swap3A_300 = vector.shape_cast %get3A_295 : vector<16xf32> to vector<1x16xf32>
      tpu.vector_store %arg20[%swap3A_296, %swap3A_297], %swap3A_300 {strides = array<i32>} : memref<128x128xf32, #tpu.memory_space<vmem>>, vector<1x16xf32>,
      %get3A_301 = arith.index_cast %squeeze3A_291 : i32 to index
      %get3A_302 = arith.constant 16 : index
      %get3A_303 = tpu.vector_load %arg15[%get3A_301, %get3A_302] {strides = array<i32>} : memref<17x64xf32, #tpu.memory_space<vmem>>, vector<1x16xf32>,
      %get3A_304 = vector.shape_cast %get3A_303 : vector<1x16xf32> to vector<16xf32>
      %swap3A_305 = arith.index_cast %add3A_242 : i32 to index
      %swap3A_306 = arith.constant 16 : index
      %swap3A_307 = tpu.vector_load %arg20[%swap3A_305, %swap3A_306] {strides = array<i32>} : memref<128x128xf32, #tpu.memory_space<vmem>>, vector<1x16xf32>,
      %swap3A_308 = vector.shape_cast %swap3A_307 : vector<1x16xf32> to vector<16xf32>
      %swap3A_309 = vector.shape_cast %get3A_304 : vector<16xf32> to vector<1x16xf32>
      tpu.vector_store %arg20[%swap3A_305, %swap3A_306], %swap3A_309 {strides = array<i32>} : memref<128x128xf32, #tpu.memory_space<vmem>>, vector<1x16xf32>,
      %get3A_310 = arith.index_cast %squeeze3A_291 : i32 to index
      %get3A_311 = arith.constant 32 : index
      %get3A_312 = tpu.vector_load %arg15[%get3A_310, %get3A_311] {strides = array<i32>} : memref<17x64xf32, #tpu.memory_space<vmem>>, vector<1x16xf32>,
      %get3A_313 = vector.shape_cast %get3A_312 : vector<1x16xf32> to vector<16xf32>
      %swap3A_314 = arith.index_cast %add3A_242 : i32 to index
      %swap3A_315 = arith.constant 32 : index
      %swap3A_316 = tpu.vector_load %arg20[%swap3A_314, %swap3A_315] {strides = array<i32>} : memref<128x128xf32, #tpu.memory_space<vmem>>, vector<1x16xf32>,
      %swap3A_317 = vector.shape_cast %swap3A_316 : vector<1x16xf32> to vector<16xf32>
      %swap3A_318 = vector.shape_cast %get3A_313 : vector<16xf32> to vector<1x16xf32>
      tpu.vector_store %arg20[%swap3A_314, %swap3A_315], %swap3A_318 {strides = array<i32>} : memref<128x128xf32, #tpu.memory_space<vmem>>, vector<1x16xf32>,
      %get3A_319 = arith.index_cast %squeeze3A_291 : i32 to index
      %get3A_320 = arith.constant 48 : index
      %get3A_321 = tpu.vector_load %arg15[%get3A_319, %get3A_320] {strides = array<i32>} : memref<17x64xf32, #tpu.memory_space<vmem>>, vector<1x16xf32>,
      %get3A_322 = vector.shape_cast %get3A_321 : vector<1x16xf32> to vector<16xf32>
      %swap3A_323 = arith.index_cast %add3A_242 : i32 to index
      %swap3A_324 = arith.constant 48 : index
      %swap3A_325 = tpu.vector_load %arg20[%swap3A_323, %swap3A_324] {strides = array<i32>} : memref<128x128xf32, #tpu.memory_space<vmem>>, vector<1x16xf32>,
      %swap3A_326 = vector.shape_cast %swap3A_325 : vector<1x16xf32> to vector<16xf32>
      %swap3A_327 = vector.shape_cast %get3A_322 : vector<16xf32> to vector<1x16xf32>
      tpu.vector_store %arg20[%swap3A_323, %swap3A_324], %swap3A_327 {strides = array<i32>} : memref<128x128xf32, #tpu.memory_space<vmem>>, vector<1x16xf32>,
      %add3A_328 = arith.constant 0 : i32
      %add3A_329 = arith.addi %add3A_328, %add3A_242 : i32
      %get3A_330 = arith.constant 4 : i32
      %get3A_331 = arith.index_cast %get3A_330 : i32 to index
      %get3A_332 = arith.index_cast %add3A_329 : i32 to index
      %get3A_333 = tpu.vector_load %arg13[%get3A_331, %get3A_332] {strides = array<i32>} : memref<5x512xi32, #tpu.memory_space<vmem>>, vector<1x1xi32>,
      %get3A_334 = vector.shape_cast %get3A_333 : vector<1x1xi32> to vector<1xi32>
      %squeeze3A_335 = vector.extract %get3A_334[0] : i32 from vector<1xi32>
      %get3A_336 = arith.index_cast %squeeze3A_335 : i32 to index
      %get3A_337 = arith.constant 0 : index
      %get3A_338 = tpu.vector_load %arg16[%get3A_336, %get3A_337] {strides = array<i32>} : memref<81x64xf32, #tpu.memory_space<vmem>>, vector<1x16xf32>,
      %get3A_339 = vector.shape_cast %get3A_338 : vector<1x16xf32> to vector<16xf32>
      %swap3A_340 = arith.index_cast %add3A_242 : i32 to index
      %swap3A_341 = arith.constant 64 : index
      %swap3A_342 = tpu.vector_load %arg20[%swap3A_340, %swap3A_341] {strides = array<i32>} : memref<128x128xf32, #tpu.memory_space<vmem>>, vector<1x16xf32>,
      %swap3A_343 = vector.shape_cast %swap3A_342 : vector<1x16xf32> to vector<16xf32>
      %swap3A_344 = vector.shape_cast %get3A_339 : vector<16xf32> to vector<1x16xf32>
      tpu.vector_store %arg20[%swap3A_340, %swap3A_341], %swap3A_344 {strides = array<i32>} : memref<128x128xf32, #tpu.memory_space<vmem>>, vector<1x16xf32>,
      %get3A_345 = arith.index_cast %squeeze3A_335 : i32 to index
      %get3A_346 = arith.constant 16 : index
      %get3A_347 = tpu.vector_load %arg16[%get3A_345, %get3A_346] {strides = array<i32>} : memref<81x64xf32, #tpu.memory_space<vmem>>, vector<1x16xf32>,
      %get3A_348 = vector.shape_cast %get3A_347 : vector<1x16xf32> to vector<16xf32>
      %swap3A_349 = arith.index_cast %add3A_242 : i32 to index
      %swap3A_350 = arith.constant 80 : index
      %swap3A_351 = tpu.vector_load %arg20[%swap3A_349, %swap3A_350] {strides = array<i32>} : memref<128x128xf32, #tpu.memory_space<vmem>>, vector<1x16xf32>,
      %swap3A_352 = vector.shape_cast %swap3A_351 : vector<1x16xf32> to vector<16xf32>
      %swap3A_353 = vector.shape_cast %get3A_348 : vector<16xf32> to vector<1x16xf32>
      tpu.vector_store %arg20[%swap3A_349, %swap3A_350], %swap3A_353 {strides = array<i32>} : memref<128x128xf32, #tpu.memory_space<vmem>>, vector<1x16xf32>,
      %get3A_354 = arith.index_cast %squeeze3A_335 : i32 to index
      %get3A_355 = arith.constant 32 : index
      %get3A_356 = tpu.vector_load %arg16[%get3A_354, %get3A_355] {strides = array<i32>} : memref<81x64xf32, #tpu.memory_space<vmem>>, vector<1x16xf32>,
      %get3A_357 = vector.shape_cast %get3A_356 : vector<1x16xf32> to vector<16xf32>
      %swap3A_358 = arith.index_cast %add3A_242 : i32 to index
      %swap3A_359 = arith.constant 96 : index
      %swap3A_360 = tpu.vector_load %arg20[%swap3A_358, %swap3A_359] {strides = array<i32>} : memref<128x128xf32, #tpu.memory_space<vmem>>, vector<1x16xf32>,
      %swap3A_361 = vector.shape_cast %swap3A_360 : vector<1x16xf32> to vector<16xf32>
      %swap3A_362 = vector.shape_cast %get3A_357 : vector<16xf32> to vector<1x16xf32>
      tpu.vector_store %arg20[%swap3A_358, %swap3A_359], %swap3A_362 {strides = array<i32>} : memref<128x128xf32, #tpu.memory_space<vmem>>, vector<1x16xf32>,
      %get3A_363 = arith.index_cast %squeeze3A_335 : i32 to index
      %get3A_364 = arith.constant 48 : index
      %get3A_365 = tpu.vector_load %arg16[%get3A_363, %get3A_364] {strides = array<i32>} : memref<81x64xf32, #tpu.memory_space<vmem>>, vector<1x16xf32>,
      %get3A_366 = vector.shape_cast %get3A_365 : vector<1x16xf32> to vector<16xf32>
      %swap3A_367 = arith.index_cast %add3A_242 : i32 to index
      %swap3A_368 = arith.constant 112 : index
      %swap3A_369 = tpu.vector_load %arg20[%swap3A_367, %swap3A_368] {strides = array<i32>} : memref<128x128xf32, #tpu.memory_space<vmem>>, vector<1x16xf32>,
      %swap3A_370 = vector.shape_cast %swap3A_369 : vector<1x16xf32> to vector<16xf32>
      %swap3A_371 = vector.shape_cast %get3A_366 : vector<16xf32> to vector<1x16xf32>
      tpu.vector_store %arg20[%swap3A_367, %swap3A_368], %swap3A_371 {strides = array<i32>} : memref<128x128xf32, #tpu.memory_space<vmem>>, vector<1x16xf32>,
      %mul3A_372 = arith.constant 4 : i32
      %mul3A_373 = arith.muli %scan3A_238, %mul3A_372 : i32
      %add3A_374 = arith.constant 1 : i32
      %add3A_375 = arith.addi %mul3A_373, %add3A_374 : i32
      %add3A_376 = arith.constant 0 : i32
      %add3A_377 = arith.addi %add3A_376, %add3A_375 : i32
      %get3A_378 = arith.constant 2 : i32
      %get3A_379 = arith.index_cast %get3A_378 : i32 to index
      %get3A_380 = arith.index_cast %add3A_377 : i32 to index
      %get3A_381 = tpu.vector_load %arg13[%get3A_379, %get3A_380] {strides = array<i32>} : memref<5x512xi32, #tpu.memory_space<vmem>>, vector<1x1xi32>,
      %get3A_382 = vector.shape_cast %get3A_381 : vector<1x1xi32> to vector<1xi32>
      %squeeze3A_383 = vector.extract %get3A_382[0] : i32 from vector<1xi32>
      %get3A_384 = arith.index_cast %squeeze3A_383 : i32 to index
      %get3A_385 = arith.constant 0 : index
      %get3A_386 = tpu.vector_load %arg14[%get3A_384, %get3A_385] {strides = array<i32>} : memref<11x64xf32, #tpu.memory_space<vmem>>, vector<1x16xf32>,
      %get3A_387 = vector.shape_cast %get3A_386 : vector<1x16xf32> to vector<16xf32>
      %swap3A_388 = arith.index_cast %add3A_375 : i32 to index
      %swap3A_389 = arith.constant 0 : index
      %swap3A_390 = tpu.vector_load %arg19[%swap3A_388, %swap3A_389] {strides = array<i32>} : memref<128x64xf32, #tpu.memory_space<vmem>>, vector<1x16xf32>,
      %swap3A_391 = vector.shape_cast %swap3A_390 : vector<1x16xf32> to vector<16xf32>
      %swap3A_392 = vector.shape_cast %get3A_387 : vector<16xf32> to vector<1x16xf32>
      tpu.vector_store %arg19[%swap3A_388, %swap3A_389], %swap3A_392 {strides = array<i32>} : memref<128x64xf32, #tpu.memory_space<vmem>>, vector<1x16xf32>,
      %get3A_393 = arith.index_cast %squeeze3A_383 : i32 to index
      %get3A_394 = arith.constant 16 : index
      %get3A_395 = tpu.vector_load %arg14[%get3A_393, %get3A_394] {strides = array<i32>} : memref<11x64xf32, #tpu.memory_space<vmem>>, vector<1x16xf32>,
      %get3A_396 = vector.shape_cast %get3A_395 : vector<1x16xf32> to vector<16xf32>
      %swap3A_397 = arith.index_cast %add3A_375 : i32 to index
      %swap3A_398 = arith.constant 16 : index
      %swap3A_399 = tpu.vector_load %arg19[%swap3A_397, %swap3A_398] {strides = array<i32>} : memref<128x64xf32, #tpu.memory_space<vmem>>, vector<1x16xf32>,
      %swap3A_400 = vector.shape_cast %swap3A_399 : vector<1x16xf32> to vector<16xf32>
      %swap3A_401 = vector.shape_cast %get3A_396 : vector<16xf32> to vector<1x16xf32>
      tpu.vector_store %arg19[%swap3A_397, %swap3A_398], %swap3A_401 {strides = array<i32>} : memref<128x64xf32, #tpu.memory_space<vmem>>, vector<1x16xf32>,
      %get3A_402 = arith.index_cast %squeeze3A_383 : i32 to index
      %get3A_403 = arith.constant 32 : index
      %get3A_404 = tpu.vector_load %arg14[%get3A_402, %get3A_403] {strides = array<i32>} : memref<11x64xf32, #tpu.memory_space<vmem>>, vector<1x16xf32>,
      %get3A_405 = vector.shape_cast %get3A_404 : vector<1x16xf32> to vector<16xf32>
      %swap3A_406 = arith.index_cast %add3A_375 : i32 to index
      %swap3A_407 = arith.constant 32 : index
      %swap3A_408 = tpu.vector_load %arg19[%swap3A_406, %swap3A_407] {strides = array<i32>} : memref<128x64xf32, #tpu.memory_space<vmem>>, vector<1x16xf32>,
      %swap3A_409 = vector.shape_cast %swap3A_408 : vector<1x16xf32> to vector<16xf32>
      %swap3A_410 = vector.shape_cast %get3A_405 : vector<16xf32> to vector<1x16xf32>
      tpu.vector_store %arg19[%swap3A_406, %swap3A_407], %swap3A_410 {strides = array<i32>} : memref<128x64xf32, #tpu.memory_space<vmem>>, vector<1x16xf32>,
      %get3A_411 = arith.index_cast %squeeze3A_383 : i32 to index
      %get3A_412 = arith.constant 48 : index
      %get3A_413 = tpu.vector_load %arg14[%get3A_411, %get3A_412] {strides = array<i32>} : memref<11x64xf32, #tpu.memory_space<vmem>>, vector<1x16xf32>,
      %get3A_414 = vector.shape_cast %get3A_413 : vector<1x16xf32> to vector<16xf32>
      %swap3A_415 = arith.index_cast %add3A_375 : i32 to index
      %swap3A_416 = arith.constant 48 : index
      %swap3A_417 = tpu.vector_load %arg19[%swap3A_415, %swap3A_416] {strides = array<i32>} : memref<128x64xf32, #tpu.memory_space<vmem>>, vector<1x16xf32>,
      %swap3A_418 = vector.shape_cast %swap3A_417 : vector<1x16xf32> to vector<16xf32>
      %swap3A_419 = vector.shape_cast %get3A_414 : vector<16xf32> to vector<1x16xf32>
      tpu.vector_store %arg19[%swap3A_415, %swap3A_416], %swap3A_419 {strides = array<i32>} : memref<128x64xf32, #tpu.memory_space<vmem>>, vector<1x16xf32>,
      %add3A_420 = arith.constant 0 : i32
      %add3A_421 = arith.addi %add3A_420, %add3A_375 : i32
      %get3A_422 = arith.constant 3 : i32
      %get3A_423 = arith.index_cast %get3A_422 : i32 to index
      %get3A_424 = arith.index_cast %add3A_421 : i32 to index
      %get3A_425 = tpu.vector_load %arg13[%get3A_423, %get3A_424] {strides = array<i32>} : memref<5x512xi32, #tpu.memory_space<vmem>>, vector<1x1xi32>,
      %get3A_426 = vector.shape_cast %get3A_425 : vector<1x1xi32> to vector<1xi32>
      %squeeze3A_427 = vector.extract %get3A_426[0] : i32 from vector<1xi32>
      %get3A_428 = arith.index_cast %squeeze3A_427 : i32 to index
      %get3A_429 = arith.constant 0 : index
      %get3A_430 = tpu.vector_load %arg15[%get3A_428, %get3A_429] {strides = array<i32>} : memref<17x64xf32, #tpu.memory_space<vmem>>, vector<1x16xf32>,
      %get3A_431 = vector.shape_cast %get3A_430 : vector<1x16xf32> to vector<16xf32>
      %swap3A_432 = arith.index_cast %add3A_375 : i32 to index
      %swap3A_433 = arith.constant 0 : index
      %swap3A_434 = tpu.vector_load %arg20[%swap3A_432, %swap3A_433] {strides = array<i32>} : memref<128x128xf32, #tpu.memory_space<vmem>>, vector<1x16xf32>,
      %swap3A_435 = vector.shape_cast %swap3A_434 : vector<1x16xf32> to vector<16xf32>
      %swap3A_436 = vector.shape_cast %get3A_431 : vector<16xf32> to vector<1x16xf32>
      tpu.vector_store %arg20[%swap3A_432, %swap3A_433], %swap3A_436 {strides = array<i32>} : memref<128x128xf32, #tpu.memory_space<vmem>>, vector<1x16xf32>,
      %get3A_437 = arith.index_cast %squeeze3A_427 : i32 to index
      %get3A_438 = arith.constant 16 : index
      %get3A_439 = tpu.vector_load %arg15[%get3A_437, %get3A_438] {strides = array<i32>} : memref<17x64xf32, #tpu.memory_space<vmem>>, vector<1x16xf32>,
      %get3A_440 = vector.shape_cast %get3A_439 : vector<1x16xf32> to vector<16xf32>
      %swap3A_441 = arith.index_cast %add3A_375 : i32 to index
      %swap3A_442 = arith.constant 16 : index
      %swap3A_443 = tpu.vector_load %arg20[%swap3A_441, %swap3A_442] {strides = array<i32>} : memref<128x128xf32, #tpu.memory_space<vmem>>, vector<1x16xf32>,
      %swap3A_444 = vector.shape_cast %swap3A_443 : vector<1x16xf32> to vector<16xf32>
      %swap3A_445 = vector.shape_cast %get3A_440 : vector<16xf32> to vector<1x16xf32>
      tpu.vector_store %arg20[%swap3A_441, %swap3A_442], %swap3A_445 {strides = array<i32>} : memref<128x128xf32, #tpu.memory_space<vmem>>, vector<1x16xf32>,
      %get3A_446 = arith.index_cast %squeeze3A_427 : i32 to index
      %get3A_447 = arith.constant 32 : index
      %get3A_448 = tpu.vector_load %arg15[%get3A_446, %get3A_447] {strides = array<i32>} : memref<17x64xf32, #tpu.memory_space<vmem>>, vector<1x16xf32>,
      %get3A_449 = vector.shape_cast %get3A_448 : vector<1x16xf32> to vector<16xf32>
      %swap3A_450 = arith.index_cast %add3A_375 : i32 to index
      %swap3A_451 = arith.constant 32 : index
      %swap3A_452 = tpu.vector_load %arg20[%swap3A_450, %swap3A_451] {strides = array<i32>} : memref<128x128xf32, #tpu.memory_space<vmem>>, vector<1x16xf32>,
      %swap3A_453 = vector.shape_cast %swap3A_452 : vector<1x16xf32> to vector<16xf32>
      %swap3A_454 = vector.shape_cast %get3A_449 : vector<16xf32> to vector<1x16xf32>
      tpu.vector_store %arg20[%swap3A_450, %swap3A_451], %swap3A_454 {strides = array<i32>} : memref<128x128xf32, #tpu.memory_space<vmem>>, vector<1x16xf32>,
      %get3A_455 = arith.index_cast %squeeze3A_427 : i32 to index
      %get3A_456 = arith.constant 48 : index
      %get3A_457 = tpu.vector_load %arg15[%get3A_455, %get3A_456] {strides = array<i32>} : memref<17x64xf32, #tpu.memory_space<vmem>>, vector<1x16xf32>,
      %get3A_458 = vector.shape_cast %get3A_457 : vector<1x16xf32> to vector<16xf32>
      %swap3A_459 = arith.index_cast %add3A_375 : i32 to index
      %swap3A_460 = arith.constant 48 : index
      %swap3A_461 = tpu.vector_load %arg20[%swap3A_459, %swap3A_460] {strides = array<i32>} : memref<128x128xf32, #tpu.memory_space<vmem>>, vector<1x16xf32>,
      %swap3A_462 = vector.shape_cast %swap3A_461 : vector<1x16xf32> to vector<16xf32>
      %swap3A_463 = vector.shape_cast %get3A_458 : vector<16xf32> to vector<1x16xf32>
      tpu.vector_store %arg20[%swap3A_459, %swap3A_460], %swap3A_463 {strides = array<i32>} : memref<128x128xf32, #tpu.memory_space<vmem>>, vector<1x16xf32>,
      %add3A_464 = arith.constant 0 : i32
      %add3A_465 = arith.addi %add3A_464, %add3A_375 : i32
      %get3A_466 = arith.constant 4 : i32
      %get3A_467 = arith.index_cast %get3A_466 : i32 to index
      %get3A_468 = arith.index_cast %add3A_465 : i32 to index
      %get3A_469 = tpu.vector_load %arg13[%get3A_467, %get3A_468] {strides = array<i32>} : memref<5x512xi32, #tpu.memory_space<vmem>>, vector<1x1xi32>,
      %get3A_470 = vector.shape_cast %get3A_469 : vector<1x1xi32> to vector<1xi32>
      %squeeze3A_471 = vector.extract %get3A_470[0] : i32 from vector<1xi32>
      %get3A_472 = arith.index_cast %squeeze3A_471 : i32 to index
      %get3A_473 = arith.constant 0 : index
      %get3A_474 = tpu.vector_load %arg16[%get3A_472, %get3A_473] {strides = array<i32>} : memref<81x64xf32, #tpu.memory_space<vmem>>, vector<1x16xf32>,
      %get3A_475 = vector.shape_cast %get3A_474 : vector<1x16xf32> to vector<16xf32>
      %swap3A_476 = arith.index_cast %add3A_375 : i32 to index
      %swap3A_477 = arith.constant 64 : index
      %swap3A_478 = tpu.vector_load %arg20[%swap3A_476, %swap3A_477] {strides = array<i32>} : memref<128x128xf32, #tpu.memory_space<vmem>>, vector<1x16xf32>,
      %swap3A_479 = vector.shape_cast %swap3A_478 : vector<1x16xf32> to vector<16xf32>
      %swap3A_480 = vector.shape_cast %get3A_475 : vector<16xf32> to vector<1x16xf32>
      tpu.vector_store %arg20[%swap3A_476, %swap3A_477], %swap3A_480 {strides = array<i32>} : memref<128x128xf32, #tpu.memory_space<vmem>>, vector<1x16xf32>,
      %get3A_481 = arith.index_cast %squeeze3A_471 : i32 to index
      %get3A_482 = arith.constant 16 : index
      %get3A_483 = tpu.vector_load %arg16[%get3A_481, %get3A_482] {strides = array<i32>} : memref<81x64xf32, #tpu.memory_space<vmem>>, vector<1x16xf32>,
      %get3A_484 = vector.shape_cast %get3A_483 : vector<1x16xf32> to vector<16xf32>
      %swap3A_485 = arith.index_cast %add3A_375 : i32 to index
      %swap3A_486 = arith.constant 80 : index
      %swap3A_487 = tpu.vector_load %arg20[%swap3A_485, %swap3A_486] {strides = array<i32>} : memref<128x128xf32, #tpu.memory_space<vmem>>, vector<1x16xf32>,
      %swap3A_488 = vector.shape_cast %swap3A_487 : vector<1x16xf32> to vector<16xf32>
      %swap3A_489 = vector.shape_cast %get3A_484 : vector<16xf32> to vector<1x16xf32>
      tpu.vector_store %arg20[%swap3A_485, %swap3A_486], %swap3A_489 {strides = array<i32>} : memref<128x128xf32, #tpu.memory_space<vmem>>, vector<1x16xf32>,
      %get3A_490 = arith.index_cast %squeeze3A_471 : i32 to index
      %get3A_491 = arith.constant 32 : index
      %get3A_492 = tpu.vector_load %arg16[%get3A_490, %get3A_491] {strides = array<i32>} : memref<81x64xf32, #tpu.memory_space<vmem>>, vector<1x16xf32>,
      %get3A_493 = vector.shape_cast %get3A_492 : vector<1x16xf32> to vector<16xf32>
      %swap3A_494 = arith.index_cast %add3A_375 : i32 to index
      %swap3A_495 = arith.constant 96 : index
      %swap3A_496 = tpu.vector_load %arg20[%swap3A_494, %swap3A_495] {strides = array<i32>} : memref<128x128xf32, #tpu.memory_space<vmem>>, vector<1x16xf32>,
      %swap3A_497 = vector.shape_cast %swap3A_496 : vector<1x16xf32> to vector<16xf32>
      %swap3A_498 = vector.shape_cast %get3A_493 : vector<16xf32> to vector<1x16xf32>
      tpu.vector_store %arg20[%swap3A_494, %swap3A_495], %swap3A_498 {strides = array<i32>} : memref<128x128xf32, #tpu.memory_space<vmem>>, vector<1x16xf32>,
      %get3A_499 = arith.index_cast %squeeze3A_471 : i32 to index
      %get3A_500 = arith.constant 48 : index
      %get3A_501 = tpu.vector_load %arg16[%get3A_499, %get3A_500] {strides = array<i32>} : memref<81x64xf32, #tpu.memory_space<vmem>>, vector<1x16xf32>,
      %get3A_502 = vector.shape_cast %get3A_501 : vector<1x16xf32> to vector<16xf32>
      %swap3A_503 = arith.index_cast %add3A_375 : i32 to index
      %swap3A_504 = arith.constant 112 : index
      %swap3A_505 = tpu.vector_load %arg20[%swap3A_503, %swap3A_504] {strides = array<i32>} : memref<128x128xf32, #tpu.memory_space<vmem>>, vector<1x16xf32>,
      %swap3A_506 = vector.shape_cast %swap3A_505 : vector<1x16xf32> to vector<16xf32>
      %swap3A_507 = vector.shape_cast %get3A_502 : vector<16xf32> to vector<1x16xf32>
      tpu.vector_store %arg20[%swap3A_503, %swap3A_504], %swap3A_507 {strides = array<i32>} : memref<128x128xf32, #tpu.memory_space<vmem>>, vector<1x16xf32>,
      %mul3A_508 = arith.constant 4 : i32
      %mul3A_509 = arith.muli %scan3A_238, %mul3A_508 : i32
      %add3A_510 = arith.constant 2 : i32
      %add3A_511 = arith.addi %mul3A_509, %add3A_510 : i32
      %add3A_512 = arith.constant 0 : i32
      %add3A_513 = arith.addi %add3A_512, %add3A_511 : i32
      %get3A_514 = arith.constant 2 : i32
      %get3A_515 = arith.index_cast %get3A_514 : i32 to index
      %get3A_516 = arith.index_cast %add3A_513 : i32 to index
      %get3A_517 = tpu.vector_load %arg13[%get3A_515, %get3A_516] {strides = array<i32>} : memref<5x512xi32, #tpu.memory_space<vmem>>, vector<1x1xi32>,
      %get3A_518 = vector.shape_cast %get3A_517 : vector<1x1xi32> to vector<1xi32>
      %squeeze3A_519 = vector.extract %get3A_518[0] : i32 from vector<1xi32>
      %get3A_520 = arith.index_cast %squeeze3A_519 : i32 to index
      %get3A_521 = arith.constant 0 : index
      %get3A_522 = tpu.vector_load %arg14[%get3A_520, %get3A_521] {strides = array<i32>} : memref<11x64xf32, #tpu.memory_space<vmem>>, vector<1x16xf32>,
      %get3A_523 = vector.shape_cast %get3A_522 : vector<1x16xf32> to vector<16xf32>
      %swap3A_524 = arith.index_cast %add3A_511 : i32 to index
      %swap3A_525 = arith.constant 0 : index
      %swap3A_526 = tpu.vector_load %arg19[%swap3A_524, %swap3A_525] {strides = array<i32>} : memref<128x64xf32, #tpu.memory_space<vmem>>, vector<1x16xf32>,
      %swap3A_527 = vector.shape_cast %swap3A_526 : vector<1x16xf32> to vector<16xf32>
      %swap3A_528 = vector.shape_cast %get3A_523 : vector<16xf32> to vector<1x16xf32>
      tpu.vector_store %arg19[%swap3A_524, %swap3A_525], %swap3A_528 {strides = array<i32>} : memref<128x64xf32, #tpu.memory_space<vmem>>, vector<1x16xf32>,
      %get3A_529 = arith.index_cast %squeeze3A_519 : i32 to index
      %get3A_530 = arith.constant 16 : index
      %get3A_531 = tpu.vector_load %arg14[%get3A_529, %get3A_530] {strides = array<i32>} : memref<11x64xf32, #tpu.memory_space<vmem>>, vector<1x16xf32>,
      %get3A_532 = vector.shape_cast %get3A_531 : vector<1x16xf32> to vector<16xf32>
      %swap3A_533 = arith.index_cast %add3A_511 : i32 to index
      %swap3A_534 = arith.constant 16 : index
      %swap3A_535 = tpu.vector_load %arg19[%swap3A_533, %swap3A_534] {strides = array<i32>} : memref<128x64xf32, #tpu.memory_space<vmem>>, vector<1x16xf32>,
      %swap3A_536 = vector.shape_cast %swap3A_535 : vector<1x16xf32> to vector<16xf32>
      %swap3A_537 = vector.shape_cast %get3A_532 : vector<16xf32> to vector<1x16xf32>
      tpu.vector_store %arg19[%swap3A_533, %swap3A_534], %swap3A_537 {strides = array<i32>} : memref<128x64xf32, #tpu.memory_space<vmem>>, vector<1x16xf32>,
      %get3A_538 = arith.index_cast %squeeze3A_519 : i32 to index
      %get3A_539 = arith.constant 32 : index
      %get3A_540 = tpu.vector_load %arg14[%get3A_538, %get3A_539] {strides = array<i32>} : memref<11x64xf32, #tpu.memory_space<vmem>>, vector<1x16xf32>,
      %get3A_541 = vector.shape_cast %get3A_540 : vector<1x16xf32> to vector<16xf32>
      %swap3A_542 = arith.index_cast %add3A_511 : i32 to index
      %swap3A_543 = arith.constant 32 : index
      %swap3A_544 = tpu.vector_load %arg19[%swap3A_542, %swap3A_543] {strides = array<i32>} : memref<128x64xf32, #tpu.memory_space<vmem>>, vector<1x16xf32>,
      %swap3A_545 = vector.shape_cast %swap3A_544 : vector<1x16xf32> to vector<16xf32>
      %swap3A_546 = vector.shape_cast %get3A_541 : vector<16xf32> to vector<1x16xf32>
      tpu.vector_store %arg19[%swap3A_542, %swap3A_543], %swap3A_546 {strides = array<i32>} : memref<128x64xf32, #tpu.memory_space<vmem>>, vector<1x16xf32>,
      %get3A_547 = arith.index_cast %squeeze3A_519 : i32 to index
      %get3A_548 = arith.constant 48 : index
      %get3A_549 = tpu.vector_load %arg14[%get3A_547, %get3A_548] {strides = array<i32>} : memref<11x64xf32, #tpu.memory_space<vmem>>, vector<1x16xf32>,
      %get3A_550 = vector.shape_cast %get3A_549 : vector<1x16xf32> to vector<16xf32>
      %swap3A_551 = arith.index_cast %add3A_511 : i32 to index
      %swap3A_552 = arith.constant 48 : index
      %swap3A_553 = tpu.vector_load %arg19[%swap3A_551, %swap3A_552] {strides = array<i32>} : memref<128x64xf32, #tpu.memory_space<vmem>>, vector<1x16xf32>,
      %swap3A_554 = vector.shape_cast %swap3A_553 : vector<1x16xf32> to vector<16xf32>
      %swap3A_555 = vector.shape_cast %get3A_550 : vector<16xf32> to vector<1x16xf32>
      tpu.vector_store %arg19[%swap3A_551, %swap3A_552], %swap3A_555 {strides = array<i32>} : memref<128x64xf32, #tpu.memory_space<vmem>>, vector<1x16xf32>,
      %add3A_556 = arith.constant 0 : i32
      %add3A_557 = arith.addi %add3A_556, %add3A_511 : i32
      %get3A_558 = arith.constant 3 : i32
      %get3A_559 = arith.index_cast %get3A_558 : i32 to index
      %get3A_560 = arith.index_cast %add3A_557 : i32 to index
      %get3A_561 = tpu.vector_load %arg13[%get3A_559, %get3A_560] {strides = array<i32>} : memref<5x512xi32, #tpu.memory_space<vmem>>, vector<1x1xi32>,
      %get3A_562 = vector.shape_cast %get3A_561 : vector<1x1xi32> to vector<1xi32>
      %squeeze3A_563 = vector.extract %get3A_562[0] : i32 from vector<1xi32>
      %get3A_564 = arith.index_cast %squeeze3A_563 : i32 to index
      %get3A_565 = arith.constant 0 : index
      %get3A_566 = tpu.vector_load %arg15[%get3A_564, %get3A_565] {strides = array<i32>} : memref<17x64xf32, #tpu.memory_space<vmem>>, vector<1x16xf32>,
      %get3A_567 = vector.shape_cast %get3A_566 : vector<1x16xf32> to vector<16xf32>
      %swap3A_568 = arith.index_cast %add3A_511 : i32 to index
      %swap3A_569 = arith.constant 0 : index
      %swap3A_570 = tpu.vector_load %arg20[%swap3A_568, %swap3A_569] {strides = array<i32>} : memref<128x128xf32, #tpu.memory_space<vmem>>, vector<1x16xf32>,
      %swap3A_571 = vector.shape_cast %swap3A_570 : vector<1x16xf32> to vector<16xf32>
      %swap3A_572 = vector.shape_cast %get3A_567 : vector<16xf32> to vector<1x16xf32>
      tpu.vector_store %arg20[%swap3A_568, %swap3A_569], %swap3A_572 {strides = array<i32>} : memref<128x128xf32, #tpu.memory_space<vmem>>, vector<1x16xf32>,
      %get3A_573 = arith.index_cast %squeeze3A_563 : i32 to index
      %get3A_574 = arith.constant 16 : index
      %get3A_575 = tpu.vector_load %arg15[%get3A_573, %get3A_574] {strides = array<i32>} : memref<17x64xf32, #tpu.memory_space<vmem>>, vector<1x16xf32>,
      %get3A_576 = vector.shape_cast %get3A_575 : vector<1x16xf32> to vector<16xf32>
      %swap3A_577 = arith.index_cast %add3A_511 : i32 to index
      %swap3A_578 = arith.constant 16 : index
      %swap3A_579 = tpu.vector_load %arg20[%swap3A_577, %swap3A_578] {strides = array<i32>} : memref<128x128xf32, #tpu.memory_space<vmem>>, vector<1x16xf32>,
      %swap3A_580 = vector.shape_cast %swap3A_579 : vector<1x16xf32> to vector<16xf32>
      %swap3A_581 = vector.shape_cast %get3A_576 : vector<16xf32> to vector<1x16xf32>
      tpu.vector_store %arg20[%swap3A_577, %swap3A_578], %swap3A_581 {strides = array<i32>} : memref<128x128xf32, #tpu.memory_space<vmem>>, vector<1x16xf32>,
      %get3A_582 = arith.index_cast %squeeze3A_563 : i32 to index
      %get3A_583 = arith.constant 32 : index
      %get3A_584 = tpu.vector_load %arg15[%get3A_582, %get3A_583] {strides = array<i32>} : memref<17x64xf32, #tpu.memory_space<vmem>>, vector<1x16xf32>,
      %get3A_585 = vector.shape_cast %get3A_584 : vector<1x16xf32> to vector<16xf32>
      %swap3A_586 = arith.index_cast %add3A_511 : i32 to index
      %swap3A_587 = arith.constant 32 : index
      %swap3A_588 = tpu.vector_load %arg20[%swap3A_586, %swap3A_587] {strides = array<i32>} : memref<128x128xf32, #tpu.memory_space<vmem>>, vector<1x16xf32>,
      %swap3A_589 = vector.shape_cast %swap3A_588 : vector<1x16xf32> to vector<16xf32>
      %swap3A_590 = vector.shape_cast %get3A_585 : vector<16xf32> to vector<1x16xf32>
      tpu.vector_store %arg20[%swap3A_586, %swap3A_587], %swap3A_590 {strides = array<i32>} : memref<128x128xf32, #tpu.memory_space<vmem>>, vector<1x16xf32>,
      %get3A_591 = arith.index_cast %squeeze3A_563 : i32 to index
      %get3A_592 = arith.constant 48 : index
      %get3A_593 = tpu.vector_load %arg15[%get3A_591, %get3A_592] {strides = array<i32>} : memref<17x64xf32, #tpu.memory_space<vmem>>, vector<1x16xf32>,
      %get3A_594 = vector.shape_cast %get3A_593 : vector<1x16xf32> to vector<16xf32>
      %swap3A_595 = arith.index_cast %add3A_511 : i32 to index
      %swap3A_596 = arith.constant 48 : index
      %swap3A_597 = tpu.vector_load %arg20[%swap3A_595, %swap3A_596] {strides = array<i32>} : memref<128x128xf32, #tpu.memory_space<vmem>>, vector<1x16xf32>,
      %swap3A_598 = vector.shape_cast %swap3A_597 : vector<1x16xf32> to vector<16xf32>
      %swap3A_599 = vector.shape_cast %get3A_594 : vector<16xf32> to vector<1x16xf32>
      tpu.vector_store %arg20[%swap3A_595, %swap3A_596], %swap3A_599 {strides = array<i32>} : memref<128x128xf32, #tpu.memory_space<vmem>>, vector<1x16xf32>,
      %add3A_600 = arith.constant 0 : i32
      %add3A_601 = arith.addi %add3A_600, %add3A_511 : i32
      %get3A_602 = arith.constant 4 : i32
      %get3A_603 = arith.index_cast %get3A_602 : i32 to index
      %get3A_604 = arith.index_cast %add3A_601 : i32 to index
      %get3A_605 = tpu.vector_load %arg13[%get3A_603, %get3A_604] {strides = array<i32>} : memref<5x512xi32, #tpu.memory_space<vmem>>, vector<1x1xi32>,
      %get3A_606 = vector.shape_cast %get3A_605 : vector<1x1xi32> to vector<1xi32>
      %squeeze3A_607 = vector.extract %get3A_606[0] : i32 from vector<1xi32>
      %get3A_608 = arith.index_cast %squeeze3A_607 : i32 to index
      %get3A_609 = arith.constant 0 : index
      %get3A_610 = tpu.vector_load %arg16[%get3A_608, %get3A_609] {strides = array<i32>} : memref<81x64xf32, #tpu.memory_space<vmem>>, vector<1x16xf32>,
      %get3A_611 = vector.shape_cast %get3A_610 : vector<1x16xf32> to vector<16xf32>
      %swap3A_612 = arith.index_cast %add3A_511 : i32 to index
      %swap3A_613 = arith.constant 64 : index
      %swap3A_614 = tpu.vector_load %arg20[%swap3A_612, %swap3A_613] {strides = array<i32>} : memref<128x128xf32, #tpu.memory_space<vmem>>, vector<1x16xf32>,
      %swap3A_615 = vector.shape_cast %swap3A_614 : vector<1x16xf32> to vector<16xf32>
      %swap3A_616 = vector.shape_cast %get3A_611 : vector<16xf32> to vector<1x16xf32>
      tpu.vector_store %arg20[%swap3A_612, %swap3A_613], %swap3A_616 {strides = array<i32>} : memref<128x128xf32, #tpu.memory_space<vmem>>, vector<1x16xf32>,
      %get3A_617 = arith.index_cast %squeeze3A_607 : i32 to index
      %get3A_618 = arith.constant 16 : index
      %get3A_619 = tpu.vector_load %arg16[%get3A_617, %get3A_618] {strides = array<i32>} : memref<81x64xf32, #tpu.memory_space<vmem>>, vector<1x16xf32>,
      %get3A_620 = vector.shape_cast %get3A_619 : vector<1x16xf32> to vector<16xf32>
      %swap3A_621 = arith.index_cast %add3A_511 : i32 to index
      %swap3A_622 = arith.constant 80 : index
      %swap3A_623 = tpu.vector_load %arg20[%swap3A_621, %swap3A_622] {strides = array<i32>} : memref<128x128xf32, #tpu.memory_space<vmem>>, vector<1x16xf32>,
      %swap3A_624 = vector.shape_cast %swap3A_623 : vector<1x16xf32> to vector<16xf32>
      %swap3A_625 = vector.shape_cast %get3A_620 : vector<16xf32> to vector<1x16xf32>
      tpu.vector_store %arg20[%swap3A_621, %swap3A_622], %swap3A_625 {strides = array<i32>} : memref<128x128xf32, #tpu.memory_space<vmem>>, vector<1x16xf32>,
      %get3A_626 = arith.index_cast %squeeze3A_607 : i32 to index
      %get3A_627 = arith.constant 32 : index
      %get3A_628 = tpu.vector_load %arg16[%get3A_626, %get3A_627] {strides = array<i32>} : memref<81x64xf32, #tpu.memory_space<vmem>>, vector<1x16xf32>,
      %get3A_629 = vector.shape_cast %get3A_628 : vector<1x16xf32> to vector<16xf32>
      %swap3A_630 = arith.index_cast %add3A_511 : i32 to index
      %swap3A_631 = arith.constant 96 : index
      %swap3A_632 = tpu.vector_load %arg20[%swap3A_630, %swap3A_631] {strides = array<i32>} : memref<128x128xf32, #tpu.memory_space<vmem>>, vector<1x16xf32>,
      %swap3A_633 = vector.shape_cast %swap3A_632 : vector<1x16xf32> to vector<16xf32>
      %swap3A_634 = vector.shape_cast %get3A_629 : vector<16xf32> to vector<1x16xf32>
      tpu.vector_store %arg20[%swap3A_630, %swap3A_631], %swap3A_634 {strides = array<i32>} : memref<128x128xf32, #tpu.memory_space<vmem>>, vector<1x16xf32>,
      %get3A_635 = arith.index_cast %squeeze3A_607 : i32 to index
      %get3A_636 = arith.constant 48 : index
      %get3A_637 = tpu.vector_load %arg16[%get3A_635, %get3A_636] {strides = array<i32>} : memref<81x64xf32, #tpu.memory_space<vmem>>, vector<1x16xf32>,
      %get3A_638 = vector.shape_cast %get3A_637 : vector<1x16xf32> to vector<16xf32>
      %swap3A_639 = arith.index_cast %add3A_511 : i32 to index
      %swap3A_640 = arith.constant 112 : index
      %swap3A_641 = tpu.vector_load %arg20[%swap3A_639, %swap3A_640] {strides = array<i32>} : memref<128x128xf32, #tpu.memory_space<vmem>>, vector<1x16xf32>,
      %swap3A_642 = vector.shape_cast %swap3A_641 : vector<1x16xf32> to vector<16xf32>
      %swap3A_643 = vector.shape_cast %get3A_638 : vector<16xf32> to vector<1x16xf32>
      tpu.vector_store %arg20[%swap3A_639, %swap3A_640], %swap3A_643 {strides = array<i32>} : memref<128x128xf32, #tpu.memory_space<vmem>>, vector<1x16xf32>,
      %mul3A_644 = arith.constant 4 : i32
      %mul3A_645 = arith.muli %scan3A_238, %mul3A_644 : i32
      %add3A_646 = arith.constant 3 : i32
      %add3A_647 = arith.addi %mul3A_645, %add3A_646 : i32
      %add3A_648 = arith.constant 0 : i32
      %add3A_649 = arith.addi %add3A_648, %add3A_647 : i32
      %get3A_650 = arith.constant 2 : i32
      %get3A_651 = arith.index_cast %get3A_650 : i32 to index
      %get3A_652 = arith.index_cast %add3A_649 : i32 to index
      %get3A_653 = tpu.vector_load %arg13[%get3A_651, %get3A_652] {strides = array<i32>} : memref<5x512xi32, #tpu.memory_space<vmem>>, vector<1x1xi32>,
      %get3A_654 = vector.shape_cast %get3A_653 : vector<1x1xi32> to vector<1xi32>
      %squeeze3A_655 = vector.extract %get3A_654[0] : i32 from vector<1xi32>
      %get3A_656 = arith.index_cast %squeeze3A_655 : i32 to index
      %get3A_657 = arith.constant 0 : index
      %get3A_658 = tpu.vector_load %arg14[%get3A_656, %get3A_657] {strides = array<i32>} : memref<11x64xf32, #tpu.memory_space<vmem>>, vector<1x16xf32>,
      %get3A_659 = vector.shape_cast %get3A_658 : vector<1x16xf32> to vector<16xf32>
      %swap3A_660 = arith.index_cast %add3A_647 : i32 to index
      %swap3A_661 = arith.constant 0 : index
      %swap3A_662 = tpu.vector_load %arg19[%swap3A_660, %swap3A_661] {strides = array<i32>} : memref<128x64xf32, #tpu.memory_space<vmem>>, vector<1x16xf32>,
      %swap3A_663 = vector.shape_cast %swap3A_662 : vector<1x16xf32> to vector<16xf32>
      %swap3A_664 = vector.shape_cast %get3A_659 : vector<16xf32> to vector<1x16xf32>
      tpu.vector_store %arg19[%swap3A_660, %swap3A_661], %swap3A_664 {strides = array<i32>} : memref<128x64xf32, #tpu.memory_space<vmem>>, vector<1x16xf32>,
      %get3A_665 = arith.index_cast %squeeze3A_655 : i32 to index
      %get3A_666 = arith.constant 16 : index
      %get3A_667 = tpu.vector_load %arg14[%get3A_665, %get3A_666] {strides = array<i32>} : memref<11x64xf32, #tpu.memory_space<vmem>>, vector<1x16xf32>,
      %get3A_668 = vector.shape_cast %get3A_667 : vector<1x16xf32> to vector<16xf32>
      %swap3A_669 = arith.index_cast %add3A_647 : i32 to index
      %swap3A_670 = arith.constant 16 : index
      %swap3A_671 = tpu.vector_load %arg19[%swap3A_669, %swap3A_670] {strides = array<i32>} : memref<128x64xf32, #tpu.memory_space<vmem>>, vector<1x16xf32>,
      %swap3A_672 = vector.shape_cast %swap3A_671 : vector<1x16xf32> to vector<16xf32>
      %swap3A_673 = vector.shape_cast %get3A_668 : vector<16xf32> to vector<1x16xf32>
      tpu.vector_store %arg19[%swap3A_669, %swap3A_670], %swap3A_673 {strides = array<i32>} : memref<128x64xf32, #tpu.memory_space<vmem>>, vector<1x16xf32>,
      %get3A_674 = arith.index_cast %squeeze3A_655 : i32 to index
      %get3A_675 = arith.constant 32 : index
      %get3A_676 = tpu.vector_load %arg14[%get3A_674, %get3A_675] {strides = array<i32>} : memref<11x64xf32, #tpu.memory_space<vmem>>, vector<1x16xf32>,
      %get3A_677 = vector.shape_cast %get3A_676 : vector<1x16xf32> to vector<16xf32>
      %swap3A_678 = arith.index_cast %add3A_647 : i32 to index
      %swap3A_679 = arith.constant 32 : index
      %swap3A_680 = tpu.vector_load %arg19[%swap3A_678, %swap3A_679] {strides = array<i32>} : memref<128x64xf32, #tpu.memory_space<vmem>>, vector<1x16xf32>,
      %swap3A_681 = vector.shape_cast %swap3A_680 : vector<1x16xf32> to vector<16xf32>
      %swap3A_682 = vector.shape_cast %get3A_677 : vector<16xf32> to vector<1x16xf32>
      tpu.vector_store %arg19[%swap3A_678, %swap3A_679], %swap3A_682 {strides = array<i32>} : memref<128x64xf32, #tpu.memory_space<vmem>>, vector<1x16xf32>,
      %get3A_683 = arith.index_cast %squeeze3A_655 : i32 to index
      %get3A_684 = arith.constant 48 : index
      %get3A_685 = tpu.vector_load %arg14[%get3A_683, %get3A_684] {strides = array<i32>} : memref<11x64xf32, #tpu.memory_space<vmem>>, vector<1x16xf32>,
      %get3A_686 = vector.shape_cast %get3A_685 : vector<1x16xf32> to vector<16xf32>
      %swap3A_687 = arith.index_cast %add3A_647 : i32 to index
      %swap3A_688 = arith.constant 48 : index
      %swap3A_689 = tpu.vector_load %arg19[%swap3A_687, %swap3A_688] {strides = array<i32>} : memref<128x64xf32, #tpu.memory_space<vmem>>, vector<1x16xf32>,
      %swap3A_690 = vector.shape_cast %swap3A_689 : vector<1x16xf32> to vector<16xf32>
      %swap3A_691 = vector.shape_cast %get3A_686 : vector<16xf32> to vector<1x16xf32>
      tpu.vector_store %arg19[%swap3A_687, %swap3A_688], %swap3A_691 {strides = array<i32>} : memref<128x64xf32, #tpu.memory_space<vmem>>, vector<1x16xf32>,
      %add3A_692 = arith.constant 0 : i32
      %add3A_693 = arith.addi %add3A_692, %add3A_647 : i32
      %get3A_694 = arith.constant 3 : i32
      %get3A_695 = arith.index_cast %get3A_694 : i32 to index
      %get3A_696 = arith.index_cast %add3A_693 : i32 to index
      %get3A_697 = tpu.vector_load %arg13[%get3A_695, %get3A_696] {strides = array<i32>} : memref<5x512xi32, #tpu.memory_space<vmem>>, vector<1x1xi32>,
      %get3A_698 = vector.shape_cast %get3A_697 : vector<1x1xi32> to vector<1xi32>
      %squeeze3A_699 = vector.extract %get3A_698[0] : i32 from vector<1xi32>
      %get3A_700 = arith.index_cast %squeeze3A_699 : i32 to index
      %get3A_701 = arith.constant 0 : index
      %get3A_702 = tpu.vector_load %arg15[%get3A_700, %get3A_701] {strides = array<i32>} : memref<17x64xf32, #tpu.memory_space<vmem>>, vector<1x16xf32>,
      %get3A_703 = vector.shape_cast %get3A_702 : vector<1x16xf32> to vector<16xf32>
      %swap3A_704 = arith.index_cast %add3A_647 : i32 to index
      %swap3A_705 = arith.constant 0 : index
      %swap3A_706 = tpu.vector_load %arg20[%swap3A_704, %swap3A_705] {strides = array<i32>} : memref<128x128xf32, #tpu.memory_space<vmem>>, vector<1x16xf32>,
      %swap3A_707 = vector.shape_cast %swap3A_706 : vector<1x16xf32> to vector<16xf32>
      %swap3A_708 = vector.shape_cast %get3A_703 : vector<16xf32> to vector<1x16xf32>
      tpu.vector_store %arg20[%swap3A_704, %swap3A_705], %swap3A_708 {strides = array<i32>} : memref<128x128xf32, #tpu.memory_space<vmem>>, vector<1x16xf32>,
      %get3A_709 = arith.index_cast %squeeze3A_699 : i32 to index
      %get3A_710 = arith.constant 16 : index
      %get3A_711 = tpu.vector_load %arg15[%get3A_709, %get3A_710] {strides = array<i32>} : memref<17x64xf32, #tpu.memory_space<vmem>>, vector<1x16xf32>,
      %get3A_712 = vector.shape_cast %get3A_711 : vector<1x16xf32> to vector<16xf32>
      %swap3A_713 = arith.index_cast %add3A_647 : i32 to index
      %swap3A_714 = arith.constant 16 : index
      %swap3A_715 = tpu.vector_load %arg20[%swap3A_713, %swap3A_714] {strides = array<i32>} : memref<128x128xf32, #tpu.memory_space<vmem>>, vector<1x16xf32>,
      %swap3A_716 = vector.shape_cast %swap3A_715 : vector<1x16xf32> to vector<16xf32>
      %swap3A_717 = vector.shape_cast %get3A_712 : vector<16xf32> to vector<1x16xf32>
      tpu.vector_store %arg20[%swap3A_713, %swap3A_714], %swap3A_717 {strides = array<i32>} : memref<128x128xf32, #tpu.memory_space<vmem>>, vector<1x16xf32>,
      %get3A_718 = arith.index_cast %squeeze3A_699 : i32 to index
      %get3A_719 = arith.constant 32 : index
      %get3A_720 = tpu.vector_load %arg15[%get3A_718, %get3A_719] {strides = array<i32>} : memref<17x64xf32, #tpu.memory_space<vmem>>, vector<1x16xf32>,
      %get3A_721 = vector.shape_cast %get3A_720 : vector<1x16xf32> to vector<16xf32>
      %swap3A_722 = arith.index_cast %add3A_647 : i32 to index
      %swap3A_723 = arith.constant 32 : index
      %swap3A_724 = tpu.vector_load %arg20[%swap3A_722, %swap3A_723] {strides = array<i32>} : memref<128x128xf32, #tpu.memory_space<vmem>>, vector<1x16xf32>,
      %swap3A_725 = vector.shape_cast %swap3A_724 : vector<1x16xf32> to vector<16xf32>
      %swap3A_726 = vector.shape_cast %get3A_721 : vector<16xf32> to vector<1x16xf32>
      tpu.vector_store %arg20[%swap3A_722, %swap3A_723], %swap3A_726 {strides = array<i32>} : memref<128x128xf32, #tpu.memory_space<vmem>>, vector<1x16xf32>,
      %get3A_727 = arith.index_cast %squeeze3A_699 : i32 to index
      %get3A_728 = arith.constant 48 : index
      %get3A_729 = tpu.vector_load %arg15[%get3A_727, %get3A_728] {strides = array<i32>} : memref<17x64xf32, #tpu.memory_space<vmem>>, vector<1x16xf32>,
      %get3A_730 = vector.shape_cast %get3A_729 : vector<1x16xf32> to vector<16xf32>
      %swap3A_731 = arith.index_cast %add3A_647 : i32 to index
      %swap3A_732 = arith.constant 48 : index
      %swap3A_733 = tpu.vector_load %arg20[%swap3A_731, %swap3A_732] {strides = array<i32>} : memref<128x128xf32, #tpu.memory_space<vmem>>, vector<1x16xf32>,
      %swap3A_734 = vector.shape_cast %swap3A_733 : vector<1x16xf32> to vector<16xf32>
      %swap3A_735 = vector.shape_cast %get3A_730 : vector<16xf32> to vector<1x16xf32>
      tpu.vector_store %arg20[%swap3A_731, %swap3A_732], %swap3A_735 {strides = array<i32>} : memref<128x128xf32, #tpu.memory_space<vmem>>, vector<1x16xf32>,
      %add3A_736 = arith.constant 0 : i32
      %add3A_737 = arith.addi %add3A_736, %add3A_647 : i32
      %get3A_738 = arith.constant 4 : i32
      %get3A_739 = arith.index_cast %get3A_738 : i32 to index
      %get3A_740 = arith.index_cast %add3A_737 : i32 to index
      %get3A_741 = tpu.vector_load %arg13[%get3A_739, %get3A_740] {strides = array<i32>} : memref<5x512xi32, #tpu.memory_space<vmem>>, vector<1x1xi32>,
      %get3A_742 = vector.shape_cast %get3A_741 : vector<1x1xi32> to vector<1xi32>
      %squeeze3A_743 = vector.extract %get3A_742[0] : i32 from vector<1xi32>
      %get3A_744 = arith.index_cast %squeeze3A_743 : i32 to index
      %get3A_745 = arith.constant 0 : index
      %get3A_746 = tpu.vector_load %arg16[%get3A_744, %get3A_745] {strides = array<i32>} : memref<81x64xf32, #tpu.memory_space<vmem>>, vector<1x16xf32>,
      %get3A_747 = vector.shape_cast %get3A_746 : vector<1x16xf32> to vector<16xf32>
      %swap3A_748 = arith.index_cast %add3A_647 : i32 to index
      %swap3A_749 = arith.constant 64 : index
      %swap3A_750 = tpu.vector_load %arg20[%swap3A_748, %swap3A_749] {strides = array<i32>} : memref<128x128xf32, #tpu.memory_space<vmem>>, vector<1x16xf32>,
      %swap3A_751 = vector.shape_cast %swap3A_750 : vector<1x16xf32> to vector<16xf32>
      %swap3A_752 = vector.shape_cast %get3A_747 : vector<16xf32> to vector<1x16xf32>
      tpu.vector_store %arg20[%swap3A_748, %swap3A_749], %swap3A_752 {strides = array<i32>} : memref<128x128xf32, #tpu.memory_space<vmem>>, vector<1x16xf32>,
      %get3A_753 = arith.index_cast %squeeze3A_743 : i32 to index
      %get3A_754 = arith.constant 16 : index
      %get3A_755 = tpu.vector_load %arg16[%get3A_753, %get3A_754] {strides = array<i32>} : memref<81x64xf32, #tpu.memory_space<vmem>>, vector<1x16xf32>,
      %get3A_756 = vector.shape_cast %get3A_755 : vector<1x16xf32> to vector<16xf32>
      %swap3A_757 = arith.index_cast %add3A_647 : i32 to index
      %swap3A_758 = arith.constant 80 : index
      %swap3A_759 = tpu.vector_load %arg20[%swap3A_757, %swap3A_758] {strides = array<i32>} : memref<128x128xf32, #tpu.memory_space<vmem>>, vector<1x16xf32>,
      %swap3A_760 = vector.shape_cast %swap3A_759 : vector<1x16xf32> to vector<16xf32>
      %swap3A_761 = vector.shape_cast %get3A_756 : vector<16xf32> to vector<1x16xf32>
      tpu.vector_store %arg20[%swap3A_757, %swap3A_758], %swap3A_761 {strides = array<i32>} : memref<128x128xf32, #tpu.memory_space<vmem>>, vector<1x16xf32>,
      %get3A_762 = arith.index_cast %squeeze3A_743 : i32 to index
      %get3A_763 = arith.constant 32 : index
      %get3A_764 = tpu.vector_load %arg16[%get3A_762, %get3A_763] {strides = array<i32>} : memref<81x64xf32, #tpu.memory_space<vmem>>, vector<1x16xf32>,
      %get3A_765 = vector.shape_cast %get3A_764 : vector<1x16xf32> to vector<16xf32>
      %swap3A_766 = arith.index_cast %add3A_647 : i32 to index
      %swap3A_767 = arith.constant 96 : index
      %swap3A_768 = tpu.vector_load %arg20[%swap3A_766, %swap3A_767] {strides = array<i32>} : memref<128x128xf32, #tpu.memory_space<vmem>>, vector<1x16xf32>,
      %swap3A_769 = vector.shape_cast %swap3A_768 : vector<1x16xf32> to vector<16xf32>
      %swap3A_770 = vector.shape_cast %get3A_765 : vector<16xf32> to vector<1x16xf32>
      tpu.vector_store %arg20[%swap3A_766, %swap3A_767], %swap3A_770 {strides = array<i32>} : memref<128x128xf32, #tpu.memory_space<vmem>>, vector<1x16xf32>,
      %get3A_771 = arith.index_cast %squeeze3A_743 : i32 to index
      %get3A_772 = arith.constant 48 : index
      %get3A_773 = tpu.vector_load %arg16[%get3A_771, %get3A_772] {strides = array<i32>} : memref<81x64xf32, #tpu.memory_space<vmem>>, vector<1x16xf32>,
      %get3A_774 = vector.shape_cast %get3A_773 : vector<1x16xf32> to vector<16xf32>
      %swap3A_775 = arith.index_cast %add3A_647 : i32 to index
      %swap3A_776 = arith.constant 112 : index
      %swap3A_777 = tpu.vector_load %arg20[%swap3A_775, %swap3A_776] {strides = array<i32>} : memref<128x128xf32, #tpu.memory_space<vmem>>, vector<1x16xf32>,
      %swap3A_778 = vector.shape_cast %swap3A_777 : vector<1x16xf32> to vector<16xf32>
      %swap3A_779 = vector.shape_cast %get3A_774 : vector<16xf32> to vector<1x16xf32>
      tpu.vector_store %arg20[%swap3A_775, %swap3A_776], %swap3A_779 {strides = array<i32>} : memref<128x128xf32, #tpu.memory_space<vmem>>, vector<1x16xf32>,
    }
    %scan3A_109 = arith.constant 32 : i32
    %add3A_110 = arith.constant 0 : i32
    %add3A_111 = arith.addi %mul3A_2, %add3A_110 : i32
    %dma_start3A_112 = arith.constant 64 : i32
    %dma_start3A_113 = tpu.memref_slice %arg12[%add3A_111, %dma_start3A_112] : memref<16384x320xf32, #tpu.memory_space<hbm>> -> memref<128x64xf32, #tpu.memory_space<hbm>>
    %dma_start3A_114 = arith.constant 64 : i32
    %dma_start3A_115 = tpu.memref_slice %arg12[%add3A_111, %dma_start3A_114] : memref<16384x320xf32, #tpu.memory_space<hbm>> -> memref<128x64xf32, #tpu.memory_space<hbm>>
    tpu.enqueue_dma source(%arg19 : memref<128x64xf32, #tpu.memory_space<vmem>>) target(%dma_start3A_115 : memref<128x64xf32, #tpu.memory_space<hbm>>) target_semaphore(%arg28 : memref<!tpu.dma_semaphore, #tpu.memory_space<semaphore_mem>>)
    %add3A_116 = arith.constant 0 : i32
    %add3A_117 = arith.addi %mul3A_2, %add3A_116 : i32
    %dma_start3A_118 = arith.constant 192 : i32
    %dma_start3A_119 = tpu.memref_slice %arg12[%add3A_117, %dma_start3A_118] : memref<16384x320xf32, #tpu.memory_space<hbm>> -> memref<128x128xf32, #tpu.memory_space<hbm>>
    %dma_start3A_120 = arith.constant 192 : i32
    %dma_start3A_121 = tpu.memref_slice %arg12[%add3A_117, %dma_start3A_120] : memref<16384x320xf32, #tpu.memory_space<hbm>> -> memref<128x128xf32, #tpu.memory_space<hbm>>
    tpu.enqueue_dma source(%arg20 : memref<128x128xf32, #tpu.memory_space<vmem>>) target(%dma_start3A_121 : memref<128x128xf32, #tpu.memory_space<hbm>>) target_semaphore(%arg28 : memref<!tpu.dma_semaphore, #tpu.memory_space<semaphore_mem>>)
    %scan3A_122 = arith.constant 0 : i32
    %scan3A_123 = arith.constant 0 : i32
    %scan3A_124 = arith.constant 32 : i32
    %scan3A_125 = arith.addi %scan3A_123, %scan3A_124 : i32
    %scan3A_126 = arith.constant 1 : i32
    scf.for %scan3A_238 = %scan3A_123 to %scan3A_125 step %scan3A_126  : i32 {
      %mul3A_239 = arith.constant 4 : i32
      %mul3A_240 = arith.muli %scan3A_238, %mul3A_239 : i32
      %add3A_241 = arith.constant 0 : i32
      %add3A_242 = arith.addi %mul3A_240, %add3A_241 : i32
      %add3A_243 = arith.constant 128 : i32
      %add3A_244 = arith.addi %add3A_243, %add3A_242 : i32
      %get3A = arith.constant 2 : i32
      %get3A_245 = arith.index_cast %get3A : i32 to index
      %get3A_246 = arith.index_cast %add3A_244 : i32 to index
      %get3A_247 = tpu.vector_load %arg13[%get3A_245, %get3A_246] {strides = array<i32>} : memref<5x512xi32, #tpu.memory_space<vmem>>, vector<1x1xi32>,
      %get3A_248 = vector.shape_cast %get3A_247 : vector<1x1xi32> to vector<1xi32>
      %squeeze3A = vector.extract %get3A_248[0] : i32 from vector<1xi32>
      %get3A_249 = arith.index_cast %squeeze3A : i32 to index
      %get3A_250 = arith.constant 0 : index
      %get3A_251 = tpu.vector_load %arg14[%get3A_249, %get3A_250] {strides = array<i32>} : memref<11x64xf32, #tpu.memory_space<vmem>>, vector<1x16xf32>,
      %get3A_252 = vector.shape_cast %get3A_251 : vector<1x16xf32> to vector<16xf32>
      %swap3A = arith.index_cast %add3A_242 : i32 to index
      %swap3A_253 = arith.constant 0 : index
      %swap3A_254 = tpu.vector_load %arg21[%swap3A, %swap3A_253] {strides = array<i32>} : memref<128x64xf32, #tpu.memory_space<vmem>>, vector<1x16xf32>,
      %swap3A_255 = vector.shape_cast %swap3A_254 : vector<1x16xf32> to vector<16xf32>
      %swap3A_256 = vector.shape_cast %get3A_252 : vector<16xf32> to vector<1x16xf32>
      tpu.vector_store %arg21[%swap3A, %swap3A_253], %swap3A_256 {strides = array<i32>} : memref<128x64xf32, #tpu.memory_space<vmem>>, vector<1x16xf32>,
      %get3A_257 = arith.index_cast %squeeze3A : i32 to index
      %get3A_258 = arith.constant 16 : index
      %get3A_259 = tpu.vector_load %arg14[%get3A_257, %get3A_258] {strides = array<i32>} : memref<11x64xf32, #tpu.memory_space<vmem>>, vector<1x16xf32>,
      %get3A_260 = vector.shape_cast %get3A_259 : vector<1x16xf32> to vector<16xf32>
      %swap3A_261 = arith.index_cast %add3A_242 : i32 to index
      %swap3A_262 = arith.constant 16 : index
      %swap3A_263 = tpu.vector_load %arg21[%swap3A_261, %swap3A_262] {strides = array<i32>} : memref<128x64xf32, #tpu.memory_space<vmem>>, vector<1x16xf32>,
      %swap3A_264 = vector.shape_cast %swap3A_263 : vector<1x16xf32> to vector<16xf32>
      %swap3A_265 = vector.shape_cast %get3A_260 : vector<16xf32> to vector<1x16xf32>
      tpu.vector_store %arg21[%swap3A_261, %swap3A_262], %swap3A_265 {strides = array<i32>} : memref<128x64xf32, #tpu.memory_space<vmem>>, vector<1x16xf32>,
      %get3A_266 = arith.index_cast %squeeze3A : i32 to index
      %get3A_267 = arith.constant 32 : index
      %get3A_268 = tpu.vector_load %arg14[%get3A_266, %get3A_267] {strides = array<i32>} : memref<11x64xf32, #tpu.memory_space<vmem>>, vector<1x16xf32>,
      %get3A_269 = vector.shape_cast %get3A_268 : vector<1x16xf32> to vector<16xf32>
      %swap3A_270 = arith.index_cast %add3A_242 : i32 to index
      %swap3A_271 = arith.constant 32 : index
      %swap3A_272 = tpu.vector_load %arg21[%swap3A_270, %swap3A_271] {strides = array<i32>} : memref<128x64xf32, #tpu.memory_space<vmem>>, vector<1x16xf32>,
      %swap3A_273 = vector.shape_cast %swap3A_272 : vector<1x16xf32> to vector<16xf32>
      %swap3A_274 = vector.shape_cast %get3A_269 : vector<16xf32> to vector<1x16xf32>
      tpu.vector_store %arg21[%swap3A_270, %swap3A_271], %swap3A_274 {strides = array<i32>} : memref<128x64xf32, #tpu.memory_space<vmem>>, vector<1x16xf32>,
      %get3A_275 = arith.index_cast %squeeze3A : i32 to index
      %get3A_276 = arith.constant 48 : index
      %get3A_277 = tpu.vector_load %arg14[%get3A_275, %get3A_276] {strides = array<i32>} : memref<11x64xf32, #tpu.memory_space<vmem>>, vector<1x16xf32>,
      %get3A_278 = vector.shape_cast %get3A_277 : vector<1x16xf32> to vector<16xf32>
      %swap3A_279 = arith.index_cast %add3A_242 : i32 to index
      %swap3A_280 = arith.constant 48 : index
      %swap3A_281 = tpu.vector_load %arg21[%swap3A_279, %swap3A_280] {strides = array<i32>} : memref<128x64xf32, #tpu.memory_space<vmem>>, vector<1x16xf32>,
      %swap3A_282 = vector.shape_cast %swap3A_281 : vector<1x16xf32> to vector<16xf32>
      %swap3A_283 = vector.shape_cast %get3A_278 : vector<16xf32> to vector<1x16xf32>
      tpu.vector_store %arg21[%swap3A_279, %swap3A_280], %swap3A_283 {strides = array<i32>} : memref<128x64xf32, #tpu.memory_space<vmem>>, vector<1x16xf32>,
      %add3A_284 = arith.constant 128 : i32
      %add3A_285 = arith.addi %add3A_284, %add3A_242 : i32
      %get3A_286 = arith.constant 3 : i32
      %get3A_287 = arith.index_cast %get3A_286 : i32 to index
      %get3A_288 = arith.index_cast %add3A_285 : i32 to index
      %get3A_289 = tpu.vector_load %arg13[%get3A_287, %get3A_288] {strides = array<i32>} : memref<5x512xi32, #tpu.memory_space<vmem>>, vector<1x1xi32>,
      %get3A_290 = vector.shape_cast %get3A_289 : vector<1x1xi32> to vector<1xi32>
      %squeeze3A_291 = vector.extract %get3A_290[0] : i32 from vector<1xi32>
      %get3A_292 = arith.index_cast %squeeze3A_291 : i32 to index
      %get3A_293 = arith.constant 0 : index
      %get3A_294 = tpu.vector_load %arg15[%get3A_292, %get3A_293] {strides = array<i32>} : memref<17x64xf32, #tpu.memory_space<vmem>>, vector<1x16xf32>,
      %get3A_295 = vector.shape_cast %get3A_294 : vector<1x16xf32> to vector<16xf32>
      %swap3A_296 = arith.index_cast %add3A_242 : i32 to index
      %swap3A_297 = arith.constant 0 : index
      %swap3A_298 = tpu.vector_load %arg22[%swap3A_296, %swap3A_297] {strides = array<i32>} : memref<128x128xf32, #tpu.memory_space<vmem>>, vector<1x16xf32>,
      %swap3A_299 = vector.shape_cast %swap3A_298 : vector<1x16xf32> to vector<16xf32>
      %swap3A_300 = vector.shape_cast %get3A_295 : vector<16xf32> to vector<1x16xf32>
      tpu.vector_store %arg22[%swap3A_296, %swap3A_297], %swap3A_300 {strides = array<i32>} : memref<128x128xf32, #tpu.memory_space<vmem>>, vector<1x16xf32>,
      %get3A_301 = arith.index_cast %squeeze3A_291 : i32 to index
      %get3A_302 = arith.constant 16 : index
      %get3A_303 = tpu.vector_load %arg15[%get3A_301, %get3A_302] {strides = array<i32>} : memref<17x64xf32, #tpu.memory_space<vmem>>, vector<1x16xf32>,
      %get3A_304 = vector.shape_cast %get3A_303 : vector<1x16xf32> to vector<16xf32>
      %swap3A_305 = arith.index_cast %add3A_242 : i32 to index
      %swap3A_306 = arith.constant 16 : index
      %swap3A_307 = tpu.vector_load %arg22[%swap3A_305, %swap3A_306] {strides = array<i32>} : memref<128x128xf32, #tpu.memory_space<vmem>>, vector<1x16xf32>,
      %swap3A_308 = vector.shape_cast %swap3A_307 : vector<1x16xf32> to vector<16xf32>
      %swap3A_309 = vector.shape_cast %get3A_304 : vector<16xf32> to vector<1x16xf32>
      tpu.vector_store %arg22[%swap3A_305, %swap3A_306], %swap3A_309 {strides = array<i32>} : memref<128x128xf32, #tpu.memory_space<vmem>>, vector<1x16xf32>,
      %get3A_310 = arith.index_cast %squeeze3A_291 : i32 to index
      %get3A_311 = arith.constant 32 : index
      %get3A_312 = tpu.vector_load %arg15[%get3A_310, %get3A_311] {strides = array<i32>} : memref<17x64xf32, #tpu.memory_space<vmem>>, vector<1x16xf32>,
      %get3A_313 = vector.shape_cast %get3A_312 : vector<1x16xf32> to vector<16xf32>
      %swap3A_314 = arith.index_cast %add3A_242 : i32 to index
      %swap3A_315 = arith.constant 32 : index
      %swap3A_316 = tpu.vector_load %arg22[%swap3A_314, %swap3A_315] {strides = array<i32>} : memref<128x128xf32, #tpu.memory_space<vmem>>, vector<1x16xf32>,
      %swap3A_317 = vector.shape_cast %swap3A_316 : vector<1x16xf32> to vector<16xf32>
      %swap3A_318 = vector.shape_cast %get3A_313 : vector<16xf32> to vector<1x16xf32>
      tpu.vector_store %arg22[%swap3A_314, %swap3A_315], %swap3A_318 {strides = array<i32>} : memref<128x128xf32, #tpu.memory_space<vmem>>, vector<1x16xf32>,
      %get3A_319 = arith.index_cast %squeeze3A_291 : i32 to index
      %get3A_320 = arith.constant 48 : index
      %get3A_321 = tpu.vector_load %arg15[%get3A_319, %get3A_320] {strides = array<i32>} : memref<17x64xf32, #tpu.memory_space<vmem>>, vector<1x16xf32>,
      %get3A_322 = vector.shape_cast %get3A_321 : vector<1x16xf32> to vector<16xf32>
      %swap3A_323 = arith.index_cast %add3A_242 : i32 to index
      %swap3A_324 = arith.constant 48 : index
      %swap3A_325 = tpu.vector_load %arg22[%swap3A_323, %swap3A_324] {strides = array<i32>} : memref<128x128xf32, #tpu.memory_space<vmem>>, vector<1x16xf32>,
      %swap3A_326 = vector.shape_cast %swap3A_325 : vector<1x16xf32> to vector<16xf32>
      %swap3A_327 = vector.shape_cast %get3A_322 : vector<16xf32> to vector<1x16xf32>
      tpu.vector_store %arg22[%swap3A_323, %swap3A_324], %swap3A_327 {strides = array<i32>} : memref<128x128xf32, #tpu.memory_space<vmem>>, vector<1x16xf32>,
      %add3A_328 = arith.constant 128 : i32
      %add3A_329 = arith.addi %add3A_328, %add3A_242 : i32
      %get3A_330 = arith.constant 4 : i32
      %get3A_331 = arith.index_cast %get3A_330 : i32 to index
      %get3A_332 = arith.index_cast %add3A_329 : i32 to index
      %get3A_333 = tpu.vector_load %arg13[%get3A_331, %get3A_332] {strides = array<i32>} : memref<5x512xi32, #tpu.memory_space<vmem>>, vector<1x1xi32>,
      %get3A_334 = vector.shape_cast %get3A_333 : vector<1x1xi32> to vector<1xi32>
      %squeeze3A_335 = vector.extract %get3A_334[0] : i32 from vector<1xi32>
      %get3A_336 = arith.index_cast %squeeze3A_335 : i32 to index
      %get3A_337 = arith.constant 0 : index
      %get3A_338 = tpu.vector_load %arg16[%get3A_336, %get3A_337] {strides = array<i32>} : memref<81x64xf32, #tpu.memory_space<vmem>>, vector<1x16xf32>,
      %get3A_339 = vector.shape_cast %get3A_338 : vector<1x16xf32> to vector<16xf32>
      %swap3A_340 = arith.index_cast %add3A_242 : i32 to index
      %swap3A_341 = arith.constant 64 : index
      %swap3A_342 = tpu.vector_load %arg22[%swap3A_340, %swap3A_341] {strides = array<i32>} : memref<128x128xf32, #tpu.memory_space<vmem>>, vector<1x16xf32>,
      %swap3A_343 = vector.shape_cast %swap3A_342 : vector<1x16xf32> to vector<16xf32>
      %swap3A_344 = vector.shape_cast %get3A_339 : vector<16xf32> to vector<1x16xf32>
      tpu.vector_store %arg22[%swap3A_340, %swap3A_341], %swap3A_344 {strides = array<i32>} : memref<128x128xf32, #tpu.memory_space<vmem>>, vector<1x16xf32>,
      %get3A_345 = arith.index_cast %squeeze3A_335 : i32 to index
      %get3A_346 = arith.constant 16 : index
      %get3A_347 = tpu.vector_load %arg16[%get3A_345, %get3A_346] {strides = array<i32>} : memref<81x64xf32, #tpu.memory_space<vmem>>, vector<1x16xf32>,
      %get3A_348 = vector.shape_cast %get3A_347 : vector<1x16xf32> to vector<16xf32>
      %swap3A_349 = arith.index_cast %add3A_242 : i32 to index
      %swap3A_350 = arith.constant 80 : index
      %swap3A_351 = tpu.vector_load %arg22[%swap3A_349, %swap3A_350] {strides = array<i32>} : memref<128x128xf32, #tpu.memory_space<vmem>>, vector<1x16xf32>,
      %swap3A_352 = vector.shape_cast %swap3A_351 : vector<1x16xf32> to vector<16xf32>
      %swap3A_353 = vector.shape_cast %get3A_348 : vector<16xf32> to vector<1x16xf32>
      tpu.vector_store %arg22[%swap3A_349, %swap3A_350], %swap3A_353 {strides = array<i32>} : memref<128x128xf32, #tpu.memory_space<vmem>>, vector<1x16xf32>,
      %get3A_354 = arith.index_cast %squeeze3A_335 : i32 to index
      %get3A_355 = arith.constant 32 : index
      %get3A_356 = tpu.vector_load %arg16[%get3A_354, %get3A_355] {strides = array<i32>} : memref<81x64xf32, #tpu.memory_space<vmem>>, vector<1x16xf32>,
      %get3A_357 = vector.shape_cast %get3A_356 : vector<1x16xf32> to vector<16xf32>
      %swap3A_358 = arith.index_cast %add3A_242 : i32 to index
      %swap3A_359 = arith.constant 96 : index
      %swap3A_360 = tpu.vector_load %arg22[%swap3A_358, %swap3A_359] {strides = array<i32>} : memref<128x128xf32, #tpu.memory_space<vmem>>, vector<1x16xf32>,
      %swap3A_361 = vector.shape_cast %swap3A_360 : vector<1x16xf32> to vector<16xf32>
      %swap3A_362 = vector.shape_cast %get3A_357 : vector<16xf32> to vector<1x16xf32>
      tpu.vector_store %arg22[%swap3A_358, %swap3A_359], %swap3A_362 {strides = array<i32>} : memref<128x128xf32, #tpu.memory_space<vmem>>, vector<1x16xf32>,
      %get3A_363 = arith.index_cast %squeeze3A_335 : i32 to index
      %get3A_364 = arith.constant 48 : index
      %get3A_365 = tpu.vector_load %arg16[%get3A_363, %get3A_364] {strides = array<i32>} : memref<81x64xf32, #tpu.memory_space<vmem>>, vector<1x16xf32>,
      %get3A_366 = vector.shape_cast %get3A_365 : vector<1x16xf32> to vector<16xf32>
      %swap3A_367 = arith.index_cast %add3A_242 : i32 to index
      %swap3A_368 = arith.constant 112 : index
      %swap3A_369 = tpu.vector_load %arg22[%swap3A_367, %swap3A_368] {strides = array<i32>} : memref<128x128xf32, #tpu.memory_space<vmem>>, vector<1x16xf32>,
      %swap3A_370 = vector.shape_cast %swap3A_369 : vector<1x16xf32> to vector<16xf32>
      %swap3A_371 = vector.shape_cast %get3A_366 : vector<16xf32> to vector<1x16xf32>
      tpu.vector_store %arg22[%swap3A_367, %swap3A_368], %swap3A_371 {strides = array<i32>} : memref<128x128xf32, #tpu.memory_space<vmem>>, vector<1x16xf32>,
      %mul3A_372 = arith.constant 4 : i32
      %mul3A_373 = arith.muli %scan3A_238, %mul3A_372 : i32
      %add3A_374 = arith.constant 1 : i32
      %add3A_375 = arith.addi %mul3A_373, %add3A_374 : i32
      %add3A_376 = arith.constant 128 : i32
      %add3A_377 = arith.addi %add3A_376, %add3A_375 : i32
      %get3A_378 = arith.constant 2 : i32
      %get3A_379 = arith.index_cast %get3A_378 : i32 to index
      %get3A_380 = arith.index_cast %add3A_377 : i32 to index
      %get3A_381 = tpu.vector_load %arg13[%get3A_379, %get3A_380] {strides = array<i32>} : memref<5x512xi32, #tpu.memory_space<vmem>>, vector<1x1xi32>,
      %get3A_382 = vector.shape_cast %get3A_381 : vector<1x1xi32> to vector<1xi32>
      %squeeze3A_383 = vector.extract %get3A_382[0] : i32 from vector<1xi32>
      %get3A_384 = arith.index_cast %squeeze3A_383 : i32 to index
      %get3A_385 = arith.constant 0 : index
      %get3A_386 = tpu.vector_load %arg14[%get3A_384, %get3A_385] {strides = array<i32>} : memref<11x64xf32, #tpu.memory_space<vmem>>, vector<1x16xf32>,
      %get3A_387 = vector.shape_cast %get3A_386 : vector<1x16xf32> to vector<16xf32>
      %swap3A_388 = arith.index_cast %add3A_375 : i32 to index
      %swap3A_389 = arith.constant 0 : index
      %swap3A_390 = tpu.vector_load %arg21[%swap3A_388, %swap3A_389] {strides = array<i32>} : memref<128x64xf32, #tpu.memory_space<vmem>>, vector<1x16xf32>,
      %swap3A_391 = vector.shape_cast %swap3A_390 : vector<1x16xf32> to vector<16xf32>
      %swap3A_392 = vector.shape_cast %get3A_387 : vector<16xf32> to vector<1x16xf32>
      tpu.vector_store %arg21[%swap3A_388, %swap3A_389], %swap3A_392 {strides = array<i32>} : memref<128x64xf32, #tpu.memory_space<vmem>>, vector<1x16xf32>,
      %get3A_393 = arith.index_cast %squeeze3A_383 : i32 to index
      %get3A_394 = arith.constant 16 : index
      %get3A_395 = tpu.vector_load %arg14[%get3A_393, %get3A_394] {strides = array<i32>} : memref<11x64xf32, #tpu.memory_space<vmem>>, vector<1x16xf32>,
      %get3A_396 = vector.shape_cast %get3A_395 : vector<1x16xf32> to vector<16xf32>
      %swap3A_397 = arith.index_cast %add3A_375 : i32 to index
      %swap3A_398 = arith.constant 16 : index
      %swap3A_399 = tpu.vector_load %arg21[%swap3A_397, %swap3A_398] {strides = array<i32>} : memref<128x64xf32, #tpu.memory_space<vmem>>, vector<1x16xf32>,
      %swap3A_400 = vector.shape_cast %swap3A_399 : vector<1x16xf32> to vector<16xf32>
      %swap3A_401 = vector.shape_cast %get3A_396 : vector<16xf32> to vector<1x16xf32>
      tpu.vector_store %arg21[%swap3A_397, %swap3A_398], %swap3A_401 {strides = array<i32>} : memref<128x64xf32, #tpu.memory_space<vmem>>, vector<1x16xf32>,
      %get3A_402 = arith.index_cast %squeeze3A_383 : i32 to index
      %get3A_403 = arith.constant 32 : index
      %get3A_404 = tpu.vector_load %arg14[%get3A_402, %get3A_403] {strides = array<i32>} : memref<11x64xf32, #tpu.memory_space<vmem>>, vector<1x16xf32>,
      %get3A_405 = vector.shape_cast %get3A_404 : vector<1x16xf32> to vector<16xf32>
      %swap3A_406 = arith.index_cast %add3A_375 : i32 to index
      %swap3A_407 = arith.constant 32 : index
      %swap3A_408 = tpu.vector_load %arg21[%swap3A_406, %swap3A_407] {strides = array<i32>} : memref<128x64xf32, #tpu.memory_space<vmem>>, vector<1x16xf32>,
      %swap3A_409 = vector.shape_cast %swap3A_408 : vector<1x16xf32> to vector<16xf32>
      %swap3A_410 = vector.shape_cast %get3A_405 : vector<16xf32> to vector<1x16xf32>
      tpu.vector_store %arg21[%swap3A_406, %swap3A_407], %swap3A_410 {strides = array<i32>} : memref<128x64xf32, #tpu.memory_space<vmem>>, vector<1x16xf32>,
      %get3A_411 = arith.index_cast %squeeze3A_383 : i32 to index
      %get3A_412 = arith.constant 48 : index
      %get3A_413 = tpu.vector_load %arg14[%get3A_411, %get3A_412] {strides = array<i32>} : memref<11x64xf32, #tpu.memory_space<vmem>>, vector<1x16xf32>,
      %get3A_414 = vector.shape_cast %get3A_413 : vector<1x16xf32> to vector<16xf32>
      %swap3A_415 = arith.index_cast %add3A_375 : i32 to index
      %swap3A_416 = arith.constant 48 : index
      %swap3A_417 = tpu.vector_load %arg21[%swap3A_415, %swap3A_416] {strides = array<i32>} : memref<128x64xf32, #tpu.memory_space<vmem>>, vector<1x16xf32>,
      %swap3A_418 = vector.shape_cast %swap3A_417 : vector<1x16xf32> to vector<16xf32>
      %swap3A_419 = vector.shape_cast %get3A_414 : vector<16xf32> to vector<1x16xf32>
      tpu.vector_store %arg21[%swap3A_415, %swap3A_416], %swap3A_419 {strides = array<i32>} : memref<128x64xf32, #tpu.memory_space<vmem>>, vector<1x16xf32>,
      %add3A_420 = arith.constant 128 : i32
      %add3A_421 = arith.addi %add3A_420, %add3A_375 : i32
      %get3A_422 = arith.constant 3 : i32
      %get3A_423 = arith.index_cast %get3A_422 : i32 to index
      %get3A_424 = arith.index_cast %add3A_421 : i32 to index
      %get3A_425 = tpu.vector_load %arg13[%get3A_423, %get3A_424] {strides = array<i32>} : memref<5x512xi32, #tpu.memory_space<vmem>>, vector<1x1xi32>,
      %get3A_426 = vector.shape_cast %get3A_425 : vector<1x1xi32> to vector<1xi32>
      %squeeze3A_427 = vector.extract %get3A_426[0] : i32 from vector<1xi32>
      %get3A_428 = arith.index_cast %squeeze3A_427 : i32 to index
      %get3A_429 = arith.constant 0 : index
      %get3A_430 = tpu.vector_load %arg15[%get3A_428, %get3A_429] {strides = array<i32>} : memref<17x64xf32, #tpu.memory_space<vmem>>, vector<1x16xf32>,
      %get3A_431 = vector.shape_cast %get3A_430 : vector<1x16xf32> to vector<16xf32>
      %swap3A_432 = arith.index_cast %add3A_375 : i32 to index
      %swap3A_433 = arith.constant 0 : index
      %swap3A_434 = tpu.vector_load %arg22[%swap3A_432, %swap3A_433] {strides = array<i32>} : memref<128x128xf32, #tpu.memory_space<vmem>>, vector<1x16xf32>,
      %swap3A_435 = vector.shape_cast %swap3A_434 : vector<1x16xf32> to vector<16xf32>
      %swap3A_436 = vector.shape_cast %get3A_431 : vector<16xf32> to vector<1x16xf32>
      tpu.vector_store %arg22[%swap3A_432, %swap3A_433], %swap3A_436 {strides = array<i32>} : memref<128x128xf32, #tpu.memory_space<vmem>>, vector<1x16xf32>,
      %get3A_437 = arith.index_cast %squeeze3A_427 : i32 to index
      %get3A_438 = arith.constant 16 : index
      %get3A_439 = tpu.vector_load %arg15[%get3A_437, %get3A_438] {strides = array<i32>} : memref<17x64xf32, #tpu.memory_space<vmem>>, vector<1x16xf32>,
      %get3A_440 = vector.shape_cast %get3A_439 : vector<1x16xf32> to vector<16xf32>
      %swap3A_441 = arith.index_cast %add3A_375 : i32 to index
      %swap3A_442 = arith.constant 16 : index
      %swap3A_443 = tpu.vector_load %arg22[%swap3A_441, %swap3A_442] {strides = array<i32>} : memref<128x128xf32, #tpu.memory_space<vmem>>, vector<1x16xf32>,
      %swap3A_444 = vector.shape_cast %swap3A_443 : vector<1x16xf32> to vector<16xf32>
      %swap3A_445 = vector.shape_cast %get3A_440 : vector<16xf32> to vector<1x16xf32>
      tpu.vector_store %arg22[%swap3A_441, %swap3A_442], %swap3A_445 {strides = array<i32>} : memref<128x128xf32, #tpu.memory_space<vmem>>, vector<1x16xf32>,
      %get3A_446 = arith.index_cast %squeeze3A_427 : i32 to index
      %get3A_447 = arith.constant 32 : index
      %get3A_448 = tpu.vector_load %arg15[%get3A_446, %get3A_447] {strides = array<i32>} : memref<17x64xf32, #tpu.memory_space<vmem>>, vector<1x16xf32>,
      %get3A_449 = vector.shape_cast %get3A_448 : vector<1x16xf32> to vector<16xf32>
      %swap3A_450 = arith.index_cast %add3A_375 : i32 to index
      %swap3A_451 = arith.constant 32 : index
      %swap3A_452 = tpu.vector_load %arg22[%swap3A_450, %swap3A_451] {strides = array<i32>} : memref<128x128xf32, #tpu.memory_space<vmem>>, vector<1x16xf32>,
      %swap3A_453 = vector.shape_cast %swap3A_452 : vector<1x16xf32> to vector<16xf32>
      %swap3A_454 = vector.shape_cast %get3A_449 : vector<16xf32> to vector<1x16xf32>
      tpu.vector_store %arg22[%swap3A_450, %swap3A_451], %swap3A_454 {strides = array<i32>} : memref<128x128xf32, #tpu.memory_space<vmem>>, vector<1x16xf32>,
      %get3A_455 = arith.index_cast %squeeze3A_427 : i32 to index
      %get3A_456 = arith.constant 48 : index
      %get3A_457 = tpu.vector_load %arg15[%get3A_455, %get3A_456] {strides = array<i32>} : memref<17x64xf32, #tpu.memory_space<vmem>>, vector<1x16xf32>,
      %get3A_458 = vector.shape_cast %get3A_457 : vector<1x16xf32> to vector<16xf32>
      %swap3A_459 = arith.index_cast %add3A_375 : i32 to index
      %swap3A_460 = arith.constant 48 : index
      %swap3A_461 = tpu.vector_load %arg22[%swap3A_459, %swap3A_460] {strides = array<i32>} : memref<128x128xf32, #tpu.memory_space<vmem>>, vector<1x16xf32>,
      %swap3A_462 = vector.shape_cast %swap3A_461 : vector<1x16xf32> to vector<16xf32>
      %swap3A_463 = vector.shape_cast %get3A_458 : vector<16xf32> to vector<1x16xf32>
      tpu.vector_store %arg22[%swap3A_459, %swap3A_460], %swap3A_463 {strides = array<i32>} : memref<128x128xf32, #tpu.memory_space<vmem>>, vector<1x16xf32>,
      %add3A_464 = arith.constant 128 : i32
      %add3A_465 = arith.addi %add3A_464, %add3A_375 : i32
      %get3A_466 = arith.constant 4 : i32
      %get3A_467 = arith.index_cast %get3A_466 : i32 to index
      %get3A_468 = arith.index_cast %add3A_465 : i32 to index
      %get3A_469 = tpu.vector_load %arg13[%get3A_467, %get3A_468] {strides = array<i32>} : memref<5x512xi32, #tpu.memory_space<vmem>>, vector<1x1xi32>,
      %get3A_470 = vector.shape_cast %get3A_469 : vector<1x1xi32> to vector<1xi32>
      %squeeze3A_471 = vector.extract %get3A_470[0] : i32 from vector<1xi32>
      %get3A_472 = arith.index_cast %squeeze3A_471 : i32 to index
      %get3A_473 = arith.constant 0 : index
      %get3A_474 = tpu.vector_load %arg16[%get3A_472, %get3A_473] {strides = array<i32>} : memref<81x64xf32, #tpu.memory_space<vmem>>, vector<1x16xf32>,
      %get3A_475 = vector.shape_cast %get3A_474 : vector<1x16xf32> to vector<16xf32>
      %swap3A_476 = arith.index_cast %add3A_375 : i32 to index
      %swap3A_477 = arith.constant 64 : index
      %swap3A_478 = tpu.vector_load %arg22[%swap3A_476, %swap3A_477] {strides = array<i32>} : memref<128x128xf32, #tpu.memory_space<vmem>>, vector<1x16xf32>,
      %swap3A_479 = vector.shape_cast %swap3A_478 : vector<1x16xf32> to vector<16xf32>
      %swap3A_480 = vector.shape_cast %get3A_475 : vector<16xf32> to vector<1x16xf32>
      tpu.vector_store %arg22[%swap3A_476, %swap3A_477], %swap3A_480 {strides = array<i32>} : memref<128x128xf32, #tpu.memory_space<vmem>>, vector<1x16xf32>,
      %get3A_481 = arith.index_cast %squeeze3A_471 : i32 to index
      %get3A_482 = arith.constant 16 : index
      %get3A_483 = tpu.vector_load %arg16[%get3A_481, %get3A_482] {strides = array<i32>} : memref<81x64xf32, #tpu.memory_space<vmem>>, vector<1x16xf32>,
      %get3A_484 = vector.shape_cast %get3A_483 : vector<1x16xf32> to vector<16xf32>
      %swap3A_485 = arith.index_cast %add3A_375 : i32 to index
      %swap3A_486 = arith.constant 80 : index
      %swap3A_487 = tpu.vector_load %arg22[%swap3A_485, %swap3A_486] {strides = array<i32>} : memref<128x128xf32, #tpu.memory_space<vmem>>, vector<1x16xf32>,
      %swap3A_488 = vector.shape_cast %swap3A_487 : vector<1x16xf32> to vector<16xf32>
      %swap3A_489 = vector.shape_cast %get3A_484 : vector<16xf32> to vector<1x16xf32>
      tpu.vector_store %arg22[%swap3A_485, %swap3A_486], %swap3A_489 {strides = array<i32>} : memref<128x128xf32, #tpu.memory_space<vmem>>, vector<1x16xf32>,
      %get3A_490 = arith.index_cast %squeeze3A_471 : i32 to index
      %get3A_491 = arith.constant 32 : index
      %get3A_492 = tpu.vector_load %arg16[%get3A_490, %get3A_491] {strides = array<i32>} : memref<81x64xf32, #tpu.memory_space<vmem>>, vector<1x16xf32>,
      %get3A_493 = vector.shape_cast %get3A_492 : vector<1x16xf32> to vector<16xf32>
      %swap3A_494 = arith.index_cast %add3A_375 : i32 to index
      %swap3A_495 = arith.constant 96 : index
      %swap3A_496 = tpu.vector_load %arg22[%swap3A_494, %swap3A_495] {strides = array<i32>} : memref<128x128xf32, #tpu.memory_space<vmem>>, vector<1x16xf32>,
      %swap3A_497 = vector.shape_cast %swap3A_496 : vector<1x16xf32> to vector<16xf32>
      %swap3A_498 = vector.shape_cast %get3A_493 : vector<16xf32> to vector<1x16xf32>
      tpu.vector_store %arg22[%swap3A_494, %swap3A_495], %swap3A_498 {strides = array<i32>} : memref<128x128xf32, #tpu.memory_space<vmem>>, vector<1x16xf32>,
      %get3A_499 = arith.index_cast %squeeze3A_471 : i32 to index
      %get3A_500 = arith.constant 48 : index
      %get3A_501 = tpu.vector_load %arg16[%get3A_499, %get3A_500] {strides = array<i32>} : memref<81x64xf32, #tpu.memory_space<vmem>>, vector<1x16xf32>,
      %get3A_502 = vector.shape_cast %get3A_501 : vector<1x16xf32> to vector<16xf32>
      %swap3A_503 = arith.index_cast %add3A_375 : i32 to index
      %swap3A_504 = arith.constant 112 : index
      %swap3A_505 = tpu.vector_load %arg22[%swap3A_503, %swap3A_504] {strides = array<i32>} : memref<128x128xf32, #tpu.memory_space<vmem>>, vector<1x16xf32>,
      %swap3A_506 = vector.shape_cast %swap3A_505 : vector<1x16xf32> to vector<16xf32>
      %swap3A_507 = vector.shape_cast %get3A_502 : vector<16xf32> to vector<1x16xf32>
      tpu.vector_store %arg22[%swap3A_503, %swap3A_504], %swap3A_507 {strides = array<i32>} : memref<128x128xf32, #tpu.memory_space<vmem>>, vector<1x16xf32>,
      %mul3A_508 = arith.constant 4 : i32
      %mul3A_509 = arith.muli %scan3A_238, %mul3A_508 : i32
      %add3A_510 = arith.constant 2 : i32
      %add3A_511 = arith.addi %mul3A_509, %add3A_510 : i32
      %add3A_512 = arith.constant 128 : i32
      %add3A_513 = arith.addi %add3A_512, %add3A_511 : i32
      %get3A_514 = arith.constant 2 : i32
      %get3A_515 = arith.index_cast %get3A_514 : i32 to index
      %get3A_516 = arith.index_cast %add3A_513 : i32 to index
      %get3A_517 = tpu.vector_load %arg13[%get3A_515, %get3A_516] {strides = array<i32>} : memref<5x512xi32, #tpu.memory_space<vmem>>, vector<1x1xi32>,
      %get3A_518 = vector.shape_cast %get3A_517 : vector<1x1xi32> to vector<1xi32>
      %squeeze3A_519 = vector.extract %get3A_518[0] : i32 from vector<1xi32>
      %get3A_520 = arith.index_cast %squeeze3A_519 : i32 to index
      %get3A_521 = arith.constant 0 : index
      %get3A_522 = tpu.vector_load %arg14[%get3A_520, %get3A_521] {strides = array<i32>} : memref<11x64xf32, #tpu.memory_space<vmem>>, vector<1x16xf32>,
      %get3A_523 = vector.shape_cast %get3A_522 : vector<1x16xf32> to vector<16xf32>
      %swap3A_524 = arith.index_cast %add3A_511 : i32 to index
      %swap3A_525 = arith.constant 0 : index
      %swap3A_526 = tpu.vector_load %arg21[%swap3A_524, %swap3A_525] {strides = array<i32>} : memref<128x64xf32, #tpu.memory_space<vmem>>, vector<1x16xf32>,
      %swap3A_527 = vector.shape_cast %swap3A_526 : vector<1x16xf32> to vector<16xf32>
      %swap3A_528 = vector.shape_cast %get3A_523 : vector<16xf32> to vector<1x16xf32>
      tpu.vector_store %arg21[%swap3A_524, %swap3A_525], %swap3A_528 {strides = array<i32>} : memref<128x64xf32, #tpu.memory_space<vmem>>, vector<1x16xf32>,
      %get3A_529 = arith.index_cast %squeeze3A_519 : i32 to index
      %get3A_530 = arith.constant 16 : index
      %get3A_531 = tpu.vector_load %arg14[%get3A_529, %get3A_530] {strides = array<i32>} : memref<11x64xf32, #tpu.memory_space<vmem>>, vector<1x16xf32>,
      %get3A_532 = vector.shape_cast %get3A_531 : vector<1x16xf32> to vector<16xf32>
      %swap3A_533 = arith.index_cast %add3A_511 : i32 to index
      %swap3A_534 = arith.constant 16 : index
      %swap3A_535 = tpu.vector_load %arg21[%swap3A_533, %swap3A_534] {strides = array<i32>} : memref<128x64xf32, #tpu.memory_space<vmem>>, vector<1x16xf32>,
      %swap3A_536 = vector.shape_cast %swap3A_535 : vector<1x16xf32> to vector<16xf32>
      %swap3A_537 = vector.shape_cast %get3A_532 : vector<16xf32> to vector<1x16xf32>
      tpu.vector_store %arg21[%swap3A_533, %swap3A_534], %swap3A_537 {strides = array<i32>} : memref<128x64xf32, #tpu.memory_space<vmem>>, vector<1x16xf32>,
      %get3A_538 = arith.index_cast %squeeze3A_519 : i32 to index
      %get3A_539 = arith.constant 32 : index
      %get3A_540 = tpu.vector_load %arg14[%get3A_538, %get3A_539] {strides = array<i32>} : memref<11x64xf32, #tpu.memory_space<vmem>>, vector<1x16xf32>,
      %get3A_541 = vector.shape_cast %get3A_540 : vector<1x16xf32> to vector<16xf32>
      %swap3A_542 = arith.index_cast %add3A_511 : i32 to index
      %swap3A_543 = arith.constant 32 : index
      %swap3A_544 = tpu.vector_load %arg21[%swap3A_542, %swap3A_543] {strides = array<i32>} : memref<128x64xf32, #tpu.memory_space<vmem>>, vector<1x16xf32>,
      %swap3A_545 = vector.shape_cast %swap3A_544 : vector<1x16xf32> to vector<16xf32>
      %swap3A_546 = vector.shape_cast %get3A_541 : vector<16xf32> to vector<1x16xf32>
      tpu.vector_store %arg21[%swap3A_542, %swap3A_543], %swap3A_546 {strides = array<i32>} : memref<128x64xf32, #tpu.memory_space<vmem>>, vector<1x16xf32>,
      %get3A_547 = arith.index_cast %squeeze3A_519 : i32 to index
      %get3A_548 = arith.constant 48 : index
      %get3A_549 = tpu.vector_load %arg14[%get3A_547, %get3A_548] {strides = array<i32>} : memref<11x64xf32, #tpu.memory_space<vmem>>, vector<1x16xf32>,
      %get3A_550 = vector.shape_cast %get3A_549 : vector<1x16xf32> to vector<16xf32>
      %swap3A_551 = arith.index_cast %add3A_511 : i32 to index
      %swap3A_552 = arith.constant 48 : index
      %swap3A_553 = tpu.vector_load %arg21[%swap3A_551, %swap3A_552] {strides = array<i32>} : memref<128x64xf32, #tpu.memory_space<vmem>>, vector<1x16xf32>,
      %swap3A_554 = vector.shape_cast %swap3A_553 : vector<1x16xf32> to vector<16xf32>
      %swap3A_555 = vector.shape_cast %get3A_550 : vector<16xf32> to vector<1x16xf32>
      tpu.vector_store %arg21[%swap3A_551, %swap3A_552], %swap3A_555 {strides = array<i32>} : memref<128x64xf32, #tpu.memory_space<vmem>>, vector<1x16xf32>,
      %add3A_556 = arith.constant 128 : i32
      %add3A_557 = arith.addi %add3A_556, %add3A_511 : i32
      %get3A_558 = arith.constant 3 : i32
      %get3A_559 = arith.index_cast %get3A_558 : i32 to index
      %get3A_560 = arith.index_cast %add3A_557 : i32 to index
      %get3A_561 = tpu.vector_load %arg13[%get3A_559, %get3A_560] {strides = array<i32>} : memref<5x512xi32, #tpu.memory_space<vmem>>, vector<1x1xi32>,
      %get3A_562 = vector.shape_cast %get3A_561 : vector<1x1xi32> to vector<1xi32>
      %squeeze3A_563 = vector.extract %get3A_562[0] : i32 from vector<1xi32>
      %get3A_564 = arith.index_cast %squeeze3A_563 : i32 to index
      %get3A_565 = arith.constant 0 : index
      %get3A_566 = tpu.vector_load %arg15[%get3A_564, %get3A_565] {strides = array<i32>} : memref<17x64xf32, #tpu.memory_space<vmem>>, vector<1x16xf32>,
      %get3A_567 = vector.shape_cast %get3A_566 : vector<1x16xf32> to vector<16xf32>
      %swap3A_568 = arith.index_cast %add3A_511 : i32 to index
      %swap3A_569 = arith.constant 0 : index
      %swap3A_570 = tpu.vector_load %arg22[%swap3A_568, %swap3A_569] {strides = array<i32>} : memref<128x128xf32, #tpu.memory_space<vmem>>, vector<1x16xf32>,
      %swap3A_571 = vector.shape_cast %swap3A_570 : vector<1x16xf32> to vector<16xf32>
      %swap3A_572 = vector.shape_cast %get3A_567 : vector<16xf32> to vector<1x16xf32>
      tpu.vector_store %arg22[%swap3A_568, %swap3A_569], %swap3A_572 {strides = array<i32>} : memref<128x128xf32, #tpu.memory_space<vmem>>, vector<1x16xf32>,
      %get3A_573 = arith.index_cast %squeeze3A_563 : i32 to index
      %get3A_574 = arith.constant 16 : index
      %get3A_575 = tpu.vector_load %arg15[%get3A_573, %get3A_574] {strides = array<i32>} : memref<17x64xf32, #tpu.memory_space<vmem>>, vector<1x16xf32>,
      %get3A_576 = vector.shape_cast %get3A_575 : vector<1x16xf32> to vector<16xf32>
      %swap3A_577 = arith.index_cast %add3A_511 : i32 to index
      %swap3A_578 = arith.constant 16 : index
      %swap3A_579 = tpu.vector_load %arg22[%swap3A_577, %swap3A_578] {strides = array<i32>} : memref<128x128xf32, #tpu.memory_space<vmem>>, vector<1x16xf32>,
      %swap3A_580 = vector.shape_cast %swap3A_579 : vector<1x16xf32> to vector<16xf32>
      %swap3A_581 = vector.shape_cast %get3A_576 : vector<16xf32> to vector<1x16xf32>
      tpu.vector_store %arg22[%swap3A_577, %swap3A_578], %swap3A_581 {strides = array<i32>} : memref<128x128xf32, #tpu.memory_space<vmem>>, vector<1x16xf32>,
      %get3A_582 = arith.index_cast %squeeze3A_563 : i32 to index
      %get3A_583 = arith.constant 32 : index
      %get3A_584 = tpu.vector_load %arg15[%get3A_582, %get3A_583] {strides = array<i32>} : memref<17x64xf32, #tpu.memory_space<vmem>>, vector<1x16xf32>,
      %get3A_585 = vector.shape_cast %get3A_584 : vector<1x16xf32> to vector<16xf32>
      %swap3A_586 = arith.index_cast %add3A_511 : i32 to index
      %swap3A_587 = arith.constant 32 : index
      %swap3A_588 = tpu.vector_load %arg22[%swap3A_586, %swap3A_587] {strides = array<i32>} : memref<128x128xf32, #tpu.memory_space<vmem>>, vector<1x16xf32>,
      %swap3A_589 = vector.shape_cast %swap3A_588 : vector<1x16xf32> to vector<16xf32>
      %swap3A_590 = vector.shape_cast %get3A_585 : vector<16xf32> to vector<1x16xf32>
      tpu.vector_store %arg22[%swap3A_586, %swap3A_587], %swap3A_590 {strides = array<i32>} : memref<128x128xf32, #tpu.memory_space<vmem>>, vector<1x16xf32>,
      %get3A_591 = arith.index_cast %squeeze3A_563 : i32 to index
      %get3A_592 = arith.constant 48 : index
      %get3A_593 = tpu.vector_load %arg15[%get3A_591, %get3A_592] {strides = array<i32>} : memref<17x64xf32, #tpu.memory_space<vmem>>, vector<1x16xf32>,
      %get3A_594 = vector.shape_cast %get3A_593 : vector<1x16xf32> to vector<16xf32>
      %swap3A_595 = arith.index_cast %add3A_511 : i32 to index
      %swap3A_596 = arith.constant 48 : index
      %swap3A_597 = tpu.vector_load %arg22[%swap3A_595, %swap3A_596] {strides = array<i32>} : memref<128x128xf32, #tpu.memory_space<vmem>>, vector<1x16xf32>,
      %swap3A_598 = vector.shape_cast %swap3A_597 : vector<1x16xf32> to vector<16xf32>
      %swap3A_599 = vector.shape_cast %get3A_594 : vector<16xf32> to vector<1x16xf32>
      tpu.vector_store %arg22[%swap3A_595, %swap3A_596], %swap3A_599 {strides = array<i32>} : memref<128x128xf32, #tpu.memory_space<vmem>>, vector<1x16xf32>,
      %add3A_600 = arith.constant 128 : i32
      %add3A_601 = arith.addi %add3A_600, %add3A_511 : i32
      %get3A_602 = arith.constant 4 : i32
      %get3A_603 = arith.index_cast %get3A_602 : i32 to index
      %get3A_604 = arith.index_cast %add3A_601 : i32 to index
      %get3A_605 = tpu.vector_load %arg13[%get3A_603, %get3A_604] {strides = array<i32>} : memref<5x512xi32, #tpu.memory_space<vmem>>, vector<1x1xi32>,
      %get3A_606 = vector.shape_cast %get3A_605 : vector<1x1xi32> to vector<1xi32>
      %squeeze3A_607 = vector.extract %get3A_606[0] : i32 from vector<1xi32>
      %get3A_608 = arith.index_cast %squeeze3A_607 : i32 to index
      %get3A_609 = arith.constant 0 : index
      %get3A_610 = tpu.vector_load %arg16[%get3A_608, %get3A_609] {strides = array<i32>} : memref<81x64xf32, #tpu.memory_space<vmem>>, vector<1x16xf32>,
      %get3A_611 = vector.shape_cast %get3A_610 : vector<1x16xf32> to vector<16xf32>
      %swap3A_612 = arith.index_cast %add3A_511 : i32 to index
      %swap3A_613 = arith.constant 64 : index
      %swap3A_614 = tpu.vector_load %arg22[%swap3A_612, %swap3A_613] {strides = array<i32>} : memref<128x128xf32, #tpu.memory_space<vmem>>, vector<1x16xf32>,
      %swap3A_615 = vector.shape_cast %swap3A_614 : vector<1x16xf32> to vector<16xf32>
      %swap3A_616 = vector.shape_cast %get3A_611 : vector<16xf32> to vector<1x16xf32>
      tpu.vector_store %arg22[%swap3A_612, %swap3A_613], %swap3A_616 {strides = array<i32>} : memref<128x128xf32, #tpu.memory_space<vmem>>, vector<1x16xf32>,
      %get3A_617 = arith.index_cast %squeeze3A_607 : i32 to index
      %get3A_618 = arith.constant 16 : index
      %get3A_619 = tpu.vector_load %arg16[%get3A_617, %get3A_618] {strides = array<i32>} : memref<81x64xf32, #tpu.memory_space<vmem>>, vector<1x16xf32>,
      %get3A_620 = vector.shape_cast %get3A_619 : vector<1x16xf32> to vector<16xf32>
      %swap3A_621 = arith.index_cast %add3A_511 : i32 to index
      %swap3A_622 = arith.constant 80 : index
      %swap3A_623 = tpu.vector_load %arg22[%swap3A_621, %swap3A_622] {strides = array<i32>} : memref<128x128xf32, #tpu.memory_space<vmem>>, vector<1x16xf32>,
      %swap3A_624 = vector.shape_cast %swap3A_623 : vector<1x16xf32> to vector<16xf32>
      %swap3A_625 = vector.shape_cast %get3A_620 : vector<16xf32> to vector<1x16xf32>
      tpu.vector_store %arg22[%swap3A_621, %swap3A_622], %swap3A_625 {strides = array<i32>} : memref<128x128xf32, #tpu.memory_space<vmem>>, vector<1x16xf32>,
      %get3A_626 = arith.index_cast %squeeze3A_607 : i32 to index
      %get3A_627 = arith.constant 32 : index
      %get3A_628 = tpu.vector_load %arg16[%get3A_626, %get3A_627] {strides = array<i32>} : memref<81x64xf32, #tpu.memory_space<vmem>>, vector<1x16xf32>,
      %get3A_629 = vector.shape_cast %get3A_628 : vector<1x16xf32> to vector<16xf32>
      %swap3A_630 = arith.index_cast %add3A_511 : i32 to index
      %swap3A_631 = arith.constant 96 : index
      %swap3A_632 = tpu.vector_load %arg22[%swap3A_630, %swap3A_631] {strides = array<i32>} : memref<128x128xf32, #tpu.memory_space<vmem>>, vector<1x16xf32>,
      %swap3A_633 = vector.shape_cast %swap3A_632 : vector<1x16xf32> to vector<16xf32>
      %swap3A_634 = vector.shape_cast %get3A_629 : vector<16xf32> to vector<1x16xf32>
      tpu.vector_store %arg22[%swap3A_630, %swap3A_631], %swap3A_634 {strides = array<i32>} : memref<128x128xf32, #tpu.memory_space<vmem>>, vector<1x16xf32>,
      %get3A_635 = arith.index_cast %squeeze3A_607 : i32 to index
      %get3A_636 = arith.constant 48 : index
      %get3A_637 = tpu.vector_load %arg16[%get3A_635, %get3A_636] {strides = array<i32>} : memref<81x64xf32, #tpu.memory_space<vmem>>, vector<1x16xf32>,
      %get3A_638 = vector.shape_cast %get3A_637 : vector<1x16xf32> to vector<16xf32>
      %swap3A_639 = arith.index_cast %add3A_511 : i32 to index
      %swap3A_640 = arith.constant 112 : index
      %swap3A_641 = tpu.vector_load %arg22[%swap3A_639, %swap3A_640] {strides = array<i32>} : memref<128x128xf32, #tpu.memory_space<vmem>>, vector<1x16xf32>,
      %swap3A_642 = vector.shape_cast %swap3A_641 : vector<1x16xf32> to vector<16xf32>
      %swap3A_643 = vector.shape_cast %get3A_638 : vector<16xf32> to vector<1x16xf32>
      tpu.vector_store %arg22[%swap3A_639, %swap3A_640], %swap3A_643 {strides = array<i32>} : memref<128x128xf32, #tpu.memory_space<vmem>>, vector<1x16xf32>,
      %mul3A_644 = arith.constant 4 : i32
      %mul3A_645 = arith.muli %scan3A_238, %mul3A_644 : i32
      %add3A_646 = arith.constant 3 : i32
      %add3A_647 = arith.addi %mul3A_645, %add3A_646 : i32
      %add3A_648 = arith.constant 128 : i32
      %add3A_649 = arith.addi %add3A_648, %add3A_647 : i32
      %get3A_650 = arith.constant 2 : i32
      %get3A_651 = arith.index_cast %get3A_650 : i32 to index
      %get3A_652 = arith.index_cast %add3A_649 : i32 to index
      %get3A_653 = tpu.vector_load %arg13[%get3A_651, %get3A_652] {strides = array<i32>} : memref<5x512xi32, #tpu.memory_space<vmem>>, vector<1x1xi32>,
      %get3A_654 = vector.shape_cast %get3A_653 : vector<1x1xi32> to vector<1xi32>
      %squeeze3A_655 = vector.extract %get3A_654[0] : i32 from vector<1xi32>
      %get3A_656 = arith.index_cast %squeeze3A_655 : i32 to index
      %get3A_657 = arith.constant 0 : index
      %get3A_658 = tpu.vector_load %arg14[%get3A_656, %get3A_657] {strides = array<i32>} : memref<11x64xf32, #tpu.memory_space<vmem>>, vector<1x16xf32>,
      %get3A_659 = vector.shape_cast %get3A_658 : vector<1x16xf32> to vector<16xf32>
      %swap3A_660 = arith.index_cast %add3A_647 : i32 to index
      %swap3A_661 = arith.constant 0 : index
      %swap3A_662 = tpu.vector_load %arg21[%swap3A_660, %swap3A_661] {strides = array<i32>} : memref<128x64xf32, #tpu.memory_space<vmem>>, vector<1x16xf32>,
      %swap3A_663 = vector.shape_cast %swap3A_662 : vector<1x16xf32> to vector<16xf32>
      %swap3A_664 = vector.shape_cast %get3A_659 : vector<16xf32> to vector<1x16xf32>
      tpu.vector_store %arg21[%swap3A_660, %swap3A_661], %swap3A_664 {strides = array<i32>} : memref<128x64xf32, #tpu.memory_space<vmem>>, vector<1x16xf32>,
      %get3A_665 = arith.index_cast %squeeze3A_655 : i32 to index
      %get3A_666 = arith.constant 16 : index
      %get3A_667 = tpu.vector_load %arg14[%get3A_665, %get3A_666] {strides = array<i32>} : memref<11x64xf32, #tpu.memory_space<vmem>>, vector<1x16xf32>,
      %get3A_668 = vector.shape_cast %get3A_667 : vector<1x16xf32> to vector<16xf32>
      %swap3A_669 = arith.index_cast %add3A_647 : i32 to index
      %swap3A_670 = arith.constant 16 : index
      %swap3A_671 = tpu.vector_load %arg21[%swap3A_669, %swap3A_670] {strides = array<i32>} : memref<128x64xf32, #tpu.memory_space<vmem>>, vector<1x16xf32>,
      %swap3A_672 = vector.shape_cast %swap3A_671 : vector<1x16xf32> to vector<16xf32>
      %swap3A_673 = vector.shape_cast %get3A_668 : vector<16xf32> to vector<1x16xf32>
      tpu.vector_store %arg21[%swap3A_669, %swap3A_670], %swap3A_673 {strides = array<i32>} : memref<128x64xf32, #tpu.memory_space<vmem>>, vector<1x16xf32>,
      %get3A_674 = arith.index_cast %squeeze3A_655 : i32 to index
      %get3A_675 = arith.constant 32 : index
      %get3A_676 = tpu.vector_load %arg14[%get3A_674, %get3A_675] {strides = array<i32>} : memref<11x64xf32, #tpu.memory_space<vmem>>, vector<1x16xf32>,
      %get3A_677 = vector.shape_cast %get3A_676 : vector<1x16xf32> to vector<16xf32>
      %swap3A_678 = arith.index_cast %add3A_647 : i32 to index
      %swap3A_679 = arith.constant 32 : index
      %swap3A_680 = tpu.vector_load %arg21[%swap3A_678, %swap3A_679] {strides = array<i32>} : memref<128x64xf32, #tpu.memory_space<vmem>>, vector<1x16xf32>,
      %swap3A_681 = vector.shape_cast %swap3A_680 : vector<1x16xf32> to vector<16xf32>
      %swap3A_682 = vector.shape_cast %get3A_677 : vector<16xf32> to vector<1x16xf32>
      tpu.vector_store %arg21[%swap3A_678, %swap3A_679], %swap3A_682 {strides = array<i32>} : memref<128x64xf32, #tpu.memory_space<vmem>>, vector<1x16xf32>,
      %get3A_683 = arith.index_cast %squeeze3A_655 : i32 to index
      %get3A_684 = arith.constant 48 : index
      %get3A_685 = tpu.vector_load %arg14[%get3A_683, %get3A_684] {strides = array<i32>} : memref<11x64xf32, #tpu.memory_space<vmem>>, vector<1x16xf32>,
      %get3A_686 = vector.shape_cast %get3A_685 : vector<1x16xf32> to vector<16xf32>
      %swap3A_687 = arith.index_cast %add3A_647 : i32 to index
      %swap3A_688 = arith.constant 48 : index
      %swap3A_689 = tpu.vector_load %arg21[%swap3A_687, %swap3A_688] {strides = array<i32>} : memref<128x64xf32, #tpu.memory_space<vmem>>, vector<1x16xf32>,
      %swap3A_690 = vector.shape_cast %swap3A_689 : vector<1x16xf32> to vector<16xf32>
      %swap3A_691 = vector.shape_cast %get3A_686 : vector<16xf32> to vector<1x16xf32>
      tpu.vector_store %arg21[%swap3A_687, %swap3A_688], %swap3A_691 {strides = array<i32>} : memref<128x64xf32, #tpu.memory_space<vmem>>, vector<1x16xf32>,
      %add3A_692 = arith.constant 128 : i32
      %add3A_693 = arith.addi %add3A_692, %add3A_647 : i32
      %get3A_694 = arith.constant 3 : i32
      %get3A_695 = arith.index_cast %get3A_694 : i32 to index
      %get3A_696 = arith.index_cast %add3A_693 : i32 to index
      %get3A_697 = tpu.vector_load %arg13[%get3A_695, %get3A_696] {strides = array<i32>} : memref<5x512xi32, #tpu.memory_space<vmem>>, vector<1x1xi32>,
      %get3A_698 = vector.shape_cast %get3A_697 : vector<1x1xi32> to vector<1xi32>
      %squeeze3A_699 = vector.extract %get3A_698[0] : i32 from vector<1xi32>
      %get3A_700 = arith.index_cast %squeeze3A_699 : i32 to index
      %get3A_701 = arith.constant 0 : index
      %get3A_702 = tpu.vector_load %arg15[%get3A_700, %get3A_701] {strides = array<i32>} : memref<17x64xf32, #tpu.memory_space<vmem>>, vector<1x16xf32>,
      %get3A_703 = vector.shape_cast %get3A_702 : vector<1x16xf32> to vector<16xf32>
      %swap3A_704 = arith.index_cast %add3A_647 : i32 to index
      %swap3A_705 = arith.constant 0 : index
      %swap3A_706 = tpu.vector_load %arg22[%swap3A_704, %swap3A_705] {strides = array<i32>} : memref<128x128xf32, #tpu.memory_space<vmem>>, vector<1x16xf32>,
      %swap3A_707 = vector.shape_cast %swap3A_706 : vector<1x16xf32> to vector<16xf32>
      %swap3A_708 = vector.shape_cast %get3A_703 : vector<16xf32> to vector<1x16xf32>
      tpu.vector_store %arg22[%swap3A_704, %swap3A_705], %swap3A_708 {strides = array<i32>} : memref<128x128xf32, #tpu.memory_space<vmem>>, vector<1x16xf32>,
      %get3A_709 = arith.index_cast %squeeze3A_699 : i32 to index
      %get3A_710 = arith.constant 16 : index
      %get3A_711 = tpu.vector_load %arg15[%get3A_709, %get3A_710] {strides = array<i32>} : memref<17x64xf32, #tpu.memory_space<vmem>>, vector<1x16xf32>,
      %get3A_712 = vector.shape_cast %get3A_711 : vector<1x16xf32> to vector<16xf32>
      %swap3A_713 = arith.index_cast %add3A_647 : i32 to index
      %swap3A_714 = arith.constant 16 : index
      %swap3A_715 = tpu.vector_load %arg22[%swap3A_713, %swap3A_714] {strides = array<i32>} : memref<128x128xf32, #tpu.memory_space<vmem>>, vector<1x16xf32>,
      %swap3A_716 = vector.shape_cast %swap3A_715 : vector<1x16xf32> to vector<16xf32>
      %swap3A_717 = vector.shape_cast %get3A_712 : vector<16xf32> to vector<1x16xf32>
      tpu.vector_store %arg22[%swap3A_713, %swap3A_714], %swap3A_717 {strides = array<i32>} : memref<128x128xf32, #tpu.memory_space<vmem>>, vector<1x16xf32>,
      %get3A_718 = arith.index_cast %squeeze3A_699 : i32 to index
      %get3A_719 = arith.constant 32 : index
      %get3A_720 = tpu.vector_load %arg15[%get3A_718, %get3A_719] {strides = array<i32>} : memref<17x64xf32, #tpu.memory_space<vmem>>, vector<1x16xf32>,
      %get3A_721 = vector.shape_cast %get3A_720 : vector<1x16xf32> to vector<16xf32>
      %swap3A_722 = arith.index_cast %add3A_647 : i32 to index
      %swap3A_723 = arith.constant 32 : index
      %swap3A_724 = tpu.vector_load %arg22[%swap3A_722, %swap3A_723] {strides = array<i32>} : memref<128x128xf32, #tpu.memory_space<vmem>>, vector<1x16xf32>,
      %swap3A_725 = vector.shape_cast %swap3A_724 : vector<1x16xf32> to vector<16xf32>
      %swap3A_726 = vector.shape_cast %get3A_721 : vector<16xf32> to vector<1x16xf32>
      tpu.vector_store %arg22[%swap3A_722, %swap3A_723], %swap3A_726 {strides = array<i32>} : memref<128x128xf32, #tpu.memory_space<vmem>>, vector<1x16xf32>,
      %get3A_727 = arith.index_cast %squeeze3A_699 : i32 to index
      %get3A_728 = arith.constant 48 : index
      %get3A_729 = tpu.vector_load %arg15[%get3A_727, %get3A_728] {strides = array<i32>} : memref<17x64xf32, #tpu.memory_space<vmem>>, vector<1x16xf32>,
      %get3A_730 = vector.shape_cast %get3A_729 : vector<1x16xf32> to vector<16xf32>
      %swap3A_731 = arith.index_cast %add3A_647 : i32 to index
      %swap3A_732 = arith.constant 48 : index
      %swap3A_733 = tpu.vector_load %arg22[%swap3A_731, %swap3A_732] {strides = array<i32>} : memref<128x128xf32, #tpu.memory_space<vmem>>, vector<1x16xf32>,
      %swap3A_734 = vector.shape_cast %swap3A_733 : vector<1x16xf32> to vector<16xf32>
      %swap3A_735 = vector.shape_cast %get3A_730 : vector<16xf32> to vector<1x16xf32>
      tpu.vector_store %arg22[%swap3A_731, %swap3A_732], %swap3A_735 {strides = array<i32>} : memref<128x128xf32, #tpu.memory_space<vmem>>, vector<1x16xf32>,
      %add3A_736 = arith.constant 128 : i32
      %add3A_737 = arith.addi %add3A_736, %add3A_647 : i32
      %get3A_738 = arith.constant 4 : i32
      %get3A_739 = arith.index_cast %get3A_738 : i32 to index
      %get3A_740 = arith.index_cast %add3A_737 : i32 to index
      %get3A_741 = tpu.vector_load %arg13[%get3A_739, %get3A_740] {strides = array<i32>} : memref<5x512xi32, #tpu.memory_space<vmem>>, vector<1x1xi32>,
      %get3A_742 = vector.shape_cast %get3A_741 : vector<1x1xi32> to vector<1xi32>
      %squeeze3A_743 = vector.extract %get3A_742[0] : i32 from vector<1xi32>
      %get3A_744 = arith.index_cast %squeeze3A_743 : i32 to index
      %get3A_745 = arith.constant 0 : index
      %get3A_746 = tpu.vector_load %arg16[%get3A_744, %get3A_745] {strides = array<i32>} : memref<81x64xf32, #tpu.memory_space<vmem>>, vector<1x16xf32>,
      %get3A_747 = vector.shape_cast %get3A_746 : vector<1x16xf32> to vector<16xf32>
      %swap3A_748 = arith.index_cast %add3A_647 : i32 to index
      %swap3A_749 = arith.constant 64 : index
      %swap3A_750 = tpu.vector_load %arg22[%swap3A_748, %swap3A_749] {strides = array<i32>} : memref<128x128xf32, #tpu.memory_space<vmem>>, vector<1x16xf32>,
      %swap3A_751 = vector.shape_cast %swap3A_750 : vector<1x16xf32> to vector<16xf32>
      %swap3A_752 = vector.shape_cast %get3A_747 : vector<16xf32> to vector<1x16xf32>
      tpu.vector_store %arg22[%swap3A_748, %swap3A_749], %swap3A_752 {strides = array<i32>} : memref<128x128xf32, #tpu.memory_space<vmem>>, vector<1x16xf32>,
      %get3A_753 = arith.index_cast %squeeze3A_743 : i32 to index
      %get3A_754 = arith.constant 16 : index
      %get3A_755 = tpu.vector_load %arg16[%get3A_753, %get3A_754] {strides = array<i32>} : memref<81x64xf32, #tpu.memory_space<vmem>>, vector<1x16xf32>,
      %get3A_756 = vector.shape_cast %get3A_755 : vector<1x16xf32> to vector<16xf32>
      %swap3A_757 = arith.index_cast %add3A_647 : i32 to index
      %swap3A_758 = arith.constant 80 : index
      %swap3A_759 = tpu.vector_load %arg22[%swap3A_757, %swap3A_758] {strides = array<i32>} : memref<128x128xf32, #tpu.memory_space<vmem>>, vector<1x16xf32>,
      %swap3A_760 = vector.shape_cast %swap3A_759 : vector<1x16xf32> to vector<16xf32>
      %swap3A_761 = vector.shape_cast %get3A_756 : vector<16xf32> to vector<1x16xf32>
      tpu.vector_store %arg22[%swap3A_757, %swap3A_758], %swap3A_761 {strides = array<i32>} : memref<128x128xf32, #tpu.memory_space<vmem>>, vector<1x16xf32>,
      %get3A_762 = arith.index_cast %squeeze3A_743 : i32 to index
      %get3A_763 = arith.constant 32 : index
      %get3A_764 = tpu.vector_load %arg16[%get3A_762, %get3A_763] {strides = array<i32>} : memref<81x64xf32, #tpu.memory_space<vmem>>, vector<1x16xf32>,
      %get3A_765 = vector.shape_cast %get3A_764 : vector<1x16xf32> to vector<16xf32>
      %swap3A_766 = arith.index_cast %add3A_647 : i32 to index
      %swap3A_767 = arith.constant 96 : index
      %swap3A_768 = tpu.vector_load %arg22[%swap3A_766, %swap3A_767] {strides = array<i32>} : memref<128x128xf32, #tpu.memory_space<vmem>>, vector<1x16xf32>,
      %swap3A_769 = vector.shape_cast %swap3A_768 : vector<1x16xf32> to vector<16xf32>
      %swap3A_770 = vector.shape_cast %get3A_765 : vector<16xf32> to vector<1x16xf32>
      tpu.vector_store %arg22[%swap3A_766, %swap3A_767], %swap3A_770 {strides = array<i32>} : memref<128x128xf32, #tpu.memory_space<vmem>>, vector<1x16xf32>,
      %get3A_771 = arith.index_cast %squeeze3A_743 : i32 to index
      %get3A_772 = arith.constant 48 : index
      %get3A_773 = tpu.vector_load %arg16[%get3A_771, %get3A_772] {strides = array<i32>} : memref<81x64xf32, #tpu.memory_space<vmem>>, vector<1x16xf32>,
      %get3A_774 = vector.shape_cast %get3A_773 : vector<1x16xf32> to vector<16xf32>
      %swap3A_775 = arith.index_cast %add3A_647 : i32 to index
      %swap3A_776 = arith.constant 112 : index
      %swap3A_777 = tpu.vector_load %arg22[%swap3A_775, %swap3A_776] {strides = array<i32>} : memref<128x128xf32, #tpu.memory_space<vmem>>, vector<1x16xf32>,
      %swap3A_778 = vector.shape_cast %swap3A_777 : vector<1x16xf32> to vector<16xf32>
      %swap3A_779 = vector.shape_cast %get3A_774 : vector<16xf32> to vector<1x16xf32>
      tpu.vector_store %arg22[%swap3A_775, %swap3A_776], %swap3A_779 {strides = array<i32>} : memref<128x128xf32, #tpu.memory_space<vmem>>, vector<1x16xf32>,
    }
    %scan3A_127 = arith.constant 32 : i32
    %add3A_128 = arith.constant 128 : i32
    %add3A_129 = arith.addi %mul3A_2, %add3A_128 : i32
    %dma_start3A_130 = arith.constant 64 : i32
    %dma_start3A_131 = tpu.memref_slice %arg12[%add3A_129, %dma_start3A_130] : memref<16384x320xf32, #tpu.memory_space<hbm>> -> memref<128x64xf32, #tpu.memory_space<hbm>>
    %dma_start3A_132 = arith.constant 64 : i32
    %dma_start3A_133 = tpu.memref_slice %arg12[%add3A_129, %dma_start3A_132] : memref<16384x320xf32, #tpu.memory_space<hbm>> -> memref<128x64xf32, #tpu.memory_space<hbm>>
    tpu.enqueue_dma source(%arg21 : memref<128x64xf32, #tpu.memory_space<vmem>>) target(%dma_start3A_133 : memref<128x64xf32, #tpu.memory_space<hbm>>) target_semaphore(%arg29 : memref<!tpu.dma_semaphore, #tpu.memory_space<semaphore_mem>>)
    %add3A_134 = arith.constant 128 : i32
    %add3A_135 = arith.addi %mul3A_2, %add3A_134 : i32
    %dma_start3A_136 = arith.constant 192 : i32
    %dma_start3A_137 = tpu.memref_slice %arg12[%add3A_135, %dma_start3A_136] : memref<16384x320xf32, #tpu.memory_space<hbm>> -> memref<128x128xf32, #tpu.memory_space<hbm>>
    %dma_start3A_138 = arith.constant 192 : i32
    %dma_start3A_139 = tpu.memref_slice %arg12[%add3A_135, %dma_start3A_138] : memref<16384x320xf32, #tpu.memory_space<hbm>> -> memref<128x128xf32, #tpu.memory_space<hbm>>
    tpu.enqueue_dma source(%arg22 : memref<128x128xf32, #tpu.memory_space<vmem>>) target(%dma_start3A_139 : memref<128x128xf32, #tpu.memory_space<hbm>>) target_semaphore(%arg29 : memref<!tpu.dma_semaphore, #tpu.memory_space<semaphore_mem>>)
    %dma_wait3A_140 = arith.constant 64 : i32
    %dma_wait3A_141 = tpu.memref_slice %arg12[%add3A_111, %dma_wait3A_140] : memref<16384x320xf32, #tpu.memory_space<hbm>> -> memref<128x64xf32, #tpu.memory_space<hbm>>
    %dma_wait3A_142 = arith.constant 64 : i32
    %dma_wait3A_143 = tpu.memref_slice %arg12[%add3A_111, %dma_wait3A_142] : memref<16384x320xf32, #tpu.memory_space<hbm>> -> memref<128x64xf32, #tpu.memory_space<hbm>>
    tpu.wait_dma2 semaphore(%arg28 : memref<!tpu.dma_semaphore, #tpu.memory_space<semaphore_mem>>) src(%arg19 : memref<128x64xf32, #tpu.memory_space<vmem>>) dst(%dma_wait3A_143 : memref<128x64xf32, #tpu.memory_space<hbm>>)
    %dma_wait3A_144 = arith.constant 192 : i32
    %dma_wait3A_145 = tpu.memref_slice %arg12[%add3A_117, %dma_wait3A_144] : memref<16384x320xf32, #tpu.memory_space<hbm>> -> memref<128x128xf32, #tpu.memory_space<hbm>>
    %dma_wait3A_146 = arith.constant 192 : i32
    %dma_wait3A_147 = tpu.memref_slice %arg12[%add3A_117, %dma_wait3A_146] : memref<16384x320xf32, #tpu.memory_space<hbm>> -> memref<128x128xf32, #tpu.memory_space<hbm>>
    tpu.wait_dma2 semaphore(%arg28 : memref<!tpu.dma_semaphore, #tpu.memory_space<semaphore_mem>>) src(%arg20 : memref<128x128xf32, #tpu.memory_space<vmem>>) dst(%dma_wait3A_147 : memref<128x128xf32, #tpu.memory_space<hbm>>)
    %scan3A_148 = arith.constant 0 : i32
    %scan3A_149 = arith.constant 0 : i32
    %scan3A_150 = arith.constant 32 : i32
    %scan3A_151 = arith.addi %scan3A_149, %scan3A_150 : i32
    %scan3A_152 = arith.constant 1 : i32
    scf.for %scan3A_238 = %scan3A_149 to %scan3A_151 step %scan3A_152  : i32 {
      %mul3A_239 = arith.constant 4 : i32
      %mul3A_240 = arith.muli %scan3A_238, %mul3A_239 : i32
      %add3A_241 = arith.constant 0 : i32
      %add3A_242 = arith.addi %mul3A_240, %add3A_241 : i32
      %add3A_243 = arith.constant 256 : i32
      %add3A_244 = arith.addi %add3A_243, %add3A_242 : i32
      %get3A = arith.constant 2 : i32
      %get3A_245 = arith.index_cast %get3A : i32 to index
      %get3A_246 = arith.index_cast %add3A_244 : i32 to index
      %get3A_247 = tpu.vector_load %arg13[%get3A_245, %get3A_246] {strides = array<i32>} : memref<5x512xi32, #tpu.memory_space<vmem>>, vector<1x1xi32>,
      %get3A_248 = vector.shape_cast %get3A_247 : vector<1x1xi32> to vector<1xi32>
      %squeeze3A = vector.extract %get3A_248[0] : i32 from vector<1xi32>
      %get3A_249 = arith.index_cast %squeeze3A : i32 to index
      %get3A_250 = arith.constant 0 : index
      %get3A_251 = tpu.vector_load %arg14[%get3A_249, %get3A_250] {strides = array<i32>} : memref<11x64xf32, #tpu.memory_space<vmem>>, vector<1x16xf32>,
      %get3A_252 = vector.shape_cast %get3A_251 : vector<1x16xf32> to vector<16xf32>
      %swap3A = arith.index_cast %add3A_242 : i32 to index
      %swap3A_253 = arith.constant 0 : index
      %swap3A_254 = tpu.vector_load %arg19[%swap3A, %swap3A_253] {strides = array<i32>} : memref<128x64xf32, #tpu.memory_space<vmem>>, vector<1x16xf32>,
      %swap3A_255 = vector.shape_cast %swap3A_254 : vector<1x16xf32> to vector<16xf32>
      %swap3A_256 = vector.shape_cast %get3A_252 : vector<16xf32> to vector<1x16xf32>
      tpu.vector_store %arg19[%swap3A, %swap3A_253], %swap3A_256 {strides = array<i32>} : memref<128x64xf32, #tpu.memory_space<vmem>>, vector<1x16xf32>,
      %get3A_257 = arith.index_cast %squeeze3A : i32 to index
      %get3A_258 = arith.constant 16 : index
      %get3A_259 = tpu.vector_load %arg14[%get3A_257, %get3A_258] {strides = array<i32>} : memref<11x64xf32, #tpu.memory_space<vmem>>, vector<1x16xf32>,
      %get3A_260 = vector.shape_cast %get3A_259 : vector<1x16xf32> to vector<16xf32>
      %swap3A_261 = arith.index_cast %add3A_242 : i32 to index
      %swap3A_262 = arith.constant 16 : index
      %swap3A_263 = tpu.vector_load %arg19[%swap3A_261, %swap3A_262] {strides = array<i32>} : memref<128x64xf32, #tpu.memory_space<vmem>>, vector<1x16xf32>,
      %swap3A_264 = vector.shape_cast %swap3A_263 : vector<1x16xf32> to vector<16xf32>
      %swap3A_265 = vector.shape_cast %get3A_260 : vector<16xf32> to vector<1x16xf32>
      tpu.vector_store %arg19[%swap3A_261, %swap3A_262], %swap3A_265 {strides = array<i32>} : memref<128x64xf32, #tpu.memory_space<vmem>>, vector<1x16xf32>,
      %get3A_266 = arith.index_cast %squeeze3A : i32 to index
      %get3A_267 = arith.constant 32 : index
      %get3A_268 = tpu.vector_load %arg14[%get3A_266, %get3A_267] {strides = array<i32>} : memref<11x64xf32, #tpu.memory_space<vmem>>, vector<1x16xf32>,
      %get3A_269 = vector.shape_cast %get3A_268 : vector<1x16xf32> to vector<16xf32>
      %swap3A_270 = arith.index_cast %add3A_242 : i32 to index
      %swap3A_271 = arith.constant 32 : index
      %swap3A_272 = tpu.vector_load %arg19[%swap3A_270, %swap3A_271] {strides = array<i32>} : memref<128x64xf32, #tpu.memory_space<vmem>>, vector<1x16xf32>,
      %swap3A_273 = vector.shape_cast %swap3A_272 : vector<1x16xf32> to vector<16xf32>
      %swap3A_274 = vector.shape_cast %get3A_269 : vector<16xf32> to vector<1x16xf32>
      tpu.vector_store %arg19[%swap3A_270, %swap3A_271], %swap3A_274 {strides = array<i32>} : memref<128x64xf32, #tpu.memory_space<vmem>>, vector<1x16xf32>,
      %get3A_275 = arith.index_cast %squeeze3A : i32 to index
      %get3A_276 = arith.constant 48 : index
      %get3A_277 = tpu.vector_load %arg14[%get3A_275, %get3A_276] {strides = array<i32>} : memref<11x64xf32, #tpu.memory_space<vmem>>, vector<1x16xf32>,
      %get3A_278 = vector.shape_cast %get3A_277 : vector<1x16xf32> to vector<16xf32>
      %swap3A_279 = arith.index_cast %add3A_242 : i32 to index
      %swap3A_280 = arith.constant 48 : index
      %swap3A_281 = tpu.vector_load %arg19[%swap3A_279, %swap3A_280] {strides = array<i32>} : memref<128x64xf32, #tpu.memory_space<vmem>>, vector<1x16xf32>,
      %swap3A_282 = vector.shape_cast %swap3A_281 : vector<1x16xf32> to vector<16xf32>
      %swap3A_283 = vector.shape_cast %get3A_278 : vector<16xf32> to vector<1x16xf32>
      tpu.vector_store %arg19[%swap3A_279, %swap3A_280], %swap3A_283 {strides = array<i32>} : memref<128x64xf32, #tpu.memory_space<vmem>>, vector<1x16xf32>,
      %add3A_284 = arith.constant 256 : i32
      %add3A_285 = arith.addi %add3A_284, %add3A_242 : i32
      %get3A_286 = arith.constant 3 : i32
      %get3A_287 = arith.index_cast %get3A_286 : i32 to index
      %get3A_288 = arith.index_cast %add3A_285 : i32 to index
      %get3A_289 = tpu.vector_load %arg13[%get3A_287, %get3A_288] {strides = array<i32>} : memref<5x512xi32, #tpu.memory_space<vmem>>, vector<1x1xi32>,
      %get3A_290 = vector.shape_cast %get3A_289 : vector<1x1xi32> to vector<1xi32>
      %squeeze3A_291 = vector.extract %get3A_290[0] : i32 from vector<1xi32>
      %get3A_292 = arith.index_cast %squeeze3A_291 : i32 to index
      %get3A_293 = arith.constant 0 : index
      %get3A_294 = tpu.vector_load %arg15[%get3A_292, %get3A_293] {strides = array<i32>} : memref<17x64xf32, #tpu.memory_space<vmem>>, vector<1x16xf32>,
      %get3A_295 = vector.shape_cast %get3A_294 : vector<1x16xf32> to vector<16xf32>
      %swap3A_296 = arith.index_cast %add3A_242 : i32 to index
      %swap3A_297 = arith.constant 0 : index
      %swap3A_298 = tpu.vector_load %arg20[%swap3A_296, %swap3A_297] {strides = array<i32>} : memref<128x128xf32, #tpu.memory_space<vmem>>, vector<1x16xf32>,
      %swap3A_299 = vector.shape_cast %swap3A_298 : vector<1x16xf32> to vector<16xf32>
      %swap3A_300 = vector.shape_cast %get3A_295 : vector<16xf32> to vector<1x16xf32>
      tpu.vector_store %arg20[%swap3A_296, %swap3A_297], %swap3A_300 {strides = array<i32>} : memref<128x128xf32, #tpu.memory_space<vmem>>, vector<1x16xf32>,
      %get3A_301 = arith.index_cast %squeeze3A_291 : i32 to index
      %get3A_302 = arith.constant 16 : index
      %get3A_303 = tpu.vector_load %arg15[%get3A_301, %get3A_302] {strides = array<i32>} : memref<17x64xf32, #tpu.memory_space<vmem>>, vector<1x16xf32>,
      %get3A_304 = vector.shape_cast %get3A_303 : vector<1x16xf32> to vector<16xf32>
      %swap3A_305 = arith.index_cast %add3A_242 : i32 to index
      %swap3A_306 = arith.constant 16 : index
      %swap3A_307 = tpu.vector_load %arg20[%swap3A_305, %swap3A_306] {strides = array<i32>} : memref<128x128xf32, #tpu.memory_space<vmem>>, vector<1x16xf32>,
      %swap3A_308 = vector.shape_cast %swap3A_307 : vector<1x16xf32> to vector<16xf32>
      %swap3A_309 = vector.shape_cast %get3A_304 : vector<16xf32> to vector<1x16xf32>
      tpu.vector_store %arg20[%swap3A_305, %swap3A_306], %swap3A_309 {strides = array<i32>} : memref<128x128xf32, #tpu.memory_space<vmem>>, vector<1x16xf32>,
      %get3A_310 = arith.index_cast %squeeze3A_291 : i32 to index
      %get3A_311 = arith.constant 32 : index
      %get3A_312 = tpu.vector_load %arg15[%get3A_310, %get3A_311] {strides = array<i32>} : memref<17x64xf32, #tpu.memory_space<vmem>>, vector<1x16xf32>,
      %get3A_313 = vector.shape_cast %get3A_312 : vector<1x16xf32> to vector<16xf32>
      %swap3A_314 = arith.index_cast %add3A_242 : i32 to index
      %swap3A_315 = arith.constant 32 : index
      %swap3A_316 = tpu.vector_load %arg20[%swap3A_314, %swap3A_315] {strides = array<i32>} : memref<128x128xf32, #tpu.memory_space<vmem>>, vector<1x16xf32>,
      %swap3A_317 = vector.shape_cast %swap3A_316 : vector<1x16xf32> to vector<16xf32>
      %swap3A_318 = vector.shape_cast %get3A_313 : vector<16xf32> to vector<1x16xf32>
      tpu.vector_store %arg20[%swap3A_314, %swap3A_315], %swap3A_318 {strides = array<i32>} : memref<128x128xf32, #tpu.memory_space<vmem>>, vector<1x16xf32>,
      %get3A_319 = arith.index_cast %squeeze3A_291 : i32 to index
      %get3A_320 = arith.constant 48 : index
      %get3A_321 = tpu.vector_load %arg15[%get3A_319, %get3A_320] {strides = array<i32>} : memref<17x64xf32, #tpu.memory_space<vmem>>, vector<1x16xf32>,
      %get3A_322 = vector.shape_cast %get3A_321 : vector<1x16xf32> to vector<16xf32>
      %swap3A_323 = arith.index_cast %add3A_242 : i32 to index
      %swap3A_324 = arith.constant 48 : index
      %swap3A_325 = tpu.vector_load %arg20[%swap3A_323, %swap3A_324] {strides = array<i32>} : memref<128x128xf32, #tpu.memory_space<vmem>>, vector<1x16xf32>,
      %swap3A_326 = vector.shape_cast %swap3A_325 : vector<1x16xf32> to vector<16xf32>
      %swap3A_327 = vector.shape_cast %get3A_322 : vector<16xf32> to vector<1x16xf32>
      tpu.vector_store %arg20[%swap3A_323, %swap3A_324], %swap3A_327 {strides = array<i32>} : memref<128x128xf32, #tpu.memory_space<vmem>>, vector<1x16xf32>,
      %add3A_328 = arith.constant 256 : i32
      %add3A_329 = arith.addi %add3A_328, %add3A_242 : i32
      %get3A_330 = arith.constant 4 : i32
      %get3A_331 = arith.index_cast %get3A_330 : i32 to index
      %get3A_332 = arith.index_cast %add3A_329 : i32 to index
      %get3A_333 = tpu.vector_load %arg13[%get3A_331, %get3A_332] {strides = array<i32>} : memref<5x512xi32, #tpu.memory_space<vmem>>, vector<1x1xi32>,
      %get3A_334 = vector.shape_cast %get3A_333 : vector<1x1xi32> to vector<1xi32>
      %squeeze3A_335 = vector.extract %get3A_334[0] : i32 from vector<1xi32>
      %get3A_336 = arith.index_cast %squeeze3A_335 : i32 to index
      %get3A_337 = arith.constant 0 : index
      %get3A_338 = tpu.vector_load %arg16[%get3A_336, %get3A_337] {strides = array<i32>} : memref<81x64xf32, #tpu.memory_space<vmem>>, vector<1x16xf32>,
      %get3A_339 = vector.shape_cast %get3A_338 : vector<1x16xf32> to vector<16xf32>
      %swap3A_340 = arith.index_cast %add3A_242 : i32 to index
      %swap3A_341 = arith.constant 64 : index
      %swap3A_342 = tpu.vector_load %arg20[%swap3A_340, %swap3A_341] {strides = array<i32>} : memref<128x128xf32, #tpu.memory_space<vmem>>, vector<1x16xf32>,
      %swap3A_343 = vector.shape_cast %swap3A_342 : vector<1x16xf32> to vector<16xf32>
      %swap3A_344 = vector.shape_cast %get3A_339 : vector<16xf32> to vector<1x16xf32>
      tpu.vector_store %arg20[%swap3A_340, %swap3A_341], %swap3A_344 {strides = array<i32>} : memref<128x128xf32, #tpu.memory_space<vmem>>, vector<1x16xf32>,
      %get3A_345 = arith.index_cast %squeeze3A_335 : i32 to index
      %get3A_346 = arith.constant 16 : index
      %get3A_347 = tpu.vector_load %arg16[%get3A_345, %get3A_346] {strides = array<i32>} : memref<81x64xf32, #tpu.memory_space<vmem>>, vector<1x16xf32>,
      %get3A_348 = vector.shape_cast %get3A_347 : vector<1x16xf32> to vector<16xf32>
      %swap3A_349 = arith.index_cast %add3A_242 : i32 to index
      %swap3A_350 = arith.constant 80 : index
      %swap3A_351 = tpu.vector_load %arg20[%swap3A_349, %swap3A_350] {strides = array<i32>} : memref<128x128xf32, #tpu.memory_space<vmem>>, vector<1x16xf32>,
      %swap3A_352 = vector.shape_cast %swap3A_351 : vector<1x16xf32> to vector<16xf32>
      %swap3A_353 = vector.shape_cast %get3A_348 : vector<16xf32> to vector<1x16xf32>
      tpu.vector_store %arg20[%swap3A_349, %swap3A_350], %swap3A_353 {strides = array<i32>} : memref<128x128xf32, #tpu.memory_space<vmem>>, vector<1x16xf32>,
      %get3A_354 = arith.index_cast %squeeze3A_335 : i32 to index
      %get3A_355 = arith.constant 32 : index
      %get3A_356 = tpu.vector_load %arg16[%get3A_354, %get3A_355] {strides = array<i32>} : memref<81x64xf32, #tpu.memory_space<vmem>>, vector<1x16xf32>,
      %get3A_357 = vector.shape_cast %get3A_356 : vector<1x16xf32> to vector<16xf32>
      %swap3A_358 = arith.index_cast %add3A_242 : i32 to index
      %swap3A_359 = arith.constant 96 : index
      %swap3A_360 = tpu.vector_load %arg20[%swap3A_358, %swap3A_359] {strides = array<i32>} : memref<128x128xf32, #tpu.memory_space<vmem>>, vector<1x16xf32>,
      %swap3A_361 = vector.shape_cast %swap3A_360 : vector<1x16xf32> to vector<16xf32>
      %swap3A_362 = vector.shape_cast %get3A_357 : vector<16xf32> to vector<1x16xf32>
      tpu.vector_store %arg20[%swap3A_358, %swap3A_359], %swap3A_362 {strides = array<i32>} : memref<128x128xf32, #tpu.memory_space<vmem>>, vector<1x16xf32>,
      %get3A_363 = arith.index_cast %squeeze3A_335 : i32 to index
      %get3A_364 = arith.constant 48 : index
      %get3A_365 = tpu.vector_load %arg16[%get3A_363, %get3A_364] {strides = array<i32>} : memref<81x64xf32, #tpu.memory_space<vmem>>, vector<1x16xf32>,
      %get3A_366 = vector.shape_cast %get3A_365 : vector<1x16xf32> to vector<16xf32>
      %swap3A_367 = arith.index_cast %add3A_242 : i32 to index
      %swap3A_368 = arith.constant 112 : index
      %swap3A_369 = tpu.vector_load %arg20[%swap3A_367, %swap3A_368] {strides = array<i32>} : memref<128x128xf32, #tpu.memory_space<vmem>>, vector<1x16xf32>,
      %swap3A_370 = vector.shape_cast %swap3A_369 : vector<1x16xf32> to vector<16xf32>
      %swap3A_371 = vector.shape_cast %get3A_366 : vector<16xf32> to vector<1x16xf32>
      tpu.vector_store %arg20[%swap3A_367, %swap3A_368], %swap3A_371 {strides = array<i32>} : memref<128x128xf32, #tpu.memory_space<vmem>>, vector<1x16xf32>,
      %mul3A_372 = arith.constant 4 : i32
      %mul3A_373 = arith.muli %scan3A_238, %mul3A_372 : i32
      %add3A_374 = arith.constant 1 : i32
      %add3A_375 = arith.addi %mul3A_373, %add3A_374 : i32
      %add3A_376 = arith.constant 256 : i32
      %add3A_377 = arith.addi %add3A_376, %add3A_375 : i32
      %get3A_378 = arith.constant 2 : i32
      %get3A_379 = arith.index_cast %get3A_378 : i32 to index
      %get3A_380 = arith.index_cast %add3A_377 : i32 to index
      %get3A_381 = tpu.vector_load %arg13[%get3A_379, %get3A_380] {strides = array<i32>} : memref<5x512xi32, #tpu.memory_space<vmem>>, vector<1x1xi32>,
      %get3A_382 = vector.shape_cast %get3A_381 : vector<1x1xi32> to vector<1xi32>
      %squeeze3A_383 = vector.extract %get3A_382[0] : i32 from vector<1xi32>
      %get3A_384 = arith.index_cast %squeeze3A_383 : i32 to index
      %get3A_385 = arith.constant 0 : index
      %get3A_386 = tpu.vector_load %arg14[%get3A_384, %get3A_385] {strides = array<i32>} : memref<11x64xf32, #tpu.memory_space<vmem>>, vector<1x16xf32>,
      %get3A_387 = vector.shape_cast %get3A_386 : vector<1x16xf32> to vector<16xf32>
      %swap3A_388 = arith.index_cast %add3A_375 : i32 to index
      %swap3A_389 = arith.constant 0 : index
      %swap3A_390 = tpu.vector_load %arg19[%swap3A_388, %swap3A_389] {strides = array<i32>} : memref<128x64xf32, #tpu.memory_space<vmem>>, vector<1x16xf32>,
      %swap3A_391 = vector.shape_cast %swap3A_390 : vector<1x16xf32> to vector<16xf32>
      %swap3A_392 = vector.shape_cast %get3A_387 : vector<16xf32> to vector<1x16xf32>
      tpu.vector_store %arg19[%swap3A_388, %swap3A_389], %swap3A_392 {strides = array<i32>} : memref<128x64xf32, #tpu.memory_space<vmem>>, vector<1x16xf32>,
      %get3A_393 = arith.index_cast %squeeze3A_383 : i32 to index
      %get3A_394 = arith.constant 16 : index
      %get3A_395 = tpu.vector_load %arg14[%get3A_393, %get3A_394] {strides = array<i32>} : memref<11x64xf32, #tpu.memory_space<vmem>>, vector<1x16xf32>,
      %get3A_396 = vector.shape_cast %get3A_395 : vector<1x16xf32> to vector<16xf32>
      %swap3A_397 = arith.index_cast %add3A_375 : i32 to index
      %swap3A_398 = arith.constant 16 : index
      %swap3A_399 = tpu.vector_load %arg19[%swap3A_397, %swap3A_398] {strides = array<i32>} : memref<128x64xf32, #tpu.memory_space<vmem>>, vector<1x16xf32>,
      %swap3A_400 = vector.shape_cast %swap3A_399 : vector<1x16xf32> to vector<16xf32>
      %swap3A_401 = vector.shape_cast %get3A_396 : vector<16xf32> to vector<1x16xf32>
      tpu.vector_store %arg19[%swap3A_397, %swap3A_398], %swap3A_401 {strides = array<i32>} : memref<128x64xf32, #tpu.memory_space<vmem>>, vector<1x16xf32>,
      %get3A_402 = arith.index_cast %squeeze3A_383 : i32 to index
      %get3A_403 = arith.constant 32 : index
      %get3A_404 = tpu.vector_load %arg14[%get3A_402, %get3A_403] {strides = array<i32>} : memref<11x64xf32, #tpu.memory_space<vmem>>, vector<1x16xf32>,
      %get3A_405 = vector.shape_cast %get3A_404 : vector<1x16xf32> to vector<16xf32>
      %swap3A_406 = arith.index_cast %add3A_375 : i32 to index
      %swap3A_407 = arith.constant 32 : index
      %swap3A_408 = tpu.vector_load %arg19[%swap3A_406, %swap3A_407] {strides = array<i32>} : memref<128x64xf32, #tpu.memory_space<vmem>>, vector<1x16xf32>,
      %swap3A_409 = vector.shape_cast %swap3A_408 : vector<1x16xf32> to vector<16xf32>
      %swap3A_410 = vector.shape_cast %get3A_405 : vector<16xf32> to vector<1x16xf32>
      tpu.vector_store %arg19[%swap3A_406, %swap3A_407], %swap3A_410 {strides = array<i32>} : memref<128x64xf32, #tpu.memory_space<vmem>>, vector<1x16xf32>,
      %get3A_411 = arith.index_cast %squeeze3A_383 : i32 to index
      %get3A_412 = arith.constant 48 : index
      %get3A_413 = tpu.vector_load %arg14[%get3A_411, %get3A_412] {strides = array<i32>} : memref<11x64xf32, #tpu.memory_space<vmem>>, vector<1x16xf32>,
      %get3A_414 = vector.shape_cast %get3A_413 : vector<1x16xf32> to vector<16xf32>
      %swap3A_415 = arith.index_cast %add3A_375 : i32 to index
      %swap3A_416 = arith.constant 48 : index
      %swap3A_417 = tpu.vector_load %arg19[%swap3A_415, %swap3A_416] {strides = array<i32>} : memref<128x64xf32, #tpu.memory_space<vmem>>, vector<1x16xf32>,
      %swap3A_418 = vector.shape_cast %swap3A_417 : vector<1x16xf32> to vector<16xf32>
      %swap3A_419 = vector.shape_cast %get3A_414 : vector<16xf32> to vector<1x16xf32>
      tpu.vector_store %arg19[%swap3A_415, %swap3A_416], %swap3A_419 {strides = array<i32>} : memref<128x64xf32, #tpu.memory_space<vmem>>, vector<1x16xf32>,
      %add3A_420 = arith.constant 256 : i32
      %add3A_421 = arith.addi %add3A_420, %add3A_375 : i32
      %get3A_422 = arith.constant 3 : i32
      %get3A_423 = arith.index_cast %get3A_422 : i32 to index
      %get3A_424 = arith.index_cast %add3A_421 : i32 to index
      %get3A_425 = tpu.vector_load %arg13[%get3A_423, %get3A_424] {strides = array<i32>} : memref<5x512xi32, #tpu.memory_space<vmem>>, vector<1x1xi32>,
      %get3A_426 = vector.shape_cast %get3A_425 : vector<1x1xi32> to vector<1xi32>
      %squeeze3A_427 = vector.extract %get3A_426[0] : i32 from vector<1xi32>
      %get3A_428 = arith.index_cast %squeeze3A_427 : i32 to index
      %get3A_429 = arith.constant 0 : index
      %get3A_430 = tpu.vector_load %arg15[%get3A_428, %get3A_429] {strides = array<i32>} : memref<17x64xf32, #tpu.memory_space<vmem>>, vector<1x16xf32>,
      %get3A_431 = vector.shape_cast %get3A_430 : vector<1x16xf32> to vector<16xf32>
      %swap3A_432 = arith.index_cast %add3A_375 : i32 to index
      %swap3A_433 = arith.constant 0 : index
      %swap3A_434 = tpu.vector_load %arg20[%swap3A_432, %swap3A_433] {strides = array<i32>} : memref<128x128xf32, #tpu.memory_space<vmem>>, vector<1x16xf32>,
      %swap3A_435 = vector.shape_cast %swap3A_434 : vector<1x16xf32> to vector<16xf32>
      %swap3A_436 = vector.shape_cast %get3A_431 : vector<16xf32> to vector<1x16xf32>
      tpu.vector_store %arg20[%swap3A_432, %swap3A_433], %swap3A_436 {strides = array<i32>} : memref<128x128xf32, #tpu.memory_space<vmem>>, vector<1x16xf32>,
      %get3A_437 = arith.index_cast %squeeze3A_427 : i32 to index
      %get3A_438 = arith.constant 16 : index
      %get3A_439 = tpu.vector_load %arg15[%get3A_437, %get3A_438] {strides = array<i32>} : memref<17x64xf32, #tpu.memory_space<vmem>>, vector<1x16xf32>,
      %get3A_440 = vector.shape_cast %get3A_439 : vector<1x16xf32> to vector<16xf32>
      %swap3A_441 = arith.index_cast %add3A_375 : i32 to index
      %swap3A_442 = arith.constant 16 : index
      %swap3A_443 = tpu.vector_load %arg20[%swap3A_441, %swap3A_442] {strides = array<i32>} : memref<128x128xf32, #tpu.memory_space<vmem>>, vector<1x16xf32>,
      %swap3A_444 = vector.shape_cast %swap3A_443 : vector<1x16xf32> to vector<16xf32>
      %swap3A_445 = vector.shape_cast %get3A_440 : vector<16xf32> to vector<1x16xf32>
      tpu.vector_store %arg20[%swap3A_441, %swap3A_442], %swap3A_445 {strides = array<i32>} : memref<128x128xf32, #tpu.memory_space<vmem>>, vector<1x16xf32>,
      %get3A_446 = arith.index_cast %squeeze3A_427 : i32 to index
      %get3A_447 = arith.constant 32 : index
      %get3A_448 = tpu.vector_load %arg15[%get3A_446, %get3A_447] {strides = array<i32>} : memref<17x64xf32, #tpu.memory_space<vmem>>, vector<1x16xf32>,
      %get3A_449 = vector.shape_cast %get3A_448 : vector<1x16xf32> to vector<16xf32>
      %swap3A_450 = arith.index_cast %add3A_375 : i32 to index
      %swap3A_451 = arith.constant 32 : index
      %swap3A_452 = tpu.vector_load %arg20[%swap3A_450, %swap3A_451] {strides = array<i32>} : memref<128x128xf32, #tpu.memory_space<vmem>>, vector<1x16xf32>,
      %swap3A_453 = vector.shape_cast %swap3A_452 : vector<1x16xf32> to vector<16xf32>
      %swap3A_454 = vector.shape_cast %get3A_449 : vector<16xf32> to vector<1x16xf32>
      tpu.vector_store %arg20[%swap3A_450, %swap3A_451], %swap3A_454 {strides = array<i32>} : memref<128x128xf32, #tpu.memory_space<vmem>>, vector<1x16xf32>,
      %get3A_455 = arith.index_cast %squeeze3A_427 : i32 to index
      %get3A_456 = arith.constant 48 : index
      %get3A_457 = tpu.vector_load %arg15[%get3A_455, %get3A_456] {strides = array<i32>} : memref<17x64xf32, #tpu.memory_space<vmem>>, vector<1x16xf32>,
      %get3A_458 = vector.shape_cast %get3A_457 : vector<1x16xf32> to vector<16xf32>
      %swap3A_459 = arith.index_cast %add3A_375 : i32 to index
      %swap3A_460 = arith.constant 48 : index
      %swap3A_461 = tpu.vector_load %arg20[%swap3A_459, %swap3A_460] {strides = array<i32>} : memref<128x128xf32, #tpu.memory_space<vmem>>, vector<1x16xf32>,
      %swap3A_462 = vector.shape_cast %swap3A_461 : vector<1x16xf32> to vector<16xf32>
      %swap3A_463 = vector.shape_cast %get3A_458 : vector<16xf32> to vector<1x16xf32>
      tpu.vector_store %arg20[%swap3A_459, %swap3A_460], %swap3A_463 {strides = array<i32>} : memref<128x128xf32, #tpu.memory_space<vmem>>, vector<1x16xf32>,
      %add3A_464 = arith.constant 256 : i32
      %add3A_465 = arith.addi %add3A_464, %add3A_375 : i32
      %get3A_466 = arith.constant 4 : i32
      %get3A_467 = arith.index_cast %get3A_466 : i32 to index
      %get3A_468 = arith.index_cast %add3A_465 : i32 to index
      %get3A_469 = tpu.vector_load %arg13[%get3A_467, %get3A_468] {strides = array<i32>} : memref<5x512xi32, #tpu.memory_space<vmem>>, vector<1x1xi32>,
      %get3A_470 = vector.shape_cast %get3A_469 : vector<1x1xi32> to vector<1xi32>
      %squeeze3A_471 = vector.extract %get3A_470[0] : i32 from vector<1xi32>
      %get3A_472 = arith.index_cast %squeeze3A_471 : i32 to index
      %get3A_473 = arith.constant 0 : index
      %get3A_474 = tpu.vector_load %arg16[%get3A_472, %get3A_473] {strides = array<i32>} : memref<81x64xf32, #tpu.memory_space<vmem>>, vector<1x16xf32>,
      %get3A_475 = vector.shape_cast %get3A_474 : vector<1x16xf32> to vector<16xf32>
      %swap3A_476 = arith.index_cast %add3A_375 : i32 to index
      %swap3A_477 = arith.constant 64 : index
      %swap3A_478 = tpu.vector_load %arg20[%swap3A_476, %swap3A_477] {strides = array<i32>} : memref<128x128xf32, #tpu.memory_space<vmem>>, vector<1x16xf32>,
      %swap3A_479 = vector.shape_cast %swap3A_478 : vector<1x16xf32> to vector<16xf32>
      %swap3A_480 = vector.shape_cast %get3A_475 : vector<16xf32> to vector<1x16xf32>
      tpu.vector_store %arg20[%swap3A_476, %swap3A_477], %swap3A_480 {strides = array<i32>} : memref<128x128xf32, #tpu.memory_space<vmem>>, vector<1x16xf32>,
      %get3A_481 = arith.index_cast %squeeze3A_471 : i32 to index
      %get3A_482 = arith.constant 16 : index
      %get3A_483 = tpu.vector_load %arg16[%get3A_481, %get3A_482] {strides = array<i32>} : memref<81x64xf32, #tpu.memory_space<vmem>>, vector<1x16xf32>,
      %get3A_484 = vector.shape_cast %get3A_483 : vector<1x16xf32> to vector<16xf32>
      %swap3A_485 = arith.index_cast %add3A_375 : i32 to index
      %swap3A_486 = arith.constant 80 : index
      %swap3A_487 = tpu.vector_load %arg20[%swap3A_485, %swap3A_486] {strides = array<i32>} : memref<128x128xf32, #tpu.memory_space<vmem>>, vector<1x16xf32>,
      %swap3A_488 = vector.shape_cast %swap3A_487 : vector<1x16xf32> to vector<16xf32>
      %swap3A_489 = vector.shape_cast %get3A_484 : vector<16xf32> to vector<1x16xf32>
      tpu.vector_store %arg20[%swap3A_485, %swap3A_486], %swap3A_489 {strides = array<i32>} : memref<128x128xf32, #tpu.memory_space<vmem>>, vector<1x16xf32>,
      %get3A_490 = arith.index_cast %squeeze3A_471 : i32 to index
      %get3A_491 = arith.constant 32 : index
      %get3A_492 = tpu.vector_load %arg16[%get3A_490, %get3A_491] {strides = array<i32>} : memref<81x64xf32, #tpu.memory_space<vmem>>, vector<1x16xf32>,
      %get3A_493 = vector.shape_cast %get3A_492 : vector<1x16xf32> to vector<16xf32>
      %swap3A_494 = arith.index_cast %add3A_375 : i32 to index
      %swap3A_495 = arith.constant 96 : index
      %swap3A_496 = tpu.vector_load %arg20[%swap3A_494, %swap3A_495] {strides = array<i32>} : memref<128x128xf32, #tpu.memory_space<vmem>>, vector<1x16xf32>,
      %swap3A_497 = vector.shape_cast %swap3A_496 : vector<1x16xf32> to vector<16xf32>
      %swap3A_498 = vector.shape_cast %get3A_493 : vector<16xf32> to vector<1x16xf32>
      tpu.vector_store %arg20[%swap3A_494, %swap3A_495], %swap3A_498 {strides = array<i32>} : memref<128x128xf32, #tpu.memory_space<vmem>>, vector<1x16xf32>,
      %get3A_499 = arith.index_cast %squeeze3A_471 : i32 to index
      %get3A_500 = arith.constant 48 : index
      %get3A_501 = tpu.vector_load %arg16[%get3A_499, %get3A_500] {strides = array<i32>} : memref<81x64xf32, #tpu.memory_space<vmem>>, vector<1x16xf32>,
      %get3A_502 = vector.shape_cast %get3A_501 : vector<1x16xf32> to vector<16xf32>
      %swap3A_503 = arith.index_cast %add3A_375 : i32 to index
      %swap3A_504 = arith.constant 112 : index
      %swap3A_505 = tpu.vector_load %arg20[%swap3A_503, %swap3A_504] {strides = array<i32>} : memref<128x128xf32, #tpu.memory_space<vmem>>, vector<1x16xf32>,
      %swap3A_506 = vector.shape_cast %swap3A_505 : vector<1x16xf32> to vector<16xf32>
      %swap3A_507 = vector.shape_cast %get3A_502 : vector<16xf32> to vector<1x16xf32>
      tpu.vector_store %arg20[%swap3A_503, %swap3A_504], %swap3A_507 {strides = array<i32>} : memref<128x128xf32, #tpu.memory_space<vmem>>, vector<1x16xf32>,
      %mul3A_508 = arith.constant 4 : i32
      %mul3A_509 = arith.muli %scan3A_238, %mul3A_508 : i32
      %add3A_510 = arith.constant 2 : i32
      %add3A_511 = arith.addi %mul3A_509, %add3A_510 : i32
      %add3A_512 = arith.constant 256 : i32
      %add3A_513 = arith.addi %add3A_512, %add3A_511 : i32
      %get3A_514 = arith.constant 2 : i32
      %get3A_515 = arith.index_cast %get3A_514 : i32 to index
      %get3A_516 = arith.index_cast %add3A_513 : i32 to index
      %get3A_517 = tpu.vector_load %arg13[%get3A_515, %get3A_516] {strides = array<i32>} : memref<5x512xi32, #tpu.memory_space<vmem>>, vector<1x1xi32>,
      %get3A_518 = vector.shape_cast %get3A_517 : vector<1x1xi32> to vector<1xi32>
      %squeeze3A_519 = vector.extract %get3A_518[0] : i32 from vector<1xi32>
      %get3A_520 = arith.index_cast %squeeze3A_519 : i32 to index
      %get3A_521 = arith.constant 0 : index
      %get3A_522 = tpu.vector_load %arg14[%get3A_520, %get3A_521] {strides = array<i32>} : memref<11x64xf32, #tpu.memory_space<vmem>>, vector<1x16xf32>,
      %get3A_523 = vector.shape_cast %get3A_522 : vector<1x16xf32> to vector<16xf32>
      %swap3A_524 = arith.index_cast %add3A_511 : i32 to index
      %swap3A_525 = arith.constant 0 : index
      %swap3A_526 = tpu.vector_load %arg19[%swap3A_524, %swap3A_525] {strides = array<i32>} : memref<128x64xf32, #tpu.memory_space<vmem>>, vector<1x16xf32>,
      %swap3A_527 = vector.shape_cast %swap3A_526 : vector<1x16xf32> to vector<16xf32>
      %swap3A_528 = vector.shape_cast %get3A_523 : vector<16xf32> to vector<1x16xf32>
      tpu.vector_store %arg19[%swap3A_524, %swap3A_525], %swap3A_528 {strides = array<i32>} : memref<128x64xf32, #tpu.memory_space<vmem>>, vector<1x16xf32>,
      %get3A_529 = arith.index_cast %squeeze3A_519 : i32 to index
      %get3A_530 = arith.constant 16 : index
      %get3A_531 = tpu.vector_load %arg14[%get3A_529, %get3A_530] {strides = array<i32>} : memref<11x64xf32, #tpu.memory_space<vmem>>, vector<1x16xf32>,
      %get3A_532 = vector.shape_cast %get3A_531 : vector<1x16xf32> to vector<16xf32>
      %swap3A_533 = arith.index_cast %add3A_511 : i32 to index
      %swap3A_534 = arith.constant 16 : index
      %swap3A_535 = tpu.vector_load %arg19[%swap3A_533, %swap3A_534] {strides = array<i32>} : memref<128x64xf32, #tpu.memory_space<vmem>>, vector<1x16xf32>,
      %swap3A_536 = vector.shape_cast %swap3A_535 : vector<1x16xf32> to vector<16xf32>
      %swap3A_537 = vector.shape_cast %get3A_532 : vector<16xf32> to vector<1x16xf32>
      tpu.vector_store %arg19[%swap3A_533, %swap3A_534], %swap3A_537 {strides = array<i32>} : memref<128x64xf32, #tpu.memory_space<vmem>>, vector<1x16xf32>,
      %get3A_538 = arith.index_cast %squeeze3A_519 : i32 to index
      %get3A_539 = arith.constant 32 : index
      %get3A_540 = tpu.vector_load %arg14[%get3A_538, %get3A_539] {strides = array<i32>} : memref<11x64xf32, #tpu.memory_space<vmem>>, vector<1x16xf32>,
      %get3A_541 = vector.shape_cast %get3A_540 : vector<1x16xf32> to vector<16xf32>
      %swap3A_542 = arith.index_cast %add3A_511 : i32 to index
      %swap3A_543 = arith.constant 32 : index
      %swap3A_544 = tpu.vector_load %arg19[%swap3A_542, %swap3A_543] {strides = array<i32>} : memref<128x64xf32, #tpu.memory_space<vmem>>, vector<1x16xf32>,
      %swap3A_545 = vector.shape_cast %swap3A_544 : vector<1x16xf32> to vector<16xf32>
      %swap3A_546 = vector.shape_cast %get3A_541 : vector<16xf32> to vector<1x16xf32>
      tpu.vector_store %arg19[%swap3A_542, %swap3A_543], %swap3A_546 {strides = array<i32>} : memref<128x64xf32, #tpu.memory_space<vmem>>, vector<1x16xf32>,
      %get3A_547 = arith.index_cast %squeeze3A_519 : i32 to index
      %get3A_548 = arith.constant 48 : index
      %get3A_549 = tpu.vector_load %arg14[%get3A_547, %get3A_548] {strides = array<i32>} : memref<11x64xf32, #tpu.memory_space<vmem>>, vector<1x16xf32>,
      %get3A_550 = vector.shape_cast %get3A_549 : vector<1x16xf32> to vector<16xf32>
      %swap3A_551 = arith.index_cast %add3A_511 : i32 to index
      %swap3A_552 = arith.constant 48 : index
      %swap3A_553 = tpu.vector_load %arg19[%swap3A_551, %swap3A_552] {strides = array<i32>} : memref<128x64xf32, #tpu.memory_space<vmem>>, vector<1x16xf32>,
      %swap3A_554 = vector.shape_cast %swap3A_553 : vector<1x16xf32> to vector<16xf32>
      %swap3A_555 = vector.shape_cast %get3A_550 : vector<16xf32> to vector<1x16xf32>
      tpu.vector_store %arg19[%swap3A_551, %swap3A_552], %swap3A_555 {strides = array<i32>} : memref<128x64xf32, #tpu.memory_space<vmem>>, vector<1x16xf32>,
      %add3A_556 = arith.constant 256 : i32
      %add3A_557 = arith.addi %add3A_556, %add3A_511 : i32
      %get3A_558 = arith.constant 3 : i32
      %get3A_559 = arith.index_cast %get3A_558 : i32 to index
      %get3A_560 = arith.index_cast %add3A_557 : i32 to index
      %get3A_561 = tpu.vector_load %arg13[%get3A_559, %get3A_560] {strides = array<i32>} : memref<5x512xi32, #tpu.memory_space<vmem>>, vector<1x1xi32>,
      %get3A_562 = vector.shape_cast %get3A_561 : vector<1x1xi32> to vector<1xi32>
      %squeeze3A_563 = vector.extract %get3A_562[0] : i32 from vector<1xi32>
      %get3A_564 = arith.index_cast %squeeze3A_563 : i32 to index
      %get3A_565 = arith.constant 0 : index
      %get3A_566 = tpu.vector_load %arg15[%get3A_564, %get3A_565] {strides = array<i32>} : memref<17x64xf32, #tpu.memory_space<vmem>>, vector<1x16xf32>,
      %get3A_567 = vector.shape_cast %get3A_566 : vector<1x16xf32> to vector<16xf32>
      %swap3A_568 = arith.index_cast %add3A_511 : i32 to index
      %swap3A_569 = arith.constant 0 : index
      %swap3A_570 = tpu.vector_load %arg20[%swap3A_568, %swap3A_569] {strides = array<i32>} : memref<128x128xf32, #tpu.memory_space<vmem>>, vector<1x16xf32>,
      %swap3A_571 = vector.shape_cast %swap3A_570 : vector<1x16xf32> to vector<16xf32>
      %swap3A_572 = vector.shape_cast %get3A_567 : vector<16xf32> to vector<1x16xf32>
      tpu.vector_store %arg20[%swap3A_568, %swap3A_569], %swap3A_572 {strides = array<i32>} : memref<128x128xf32, #tpu.memory_space<vmem>>, vector<1x16xf32>,
      %get3A_573 = arith.index_cast %squeeze3A_563 : i32 to index
      %get3A_574 = arith.constant 16 : index
      %get3A_575 = tpu.vector_load %arg15[%get3A_573, %get3A_574] {strides = array<i32>} : memref<17x64xf32, #tpu.memory_space<vmem>>, vector<1x16xf32>,
      %get3A_576 = vector.shape_cast %get3A_575 : vector<1x16xf32> to vector<16xf32>
      %swap3A_577 = arith.index_cast %add3A_511 : i32 to index
      %swap3A_578 = arith.constant 16 : index
      %swap3A_579 = tpu.vector_load %arg20[%swap3A_577, %swap3A_578] {strides = array<i32>} : memref<128x128xf32, #tpu.memory_space<vmem>>, vector<1x16xf32>,
      %swap3A_580 = vector.shape_cast %swap3A_579 : vector<1x16xf32> to vector<16xf32>
      %swap3A_581 = vector.shape_cast %get3A_576 : vector<16xf32> to vector<1x16xf32>
      tpu.vector_store %arg20[%swap3A_577, %swap3A_578], %swap3A_581 {strides = array<i32>} : memref<128x128xf32, #tpu.memory_space<vmem>>, vector<1x16xf32>,
      %get3A_582 = arith.index_cast %squeeze3A_563 : i32 to index
      %get3A_583 = arith.constant 32 : index
      %get3A_584 = tpu.vector_load %arg15[%get3A_582, %get3A_583] {strides = array<i32>} : memref<17x64xf32, #tpu.memory_space<vmem>>, vector<1x16xf32>,
      %get3A_585 = vector.shape_cast %get3A_584 : vector<1x16xf32> to vector<16xf32>
      %swap3A_586 = arith.index_cast %add3A_511 : i32 to index
      %swap3A_587 = arith.constant 32 : index
      %swap3A_588 = tpu.vector_load %arg20[%swap3A_586, %swap3A_587] {strides = array<i32>} : memref<128x128xf32, #tpu.memory_space<vmem>>, vector<1x16xf32>,
      %swap3A_589 = vector.shape_cast %swap3A_588 : vector<1x16xf32> to vector<16xf32>
      %swap3A_590 = vector.shape_cast %get3A_585 : vector<16xf32> to vector<1x16xf32>
      tpu.vector_store %arg20[%swap3A_586, %swap3A_587], %swap3A_590 {strides = array<i32>} : memref<128x128xf32, #tpu.memory_space<vmem>>, vector<1x16xf32>,
      %get3A_591 = arith.index_cast %squeeze3A_563 : i32 to index
      %get3A_592 = arith.constant 48 : index
      %get3A_593 = tpu.vector_load %arg15[%get3A_591, %get3A_592] {strides = array<i32>} : memref<17x64xf32, #tpu.memory_space<vmem>>, vector<1x16xf32>,
      %get3A_594 = vector.shape_cast %get3A_593 : vector<1x16xf32> to vector<16xf32>
      %swap3A_595 = arith.index_cast %add3A_511 : i32 to index
      %swap3A_596 = arith.constant 48 : index
      %swap3A_597 = tpu.vector_load %arg20[%swap3A_595, %swap3A_596] {strides = array<i32>} : memref<128x128xf32, #tpu.memory_space<vmem>>, vector<1x16xf32>,
      %swap3A_598 = vector.shape_cast %swap3A_597 : vector<1x16xf32> to vector<16xf32>
      %swap3A_599 = vector.shape_cast %get3A_594 : vector<16xf32> to vector<1x16xf32>
      tpu.vector_store %arg20[%swap3A_595, %swap3A_596], %swap3A_599 {strides = array<i32>} : memref<128x128xf32, #tpu.memory_space<vmem>>, vector<1x16xf32>,
      %add3A_600 = arith.constant 256 : i32
      %add3A_601 = arith.addi %add3A_600, %add3A_511 : i32
      %get3A_602 = arith.constant 4 : i32
      %get3A_603 = arith.index_cast %get3A_602 : i32 to index
      %get3A_604 = arith.index_cast %add3A_601 : i32 to index
      %get3A_605 = tpu.vector_load %arg13[%get3A_603, %get3A_604] {strides = array<i32>} : memref<5x512xi32, #tpu.memory_space<vmem>>, vector<1x1xi32>,
      %get3A_606 = vector.shape_cast %get3A_605 : vector<1x1xi32> to vector<1xi32>
      %squeeze3A_607 = vector.extract %get3A_606[0] : i32 from vector<1xi32>
      %get3A_608 = arith.index_cast %squeeze3A_607 : i32 to index
      %get3A_609 = arith.constant 0 : index
      %get3A_610 = tpu.vector_load %arg16[%get3A_608, %get3A_609] {strides = array<i32>} : memref<81x64xf32, #tpu.memory_space<vmem>>, vector<1x16xf32>,
      %get3A_611 = vector.shape_cast %get3A_610 : vector<1x16xf32> to vector<16xf32>
      %swap3A_612 = arith.index_cast %add3A_511 : i32 to index
      %swap3A_613 = arith.constant 64 : index
      %swap3A_614 = tpu.vector_load %arg20[%swap3A_612, %swap3A_613] {strides = array<i32>} : memref<128x128xf32, #tpu.memory_space<vmem>>, vector<1x16xf32>,
      %swap3A_615 = vector.shape_cast %swap3A_614 : vector<1x16xf32> to vector<16xf32>
      %swap3A_616 = vector.shape_cast %get3A_611 : vector<16xf32> to vector<1x16xf32>
      tpu.vector_store %arg20[%swap3A_612, %swap3A_613], %swap3A_616 {strides = array<i32>} : memref<128x128xf32, #tpu.memory_space<vmem>>, vector<1x16xf32>,
      %get3A_617 = arith.index_cast %squeeze3A_607 : i32 to index
      %get3A_618 = arith.constant 16 : index
      %get3A_619 = tpu.vector_load %arg16[%get3A_617, %get3A_618] {strides = array<i32>} : memref<81x64xf32, #tpu.memory_space<vmem>>, vector<1x16xf32>,
      %get3A_620 = vector.shape_cast %get3A_619 : vector<1x16xf32> to vector<16xf32>
      %swap3A_621 = arith.index_cast %add3A_511 : i32 to index
      %swap3A_622 = arith.constant 80 : index
      %swap3A_623 = tpu.vector_load %arg20[%swap3A_621, %swap3A_622] {strides = array<i32>} : memref<128x128xf32, #tpu.memory_space<vmem>>, vector<1x16xf32>,
      %swap3A_624 = vector.shape_cast %swap3A_623 : vector<1x16xf32> to vector<16xf32>
      %swap3A_625 = vector.shape_cast %get3A_620 : vector<16xf32> to vector<1x16xf32>
      tpu.vector_store %arg20[%swap3A_621, %swap3A_622], %swap3A_625 {strides = array<i32>} : memref<128x128xf32, #tpu.memory_space<vmem>>, vector<1x16xf32>,
      %get3A_626 = arith.index_cast %squeeze3A_607 : i32 to index
      %get3A_627 = arith.constant 32 : index
      %get3A_628 = tpu.vector_load %arg16[%get3A_626, %get3A_627] {strides = array<i32>} : memref<81x64xf32, #tpu.memory_space<vmem>>, vector<1x16xf32>,
      %get3A_629 = vector.shape_cast %get3A_628 : vector<1x16xf32> to vector<16xf32>
      %swap3A_630 = arith.index_cast %add3A_511 : i32 to index
      %swap3A_631 = arith.constant 96 : index
      %swap3A_632 = tpu.vector_load %arg20[%swap3A_630, %swap3A_631] {strides = array<i32>} : memref<128x128xf32, #tpu.memory_space<vmem>>, vector<1x16xf32>,
      %swap3A_633 = vector.shape_cast %swap3A_632 : vector<1x16xf32> to vector<16xf32>
      %swap3A_634 = vector.shape_cast %get3A_629 : vector<16xf32> to vector<1x16xf32>
      tpu.vector_store %arg20[%swap3A_630, %swap3A_631], %swap3A_634 {strides = array<i32>} : memref<128x128xf32, #tpu.memory_space<vmem>>, vector<1x16xf32>,
      %get3A_635 = arith.index_cast %squeeze3A_607 : i32 to index
      %get3A_636 = arith.constant 48 : index
      %get3A_637 = tpu.vector_load %arg16[%get3A_635, %get3A_636] {strides = array<i32>} : memref<81x64xf32, #tpu.memory_space<vmem>>, vector<1x16xf32>,
      %get3A_638 = vector.shape_cast %get3A_637 : vector<1x16xf32> to vector<16xf32>
      %swap3A_639 = arith.index_cast %add3A_511 : i32 to index
      %swap3A_640 = arith.constant 112 : index
      %swap3A_641 = tpu.vector_load %arg20[%swap3A_639, %swap3A_640] {strides = array<i32>} : memref<128x128xf32, #tpu.memory_space<vmem>>, vector<1x16xf32>,
      %swap3A_642 = vector.shape_cast %swap3A_641 : vector<1x16xf32> to vector<16xf32>
      %swap3A_643 = vector.shape_cast %get3A_638 : vector<16xf32> to vector<1x16xf32>
      tpu.vector_store %arg20[%swap3A_639, %swap3A_640], %swap3A_643 {strides = array<i32>} : memref<128x128xf32, #tpu.memory_space<vmem>>, vector<1x16xf32>,
      %mul3A_644 = arith.constant 4 : i32
      %mul3A_645 = arith.muli %scan3A_238, %mul3A_644 : i32
      %add3A_646 = arith.constant 3 : i32
      %add3A_647 = arith.addi %mul3A_645, %add3A_646 : i32
      %add3A_648 = arith.constant 256 : i32
      %add3A_649 = arith.addi %add3A_648, %add3A_647 : i32
      %get3A_650 = arith.constant 2 : i32
      %get3A_651 = arith.index_cast %get3A_650 : i32 to index
      %get3A_652 = arith.index_cast %add3A_649 : i32 to index
      %get3A_653 = tpu.vector_load %arg13[%get3A_651, %get3A_652] {strides = array<i32>} : memref<5x512xi32, #tpu.memory_space<vmem>>, vector<1x1xi32>,
      %get3A_654 = vector.shape_cast %get3A_653 : vector<1x1xi32> to vector<1xi32>
      %squeeze3A_655 = vector.extract %get3A_654[0] : i32 from vector<1xi32>
      %get3A_656 = arith.index_cast %squeeze3A_655 : i32 to index
      %get3A_657 = arith.constant 0 : index
      %get3A_658 = tpu.vector_load %arg14[%get3A_656, %get3A_657] {strides = array<i32>} : memref<11x64xf32, #tpu.memory_space<vmem>>, vector<1x16xf32>,
      %get3A_659 = vector.shape_cast %get3A_658 : vector<1x16xf32> to vector<16xf32>
      %swap3A_660 = arith.index_cast %add3A_647 : i32 to index
      %swap3A_661 = arith.constant 0 : index
      %swap3A_662 = tpu.vector_load %arg19[%swap3A_660, %swap3A_661] {strides = array<i32>} : memref<128x64xf32, #tpu.memory_space<vmem>>, vector<1x16xf32>,
      %swap3A_663 = vector.shape_cast %swap3A_662 : vector<1x16xf32> to vector<16xf32>
      %swap3A_664 = vector.shape_cast %get3A_659 : vector<16xf32> to vector<1x16xf32>
      tpu.vector_store %arg19[%swap3A_660, %swap3A_661], %swap3A_664 {strides = array<i32>} : memref<128x64xf32, #tpu.memory_space<vmem>>, vector<1x16xf32>,
      %get3A_665 = arith.index_cast %squeeze3A_655 : i32 to index
      %get3A_666 = arith.constant 16 : index
      %get3A_667 = tpu.vector_load %arg14[%get3A_665, %get3A_666] {strides = array<i32>} : memref<11x64xf32, #tpu.memory_space<vmem>>, vector<1x16xf32>,
      %get3A_668 = vector.shape_cast %get3A_667 : vector<1x16xf32> to vector<16xf32>
      %swap3A_669 = arith.index_cast %add3A_647 : i32 to index
      %swap3A_670 = arith.constant 16 : index
      %swap3A_671 = tpu.vector_load %arg19[%swap3A_669, %swap3A_670] {strides = array<i32>} : memref<128x64xf32, #tpu.memory_space<vmem>>, vector<1x16xf32>,
      %swap3A_672 = vector.shape_cast %swap3A_671 : vector<1x16xf32> to vector<16xf32>
      %swap3A_673 = vector.shape_cast %get3A_668 : vector<16xf32> to vector<1x16xf32>
      tpu.vector_store %arg19[%swap3A_669, %swap3A_670], %swap3A_673 {strides = array<i32>} : memref<128x64xf32, #tpu.memory_space<vmem>>, vector<1x16xf32>,
      %get3A_674 = arith.index_cast %squeeze3A_655 : i32 to index
      %get3A_675 = arith.constant 32 : index
      %get3A_676 = tpu.vector_load %arg14[%get3A_674, %get3A_675] {strides = array<i32>} : memref<11x64xf32, #tpu.memory_space<vmem>>, vector<1x16xf32>,
      %get3A_677 = vector.shape_cast %get3A_676 : vector<1x16xf32> to vector<16xf32>
      %swap3A_678 = arith.index_cast %add3A_647 : i32 to index
      %swap3A_679 = arith.constant 32 : index
      %swap3A_680 = tpu.vector_load %arg19[%swap3A_678, %swap3A_679] {strides = array<i32>} : memref<128x64xf32, #tpu.memory_space<vmem>>, vector<1x16xf32>,
      %swap3A_681 = vector.shape_cast %swap3A_680 : vector<1x16xf32> to vector<16xf32>
      %swap3A_682 = vector.shape_cast %get3A_677 : vector<16xf32> to vector<1x16xf32>
      tpu.vector_store %arg19[%swap3A_678, %swap3A_679], %swap3A_682 {strides = array<i32>} : memref<128x64xf32, #tpu.memory_space<vmem>>, vector<1x16xf32>,
      %get3A_683 = arith.index_cast %squeeze3A_655 : i32 to index
      %get3A_684 = arith.constant 48 : index
      %get3A_685 = tpu.vector_load %arg14[%get3A_683, %get3A_684] {strides = array<i32>} : memref<11x64xf32, #tpu.memory_space<vmem>>, vector<1x16xf32>,
      %get3A_686 = vector.shape_cast %get3A_685 : vector<1x16xf32> to vector<16xf32>
      %swap3A_687 = arith.index_cast %add3A_647 : i32 to index
      %swap3A_688 = arith.constant 48 : index
      %swap3A_689 = tpu.vector_load %arg19[%swap3A_687, %swap3A_688] {strides = array<i32>} : memref<128x64xf32, #tpu.memory_space<vmem>>, vector<1x16xf32>,
      %swap3A_690 = vector.shape_cast %swap3A_689 : vector<1x16xf32> to vector<16xf32>
      %swap3A_691 = vector.shape_cast %get3A_686 : vector<16xf32> to vector<1x16xf32>
      tpu.vector_store %arg19[%swap3A_687, %swap3A_688], %swap3A_691 {strides = array<i32>} : memref<128x64xf32, #tpu.memory_space<vmem>>, vector<1x16xf32>,
      %add3A_692 = arith.constant 256 : i32
      %add3A_693 = arith.addi %add3A_692, %add3A_647 : i32
      %get3A_694 = arith.constant 3 : i32
      %get3A_695 = arith.index_cast %get3A_694 : i32 to index
      %get3A_696 = arith.index_cast %add3A_693 : i32 to index
      %get3A_697 = tpu.vector_load %arg13[%get3A_695, %get3A_696] {strides = array<i32>} : memref<5x512xi32, #tpu.memory_space<vmem>>, vector<1x1xi32>,
      %get3A_698 = vector.shape_cast %get3A_697 : vector<1x1xi32> to vector<1xi32>
      %squeeze3A_699 = vector.extract %get3A_698[0] : i32 from vector<1xi32>
      %get3A_700 = arith.index_cast %squeeze3A_699 : i32 to index
      %get3A_701 = arith.constant 0 : index
      %get3A_702 = tpu.vector_load %arg15[%get3A_700, %get3A_701] {strides = array<i32>} : memref<17x64xf32, #tpu.memory_space<vmem>>, vector<1x16xf32>,
      %get3A_703 = vector.shape_cast %get3A_702 : vector<1x16xf32> to vector<16xf32>
      %swap3A_704 = arith.index_cast %add3A_647 : i32 to index
      %swap3A_705 = arith.constant 0 : index
      %swap3A_706 = tpu.vector_load %arg20[%swap3A_704, %swap3A_705] {strides = array<i32>} : memref<128x128xf32, #tpu.memory_space<vmem>>, vector<1x16xf32>,
      %swap3A_707 = vector.shape_cast %swap3A_706 : vector<1x16xf32> to vector<16xf32>
      %swap3A_708 = vector.shape_cast %get3A_703 : vector<16xf32> to vector<1x16xf32>
      tpu.vector_store %arg20[%swap3A_704, %swap3A_705], %swap3A_708 {strides = array<i32>} : memref<128x128xf32, #tpu.memory_space<vmem>>, vector<1x16xf32>,
      %get3A_709 = arith.index_cast %squeeze3A_699 : i32 to index
      %get3A_710 = arith.constant 16 : index
      %get3A_711 = tpu.vector_load %arg15[%get3A_709, %get3A_710] {strides = array<i32>} : memref<17x64xf32, #tpu.memory_space<vmem>>, vector<1x16xf32>,
      %get3A_712 = vector.shape_cast %get3A_711 : vector<1x16xf32> to vector<16xf32>
      %swap3A_713 = arith.index_cast %add3A_647 : i32 to index
      %swap3A_714 = arith.constant 16 : index
      %swap3A_715 = tpu.vector_load %arg20[%swap3A_713, %swap3A_714] {strides = array<i32>} : memref<128x128xf32, #tpu.memory_space<vmem>>, vector<1x16xf32>,
      %swap3A_716 = vector.shape_cast %swap3A_715 : vector<1x16xf32> to vector<16xf32>
      %swap3A_717 = vector.shape_cast %get3A_712 : vector<16xf32> to vector<1x16xf32>
      tpu.vector_store %arg20[%swap3A_713, %swap3A_714], %swap3A_717 {strides = array<i32>} : memref<128x128xf32, #tpu.memory_space<vmem>>, vector<1x16xf32>,
      %get3A_718 = arith.index_cast %squeeze3A_699 : i32 to index
      %get3A_719 = arith.constant 32 : index
      %get3A_720 = tpu.vector_load %arg15[%get3A_718, %get3A_719] {strides = array<i32>} : memref<17x64xf32, #tpu.memory_space<vmem>>, vector<1x16xf32>,
      %get3A_721 = vector.shape_cast %get3A_720 : vector<1x16xf32> to vector<16xf32>
      %swap3A_722 = arith.index_cast %add3A_647 : i32 to index
      %swap3A_723 = arith.constant 32 : index
      %swap3A_724 = tpu.vector_load %arg20[%swap3A_722, %swap3A_723] {strides = array<i32>} : memref<128x128xf32, #tpu.memory_space<vmem>>, vector<1x16xf32>,
      %swap3A_725 = vector.shape_cast %swap3A_724 : vector<1x16xf32> to vector<16xf32>
      %swap3A_726 = vector.shape_cast %get3A_721 : vector<16xf32> to vector<1x16xf32>
      tpu.vector_store %arg20[%swap3A_722, %swap3A_723], %swap3A_726 {strides = array<i32>} : memref<128x128xf32, #tpu.memory_space<vmem>>, vector<1x16xf32>,
      %get3A_727 = arith.index_cast %squeeze3A_699 : i32 to index
      %get3A_728 = arith.constant 48 : index
      %get3A_729 = tpu.vector_load %arg15[%get3A_727, %get3A_728] {strides = array<i32>} : memref<17x64xf32, #tpu.memory_space<vmem>>, vector<1x16xf32>,
      %get3A_730 = vector.shape_cast %get3A_729 : vector<1x16xf32> to vector<16xf32>
      %swap3A_731 = arith.index_cast %add3A_647 : i32 to index
      %swap3A_732 = arith.constant 48 : index
      %swap3A_733 = tpu.vector_load %arg20[%swap3A_731, %swap3A_732] {strides = array<i32>} : memref<128x128xf32, #tpu.memory_space<vmem>>, vector<1x16xf32>,
      %swap3A_734 = vector.shape_cast %swap3A_733 : vector<1x16xf32> to vector<16xf32>
      %swap3A_735 = vector.shape_cast %get3A_730 : vector<16xf32> to vector<1x16xf32>
      tpu.vector_store %arg20[%swap3A_731, %swap3A_732], %swap3A_735 {strides = array<i32>} : memref<128x128xf32, #tpu.memory_space<vmem>>, vector<1x16xf32>,
      %add3A_736 = arith.constant 256 : i32
      %add3A_737 = arith.addi %add3A_736, %add3A_647 : i32
      %get3A_738 = arith.constant 4 : i32
      %get3A_739 = arith.index_cast %get3A_738 : i32 to index
      %get3A_740 = arith.index_cast %add3A_737 : i32 to index
      %get3A_741 = tpu.vector_load %arg13[%get3A_739, %get3A_740] {strides = array<i32>} : memref<5x512xi32, #tpu.memory_space<vmem>>, vector<1x1xi32>,
      %get3A_742 = vector.shape_cast %get3A_741 : vector<1x1xi32> to vector<1xi32>
      %squeeze3A_743 = vector.extract %get3A_742[0] : i32 from vector<1xi32>
      %get3A_744 = arith.index_cast %squeeze3A_743 : i32 to index
      %get3A_745 = arith.constant 0 : index
      %get3A_746 = tpu.vector_load %arg16[%get3A_744, %get3A_745] {strides = array<i32>} : memref<81x64xf32, #tpu.memory_space<vmem>>, vector<1x16xf32>,
      %get3A_747 = vector.shape_cast %get3A_746 : vector<1x16xf32> to vector<16xf32>
      %swap3A_748 = arith.index_cast %add3A_647 : i32 to index
      %swap3A_749 = arith.constant 64 : index
      %swap3A_750 = tpu.vector_load %arg20[%swap3A_748, %swap3A_749] {strides = array<i32>} : memref<128x128xf32, #tpu.memory_space<vmem>>, vector<1x16xf32>,
      %swap3A_751 = vector.shape_cast %swap3A_750 : vector<1x16xf32> to vector<16xf32>
      %swap3A_752 = vector.shape_cast %get3A_747 : vector<16xf32> to vector<1x16xf32>
      tpu.vector_store %arg20[%swap3A_748, %swap3A_749], %swap3A_752 {strides = array<i32>} : memref<128x128xf32, #tpu.memory_space<vmem>>, vector<1x16xf32>,
      %get3A_753 = arith.index_cast %squeeze3A_743 : i32 to index
      %get3A_754 = arith.constant 16 : index
      %get3A_755 = tpu.vector_load %arg16[%get3A_753, %get3A_754] {strides = array<i32>} : memref<81x64xf32, #tpu.memory_space<vmem>>, vector<1x16xf32>,
      %get3A_756 = vector.shape_cast %get3A_755 : vector<1x16xf32> to vector<16xf32>
      %swap3A_757 = arith.index_cast %add3A_647 : i32 to index
      %swap3A_758 = arith.constant 80 : index
      %swap3A_759 = tpu.vector_load %arg20[%swap3A_757, %swap3A_758] {strides = array<i32>} : memref<128x128xf32, #tpu.memory_space<vmem>>, vector<1x16xf32>,
      %swap3A_760 = vector.shape_cast %swap3A_759 : vector<1x16xf32> to vector<16xf32>
      %swap3A_761 = vector.shape_cast %get3A_756 : vector<16xf32> to vector<1x16xf32>
      tpu.vector_store %arg20[%swap3A_757, %swap3A_758], %swap3A_761 {strides = array<i32>} : memref<128x128xf32, #tpu.memory_space<vmem>>, vector<1x16xf32>,
      %get3A_762 = arith.index_cast %squeeze3A_743 : i32 to index
      %get3A_763 = arith.constant 32 : index
      %get3A_764 = tpu.vector_load %arg16[%get3A_762, %get3A_763] {strides = array<i32>} : memref<81x64xf32, #tpu.memory_space<vmem>>, vector<1x16xf32>,
      %get3A_765 = vector.shape_cast %get3A_764 : vector<1x16xf32> to vector<16xf32>
      %swap3A_766 = arith.index_cast %add3A_647 : i32 to index
      %swap3A_767 = arith.constant 96 : index
      %swap3A_768 = tpu.vector_load %arg20[%swap3A_766, %swap3A_767] {strides = array<i32>} : memref<128x128xf32, #tpu.memory_space<vmem>>, vector<1x16xf32>,
      %swap3A_769 = vector.shape_cast %swap3A_768 : vector<1x16xf32> to vector<16xf32>
      %swap3A_770 = vector.shape_cast %get3A_765 : vector<16xf32> to vector<1x16xf32>
      tpu.vector_store %arg20[%swap3A_766, %swap3A_767], %swap3A_770 {strides = array<i32>} : memref<128x128xf32, #tpu.memory_space<vmem>>, vector<1x16xf32>,
      %get3A_771 = arith.index_cast %squeeze3A_743 : i32 to index
      %get3A_772 = arith.constant 48 : index
      %get3A_773 = tpu.vector_load %arg16[%get3A_771, %get3A_772] {strides = array<i32>} : memref<81x64xf32, #tpu.memory_space<vmem>>, vector<1x16xf32>,
      %get3A_774 = vector.shape_cast %get3A_773 : vector<1x16xf32> to vector<16xf32>
      %swap3A_775 = arith.index_cast %add3A_647 : i32 to index
      %swap3A_776 = arith.constant 112 : index
      %swap3A_777 = tpu.vector_load %arg20[%swap3A_775, %swap3A_776] {strides = array<i32>} : memref<128x128xf32, #tpu.memory_space<vmem>>, vector<1x16xf32>,
      %swap3A_778 = vector.shape_cast %swap3A_777 : vector<1x16xf32> to vector<16xf32>
      %swap3A_779 = vector.shape_cast %get3A_774 : vector<16xf32> to vector<1x16xf32>
      tpu.vector_store %arg20[%swap3A_775, %swap3A_776], %swap3A_779 {strides = array<i32>} : memref<128x128xf32, #tpu.memory_space<vmem>>, vector<1x16xf32>,
    }
    %scan3A_153 = arith.constant 32 : i32
    %add3A_154 = arith.constant 256 : i32
    %add3A_155 = arith.addi %mul3A_2, %add3A_154 : i32
    %dma_start3A_156 = arith.constant 64 : i32
    %dma_start3A_157 = tpu.memref_slice %arg12[%add3A_155, %dma_start3A_156] : memref<16384x320xf32, #tpu.memory_space<hbm>> -> memref<128x64xf32, #tpu.memory_space<hbm>>
    %dma_start3A_158 = arith.constant 64 : i32
    %dma_start3A_159 = tpu.memref_slice %arg12[%add3A_155, %dma_start3A_158] : memref<16384x320xf32, #tpu.memory_space<hbm>> -> memref<128x64xf32, #tpu.memory_space<hbm>>
    tpu.enqueue_dma source(%arg19 : memref<128x64xf32, #tpu.memory_space<vmem>>) target(%dma_start3A_159 : memref<128x64xf32, #tpu.memory_space<hbm>>) target_semaphore(%arg28 : memref<!tpu.dma_semaphore, #tpu.memory_space<semaphore_mem>>)
    %add3A_160 = arith.constant 256 : i32
    %add3A_161 = arith.addi %mul3A_2, %add3A_160 : i32
    %dma_start3A_162 = arith.constant 192 : i32
    %dma_start3A_163 = tpu.memref_slice %arg12[%add3A_161, %dma_start3A_162] : memref<16384x320xf32, #tpu.memory_space<hbm>> -> memref<128x128xf32, #tpu.memory_space<hbm>>
    %dma_start3A_164 = arith.constant 192 : i32
    %dma_start3A_165 = tpu.memref_slice %arg12[%add3A_161, %dma_start3A_164] : memref<16384x320xf32, #tpu.memory_space<hbm>> -> memref<128x128xf32, #tpu.memory_space<hbm>>
    tpu.enqueue_dma source(%arg20 : memref<128x128xf32, #tpu.memory_space<vmem>>) target(%dma_start3A_165 : memref<128x128xf32, #tpu.memory_space<hbm>>) target_semaphore(%arg28 : memref<!tpu.dma_semaphore, #tpu.memory_space<semaphore_mem>>)
    %dma_wait3A_166 = arith.constant 64 : i32
    %dma_wait3A_167 = tpu.memref_slice %arg12[%add3A_129, %dma_wait3A_166] : memref<16384x320xf32, #tpu.memory_space<hbm>> -> memref<128x64xf32, #tpu.memory_space<hbm>>
    %dma_wait3A_168 = arith.constant 64 : i32
    %dma_wait3A_169 = tpu.memref_slice %arg12[%add3A_129, %dma_wait3A_168] : memref<16384x320xf32, #tpu.memory_space<hbm>> -> memref<128x64xf32, #tpu.memory_space<hbm>>
    tpu.wait_dma2 semaphore(%arg29 : memref<!tpu.dma_semaphore, #tpu.memory_space<semaphore_mem>>) src(%arg21 : memref<128x64xf32, #tpu.memory_space<vmem>>) dst(%dma_wait3A_169 : memref<128x64xf32, #tpu.memory_space<hbm>>)
    %dma_wait3A_170 = arith.constant 192 : i32
    %dma_wait3A_171 = tpu.memref_slice %arg12[%add3A_135, %dma_wait3A_170] : memref<16384x320xf32, #tpu.memory_space<hbm>> -> memref<128x128xf32, #tpu.memory_space<hbm>>
    %dma_wait3A_172 = arith.constant 192 : i32
    %dma_wait3A_173 = tpu.memref_slice %arg12[%add3A_135, %dma_wait3A_172] : memref<16384x320xf32, #tpu.memory_space<hbm>> -> memref<128x128xf32, #tpu.memory_space<hbm>>
    tpu.wait_dma2 semaphore(%arg29 : memref<!tpu.dma_semaphore, #tpu.memory_space<semaphore_mem>>) src(%arg22 : memref<128x128xf32, #tpu.memory_space<vmem>>) dst(%dma_wait3A_173 : memref<128x128xf32, #tpu.memory_space<hbm>>)
    %scan3A_174 = arith.constant 0 : i32
    %scan3A_175 = arith.constant 0 : i32
    %scan3A_176 = arith.constant 32 : i32
    %scan3A_177 = arith.addi %scan3A_175, %scan3A_176 : i32
    %scan3A_178 = arith.constant 1 : i32
    scf.for %scan3A_238 = %scan3A_175 to %scan3A_177 step %scan3A_178  : i32 {
      %mul3A_239 = arith.constant 4 : i32
      %mul3A_240 = arith.muli %scan3A_238, %mul3A_239 : i32
      %add3A_241 = arith.constant 0 : i32
      %add3A_242 = arith.addi %mul3A_240, %add3A_241 : i32
      %add3A_243 = arith.constant 384 : i32
      %add3A_244 = arith.addi %add3A_243, %add3A_242 : i32
      %get3A = arith.constant 2 : i32
      %get3A_245 = arith.index_cast %get3A : i32 to index
      %get3A_246 = arith.index_cast %add3A_244 : i32 to index
      %get3A_247 = tpu.vector_load %arg13[%get3A_245, %get3A_246] {strides = array<i32>} : memref<5x512xi32, #tpu.memory_space<vmem>>, vector<1x1xi32>,
      %get3A_248 = vector.shape_cast %get3A_247 : vector<1x1xi32> to vector<1xi32>
      %squeeze3A = vector.extract %get3A_248[0] : i32 from vector<1xi32>
      %get3A_249 = arith.index_cast %squeeze3A : i32 to index
      %get3A_250 = arith.constant 0 : index
      %get3A_251 = tpu.vector_load %arg14[%get3A_249, %get3A_250] {strides = array<i32>} : memref<11x64xf32, #tpu.memory_space<vmem>>, vector<1x16xf32>,
      %get3A_252 = vector.shape_cast %get3A_251 : vector<1x16xf32> to vector<16xf32>
      %swap3A = arith.index_cast %add3A_242 : i32 to index
      %swap3A_253 = arith.constant 0 : index
      %swap3A_254 = tpu.vector_load %arg21[%swap3A, %swap3A_253] {strides = array<i32>} : memref<128x64xf32, #tpu.memory_space<vmem>>, vector<1x16xf32>,
      %swap3A_255 = vector.shape_cast %swap3A_254 : vector<1x16xf32> to vector<16xf32>
      %swap3A_256 = vector.shape_cast %get3A_252 : vector<16xf32> to vector<1x16xf32>
      tpu.vector_store %arg21[%swap3A, %swap3A_253], %swap3A_256 {strides = array<i32>} : memref<128x64xf32, #tpu.memory_space<vmem>>, vector<1x16xf32>,
      %get3A_257 = arith.index_cast %squeeze3A : i32 to index
      %get3A_258 = arith.constant 16 : index
      %get3A_259 = tpu.vector_load %arg14[%get3A_257, %get3A_258] {strides = array<i32>} : memref<11x64xf32, #tpu.memory_space<vmem>>, vector<1x16xf32>,
      %get3A_260 = vector.shape_cast %get3A_259 : vector<1x16xf32> to vector<16xf32>
      %swap3A_261 = arith.index_cast %add3A_242 : i32 to index
      %swap3A_262 = arith.constant 16 : index
      %swap3A_263 = tpu.vector_load %arg21[%swap3A_261, %swap3A_262] {strides = array<i32>} : memref<128x64xf32, #tpu.memory_space<vmem>>, vector<1x16xf32>,
      %swap3A_264 = vector.shape_cast %swap3A_263 : vector<1x16xf32> to vector<16xf32>
      %swap3A_265 = vector.shape_cast %get3A_260 : vector<16xf32> to vector<1x16xf32>
      tpu.vector_store %arg21[%swap3A_261, %swap3A_262], %swap3A_265 {strides = array<i32>} : memref<128x64xf32, #tpu.memory_space<vmem>>, vector<1x16xf32>,
      %get3A_266 = arith.index_cast %squeeze3A : i32 to index
      %get3A_267 = arith.constant 32 : index
      %get3A_268 = tpu.vector_load %arg14[%get3A_266, %get3A_267] {strides = array<i32>} : memref<11x64xf32, #tpu.memory_space<vmem>>, vector<1x16xf32>,
      %get3A_269 = vector.shape_cast %get3A_268 : vector<1x16xf32> to vector<16xf32>
      %swap3A_270 = arith.index_cast %add3A_242 : i32 to index
      %swap3A_271 = arith.constant 32 : index
      %swap3A_272 = tpu.vector_load %arg21[%swap3A_270, %swap3A_271] {strides = array<i32>} : memref<128x64xf32, #tpu.memory_space<vmem>>, vector<1x16xf32>,
      %swap3A_273 = vector.shape_cast %swap3A_272 : vector<1x16xf32> to vector<16xf32>
      %swap3A_274 = vector.shape_cast %get3A_269 : vector<16xf32> to vector<1x16xf32>
      tpu.vector_store %arg21[%swap3A_270, %swap3A_271], %swap3A_274 {strides = array<i32>} : memref<128x64xf32, #tpu.memory_space<vmem>>, vector<1x16xf32>,
      %get3A_275 = arith.index_cast %squeeze3A : i32 to index
      %get3A_276 = arith.constant 48 : index
      %get3A_277 = tpu.vector_load %arg14[%get3A_275, %get3A_276] {strides = array<i32>} : memref<11x64xf32, #tpu.memory_space<vmem>>, vector<1x16xf32>,
      %get3A_278 = vector.shape_cast %get3A_277 : vector<1x16xf32> to vector<16xf32>
      %swap3A_279 = arith.index_cast %add3A_242 : i32 to index
      %swap3A_280 = arith.constant 48 : index
      %swap3A_281 = tpu.vector_load %arg21[%swap3A_279, %swap3A_280] {strides = array<i32>} : memref<128x64xf32, #tpu.memory_space<vmem>>, vector<1x16xf32>,
      %swap3A_282 = vector.shape_cast %swap3A_281 : vector<1x16xf32> to vector<16xf32>
      %swap3A_283 = vector.shape_cast %get3A_278 : vector<16xf32> to vector<1x16xf32>
      tpu.vector_store %arg21[%swap3A_279, %swap3A_280], %swap3A_283 {strides = array<i32>} : memref<128x64xf32, #tpu.memory_space<vmem>>, vector<1x16xf32>,
      %add3A_284 = arith.constant 384 : i32
      %add3A_285 = arith.addi %add3A_284, %add3A_242 : i32
      %get3A_286 = arith.constant 3 : i32
      %get3A_287 = arith.index_cast %get3A_286 : i32 to index
      %get3A_288 = arith.index_cast %add3A_285 : i32 to index
      %get3A_289 = tpu.vector_load %arg13[%get3A_287, %get3A_288] {strides = array<i32>} : memref<5x512xi32, #tpu.memory_space<vmem>>, vector<1x1xi32>,
      %get3A_290 = vector.shape_cast %get3A_289 : vector<1x1xi32> to vector<1xi32>
      %squeeze3A_291 = vector.extract %get3A_290[0] : i32 from vector<1xi32>
      %get3A_292 = arith.index_cast %squeeze3A_291 : i32 to index
      %get3A_293 = arith.constant 0 : index
      %get3A_294 = tpu.vector_load %arg15[%get3A_292, %get3A_293] {strides = array<i32>} : memref<17x64xf32, #tpu.memory_space<vmem>>, vector<1x16xf32>,
      %get3A_295 = vector.shape_cast %get3A_294 : vector<1x16xf32> to vector<16xf32>
      %swap3A_296 = arith.index_cast %add3A_242 : i32 to index
      %swap3A_297 = arith.constant 0 : index
      %swap3A_298 = tpu.vector_load %arg22[%swap3A_296, %swap3A_297] {strides = array<i32>} : memref<128x128xf32, #tpu.memory_space<vmem>>, vector<1x16xf32>,
      %swap3A_299 = vector.shape_cast %swap3A_298 : vector<1x16xf32> to vector<16xf32>
      %swap3A_300 = vector.shape_cast %get3A_295 : vector<16xf32> to vector<1x16xf32>
      tpu.vector_store %arg22[%swap3A_296, %swap3A_297], %swap3A_300 {strides = array<i32>} : memref<128x128xf32, #tpu.memory_space<vmem>>, vector<1x16xf32>,
      %get3A_301 = arith.index_cast %squeeze3A_291 : i32 to index
      %get3A_302 = arith.constant 16 : index
      %get3A_303 = tpu.vector_load %arg15[%get3A_301, %get3A_302] {strides = array<i32>} : memref<17x64xf32, #tpu.memory_space<vmem>>, vector<1x16xf32>,
      %get3A_304 = vector.shape_cast %get3A_303 : vector<1x16xf32> to vector<16xf32>
      %swap3A_305 = arith.index_cast %add3A_242 : i32 to index
      %swap3A_306 = arith.constant 16 : index
      %swap3A_307 = tpu.vector_load %arg22[%swap3A_305, %swap3A_306] {strides = array<i32>} : memref<128x128xf32, #tpu.memory_space<vmem>>, vector<1x16xf32>,
      %swap3A_308 = vector.shape_cast %swap3A_307 : vector<1x16xf32> to vector<16xf32>
      %swap3A_309 = vector.shape_cast %get3A_304 : vector<16xf32> to vector<1x16xf32>
      tpu.vector_store %arg22[%swap3A_305, %swap3A_306], %swap3A_309 {strides = array<i32>} : memref<128x128xf32, #tpu.memory_space<vmem>>, vector<1x16xf32>,
      %get3A_310 = arith.index_cast %squeeze3A_291 : i32 to index
      %get3A_311 = arith.constant 32 : index
      %get3A_312 = tpu.vector_load %arg15[%get3A_310, %get3A_311] {strides = array<i32>} : memref<17x64xf32, #tpu.memory_space<vmem>>, vector<1x16xf32>,
      %get3A_313 = vector.shape_cast %get3A_312 : vector<1x16xf32> to vector<16xf32>
      %swap3A_314 = arith.index_cast %add3A_242 : i32 to index
      %swap3A_315 = arith.constant 32 : index
      %swap3A_316 = tpu.vector_load %arg22[%swap3A_314, %swap3A_315] {strides = array<i32>} : memref<128x128xf32, #tpu.memory_space<vmem>>, vector<1x16xf32>,
      %swap3A_317 = vector.shape_cast %swap3A_316 : vector<1x16xf32> to vector<16xf32>
      %swap3A_318 = vector.shape_cast %get3A_313 : vector<16xf32> to vector<1x16xf32>
      tpu.vector_store %arg22[%swap3A_314, %swap3A_315], %swap3A_318 {strides = array<i32>} : memref<128x128xf32, #tpu.memory_space<vmem>>, vector<1x16xf32>,
      %get3A_319 = arith.index_cast %squeeze3A_291 : i32 to index
      %get3A_320 = arith.constant 48 : index
      %get3A_321 = tpu.vector_load %arg15[%get3A_319, %get3A_320] {strides = array<i32>} : memref<17x64xf32, #tpu.memory_space<vmem>>, vector<1x16xf32>,
      %get3A_322 = vector.shape_cast %get3A_321 : vector<1x16xf32> to vector<16xf32>
      %swap3A_323 = arith.index_cast %add3A_242 : i32 to index
      %swap3A_324 = arith.constant 48 : index
      %swap3A_325 = tpu.vector_load %arg22[%swap3A_323, %swap3A_324] {strides = array<i32>} : memref<128x128xf32, #tpu.memory_space<vmem>>, vector<1x16xf32>,
      %swap3A_326 = vector.shape_cast %swap3A_325 : vector<1x16xf32> to vector<16xf32>
      %swap3A_327 = vector.shape_cast %get3A_322 : vector<16xf32> to vector<1x16xf32>
      tpu.vector_store %arg22[%swap3A_323, %swap3A_324], %swap3A_327 {strides = array<i32>} : memref<128x128xf32, #tpu.memory_space<vmem>>, vector<1x16xf32>,
      %add3A_328 = arith.constant 384 : i32
      %add3A_329 = arith.addi %add3A_328, %add3A_242 : i32
      %get3A_330 = arith.constant 4 : i32
      %get3A_331 = arith.index_cast %get3A_330 : i32 to index
      %get3A_332 = arith.index_cast %add3A_329 : i32 to index
      %get3A_333 = tpu.vector_load %arg13[%get3A_331, %get3A_332] {strides = array<i32>} : memref<5x512xi32, #tpu.memory_space<vmem>>, vector<1x1xi32>,
      %get3A_334 = vector.shape_cast %get3A_333 : vector<1x1xi32> to vector<1xi32>
      %squeeze3A_335 = vector.extract %get3A_334[0] : i32 from vector<1xi32>
      %get3A_336 = arith.index_cast %squeeze3A_335 : i32 to index
      %get3A_337 = arith.constant 0 : index
      %get3A_338 = tpu.vector_load %arg16[%get3A_336, %get3A_337] {strides = array<i32>} : memref<81x64xf32, #tpu.memory_space<vmem>>, vector<1x16xf32>,
      %get3A_339 = vector.shape_cast %get3A_338 : vector<1x16xf32> to vector<16xf32>
      %swap3A_340 = arith.index_cast %add3A_242 : i32 to index
      %swap3A_341 = arith.constant 64 : index
      %swap3A_342 = tpu.vector_load %arg22[%swap3A_340, %swap3A_341] {strides = array<i32>} : memref<128x128xf32, #tpu.memory_space<vmem>>, vector<1x16xf32>,
      %swap3A_343 = vector.shape_cast %swap3A_342 : vector<1x16xf32> to vector<16xf32>
      %swap3A_344 = vector.shape_cast %get3A_339 : vector<16xf32> to vector<1x16xf32>
      tpu.vector_store %arg22[%swap3A_340, %swap3A_341], %swap3A_344 {strides = array<i32>} : memref<128x128xf32, #tpu.memory_space<vmem>>, vector<1x16xf32>,
      %get3A_345 = arith.index_cast %squeeze3A_335 : i32 to index
      %get3A_346 = arith.constant 16 : index
      %get3A_347 = tpu.vector_load %arg16[%get3A_345, %get3A_346] {strides = array<i32>} : memref<81x64xf32, #tpu.memory_space<vmem>>, vector<1x16xf32>,
      %get3A_348 = vector.shape_cast %get3A_347 : vector<1x16xf32> to vector<16xf32>
      %swap3A_349 = arith.index_cast %add3A_242 : i32 to index
      %swap3A_350 = arith.constant 80 : index
      %swap3A_351 = tpu.vector_load %arg22[%swap3A_349, %swap3A_350] {strides = array<i32>} : memref<128x128xf32, #tpu.memory_space<vmem>>, vector<1x16xf32>,
      %swap3A_352 = vector.shape_cast %swap3A_351 : vector<1x16xf32> to vector<16xf32>
      %swap3A_353 = vector.shape_cast %get3A_348 : vector<16xf32> to vector<1x16xf32>
      tpu.vector_store %arg22[%swap3A_349, %swap3A_350], %swap3A_353 {strides = array<i32>} : memref<128x128xf32, #tpu.memory_space<vmem>>, vector<1x16xf32>,
      %get3A_354 = arith.index_cast %squeeze3A_335 : i32 to index
      %get3A_355 = arith.constant 32 : index
      %get3A_356 = tpu.vector_load %arg16[%get3A_354, %get3A_355] {strides = array<i32>} : memref<81x64xf32, #tpu.memory_space<vmem>>, vector<1x16xf32>,
      %get3A_357 = vector.shape_cast %get3A_356 : vector<1x16xf32> to vector<16xf32>
      %swap3A_358 = arith.index_cast %add3A_242 : i32 to index
      %swap3A_359 = arith.constant 96 : index
      %swap3A_360 = tpu.vector_load %arg22[%swap3A_358, %swap3A_359] {strides = array<i32>} : memref<128x128xf32, #tpu.memory_space<vmem>>, vector<1x16xf32>,
      %swap3A_361 = vector.shape_cast %swap3A_360 : vector<1x16xf32> to vector<16xf32>
      %swap3A_362 = vector.shape_cast %get3A_357 : vector<16xf32> to vector<1x16xf32>
      tpu.vector_store %arg22[%swap3A_358, %swap3A_359], %swap3A_362 {strides = array<i32>} : memref<128x128xf32, #tpu.memory_space<vmem>>, vector<1x16xf32>,
      %get3A_363 = arith.index_cast %squeeze3A_335 : i32 to index
      %get3A_364 = arith.constant 48 : index
      %get3A_365 = tpu.vector_load %arg16[%get3A_363, %get3A_364] {strides = array<i32>} : memref<81x64xf32, #tpu.memory_space<vmem>>, vector<1x16xf32>,
      %get3A_366 = vector.shape_cast %get3A_365 : vector<1x16xf32> to vector<16xf32>
      %swap3A_367 = arith.index_cast %add3A_242 : i32 to index
      %swap3A_368 = arith.constant 112 : index
      %swap3A_369 = tpu.vector_load %arg22[%swap3A_367, %swap3A_368] {strides = array<i32>} : memref<128x128xf32, #tpu.memory_space<vmem>>, vector<1x16xf32>,
      %swap3A_370 = vector.shape_cast %swap3A_369 : vector<1x16xf32> to vector<16xf32>
      %swap3A_371 = vector.shape_cast %get3A_366 : vector<16xf32> to vector<1x16xf32>
      tpu.vector_store %arg22[%swap3A_367, %swap3A_368], %swap3A_371 {strides = array<i32>} : memref<128x128xf32, #tpu.memory_space<vmem>>, vector<1x16xf32>,
      %mul3A_372 = arith.constant 4 : i32
      %mul3A_373 = arith.muli %scan3A_238, %mul3A_372 : i32
      %add3A_374 = arith.constant 1 : i32
      %add3A_375 = arith.addi %mul3A_373, %add3A_374 : i32
      %add3A_376 = arith.constant 384 : i32
      %add3A_377 = arith.addi %add3A_376, %add3A_375 : i32
      %get3A_378 = arith.constant 2 : i32
      %get3A_379 = arith.index_cast %get3A_378 : i32 to index
      %get3A_380 = arith.index_cast %add3A_377 : i32 to index
      %get3A_381 = tpu.vector_load %arg13[%get3A_379, %get3A_380] {strides = array<i32>} : memref<5x512xi32, #tpu.memory_space<vmem>>, vector<1x1xi32>,
      %get3A_382 = vector.shape_cast %get3A_381 : vector<1x1xi32> to vector<1xi32>
      %squeeze3A_383 = vector.extract %get3A_382[0] : i32 from vector<1xi32>
      %get3A_384 = arith.index_cast %squeeze3A_383 : i32 to index
      %get3A_385 = arith.constant 0 : index
      %get3A_386 = tpu.vector_load %arg14[%get3A_384, %get3A_385] {strides = array<i32>} : memref<11x64xf32, #tpu.memory_space<vmem>>, vector<1x16xf32>,
      %get3A_387 = vector.shape_cast %get3A_386 : vector<1x16xf32> to vector<16xf32>
      %swap3A_388 = arith.index_cast %add3A_375 : i32 to index
      %swap3A_389 = arith.constant 0 : index
      %swap3A_390 = tpu.vector_load %arg21[%swap3A_388, %swap3A_389] {strides = array<i32>} : memref<128x64xf32, #tpu.memory_space<vmem>>, vector<1x16xf32>,
      %swap3A_391 = vector.shape_cast %swap3A_390 : vector<1x16xf32> to vector<16xf32>
      %swap3A_392 = vector.shape_cast %get3A_387 : vector<16xf32> to vector<1x16xf32>
      tpu.vector_store %arg21[%swap3A_388, %swap3A_389], %swap3A_392 {strides = array<i32>} : memref<128x64xf32, #tpu.memory_space<vmem>>, vector<1x16xf32>,
      %get3A_393 = arith.index_cast %squeeze3A_383 : i32 to index
      %get3A_394 = arith.constant 16 : index
      %get3A_395 = tpu.vector_load %arg14[%get3A_393, %get3A_394] {strides = array<i32>} : memref<11x64xf32, #tpu.memory_space<vmem>>, vector<1x16xf32>,
      %get3A_396 = vector.shape_cast %get3A_395 : vector<1x16xf32> to vector<16xf32>
      %swap3A_397 = arith.index_cast %add3A_375 : i32 to index
      %swap3A_398 = arith.constant 16 : index
      %swap3A_399 = tpu.vector_load %arg21[%swap3A_397, %swap3A_398] {strides = array<i32>} : memref<128x64xf32, #tpu.memory_space<vmem>>, vector<1x16xf32>,
      %swap3A_400 = vector.shape_cast %swap3A_399 : vector<1x16xf32> to vector<16xf32>
      %swap3A_401 = vector.shape_cast %get3A_396 : vector<16xf32> to vector<1x16xf32>
      tpu.vector_store %arg21[%swap3A_397, %swap3A_398], %swap3A_401 {strides = array<i32>} : memref<128x64xf32, #tpu.memory_space<vmem>>, vector<1x16xf32>,
      %get3A_402 = arith.index_cast %squeeze3A_383 : i32 to index
      %get3A_403 = arith.constant 32 : index
      %get3A_404 = tpu.vector_load %arg14[%get3A_402, %get3A_403] {strides = array<i32>} : memref<11x64xf32, #tpu.memory_space<vmem>>, vector<1x16xf32>,
      %get3A_405 = vector.shape_cast %get3A_404 : vector<1x16xf32> to vector<16xf32>
      %swap3A_406 = arith.index_cast %add3A_375 : i32 to index
      %swap3A_407 = arith.constant 32 : index
      %swap3A_408 = tpu.vector_load %arg21[%swap3A_406, %swap3A_407] {strides = array<i32>} : memref<128x64xf32, #tpu.memory_space<vmem>>, vector<1x16xf32>,
      %swap3A_409 = vector.shape_cast %swap3A_408 : vector<1x16xf32> to vector<16xf32>
      %swap3A_410 = vector.shape_cast %get3A_405 : vector<16xf32> to vector<1x16xf32>
      tpu.vector_store %arg21[%swap3A_406, %swap3A_407], %swap3A_410 {strides = array<i32>} : memref<128x64xf32, #tpu.memory_space<vmem>>, vector<1x16xf32>,
      %get3A_411 = arith.index_cast %squeeze3A_383 : i32 to index
      %get3A_412 = arith.constant 48 : index
      %get3A_413 = tpu.vector_load %arg14[%get3A_411, %get3A_412] {strides = array<i32>} : memref<11x64xf32, #tpu.memory_space<vmem>>, vector<1x16xf32>,
      %get3A_414 = vector.shape_cast %get3A_413 : vector<1x16xf32> to vector<16xf32>
      %swap3A_415 = arith.index_cast %add3A_375 : i32 to index
      %swap3A_416 = arith.constant 48 : index
      %swap3A_417 = tpu.vector_load %arg21[%swap3A_415, %swap3A_416] {strides = array<i32>} : memref<128x64xf32, #tpu.memory_space<vmem>>, vector<1x16xf32>,
      %swap3A_418 = vector.shape_cast %swap3A_417 : vector<1x16xf32> to vector<16xf32>
      %swap3A_419 = vector.shape_cast %get3A_414 : vector<16xf32> to vector<1x16xf32>
      tpu.vector_store %arg21[%swap3A_415, %swap3A_416], %swap3A_419 {strides = array<i32>} : memref<128x64xf32, #tpu.memory_space<vmem>>, vector<1x16xf32>,
      %add3A_420 = arith.constant 384 : i32
      %add3A_421 = arith.addi %add3A_420, %add3A_375 : i32
      %get3A_422 = arith.constant 3 : i32
      %get3A_423 = arith.index_cast %get3A_422 : i32 to index
      %get3A_424 = arith.index_cast %add3A_421 : i32 to index
      %get3A_425 = tpu.vector_load %arg13[%get3A_423, %get3A_424] {strides = array<i32>} : memref<5x512xi32, #tpu.memory_space<vmem>>, vector<1x1xi32>,
      %get3A_426 = vector.shape_cast %get3A_425 : vector<1x1xi32> to vector<1xi32>
      %squeeze3A_427 = vector.extract %get3A_426[0] : i32 from vector<1xi32>
      %get3A_428 = arith.index_cast %squeeze3A_427 : i32 to index
      %get3A_429 = arith.constant 0 : index
      %get3A_430 = tpu.vector_load %arg15[%get3A_428, %get3A_429] {strides = array<i32>} : memref<17x64xf32, #tpu.memory_space<vmem>>, vector<1x16xf32>,
      %get3A_431 = vector.shape_cast %get3A_430 : vector<1x16xf32> to vector<16xf32>
      %swap3A_432 = arith.index_cast %add3A_375 : i32 to index
      %swap3A_433 = arith.constant 0 : index
      %swap3A_434 = tpu.vector_load %arg22[%swap3A_432, %swap3A_433] {strides = array<i32>} : memref<128x128xf32, #tpu.memory_space<vmem>>, vector<1x16xf32>,
      %swap3A_435 = vector.shape_cast %swap3A_434 : vector<1x16xf32> to vector<16xf32>
      %swap3A_436 = vector.shape_cast %get3A_431 : vector<16xf32> to vector<1x16xf32>
      tpu.vector_store %arg22[%swap3A_432, %swap3A_433], %swap3A_436 {strides = array<i32>} : memref<128x128xf32, #tpu.memory_space<vmem>>, vector<1x16xf32>,
      %get3A_437 = arith.index_cast %squeeze3A_427 : i32 to index
      %get3A_438 = arith.constant 16 : index
      %get3A_439 = tpu.vector_load %arg15[%get3A_437, %get3A_438] {strides = array<i32>} : memref<17x64xf32, #tpu.memory_space<vmem>>, vector<1x16xf32>,
      %get3A_440 = vector.shape_cast %get3A_439 : vector<1x16xf32> to vector<16xf32>
      %swap3A_441 = arith.index_cast %add3A_375 : i32 to index
      %swap3A_442 = arith.constant 16 : index
      %swap3A_443 = tpu.vector_load %arg22[%swap3A_441, %swap3A_442] {strides = array<i32>} : memref<128x128xf32, #tpu.memory_space<vmem>>, vector<1x16xf32>,
      %swap3A_444 = vector.shape_cast %swap3A_443 : vector<1x16xf32> to vector<16xf32>
      %swap3A_445 = vector.shape_cast %get3A_440 : vector<16xf32> to vector<1x16xf32>
      tpu.vector_store %arg22[%swap3A_441, %swap3A_442], %swap3A_445 {strides = array<i32>} : memref<128x128xf32, #tpu.memory_space<vmem>>, vector<1x16xf32>,
      %get3A_446 = arith.index_cast %squeeze3A_427 : i32 to index
      %get3A_447 = arith.constant 32 : index
      %get3A_448 = tpu.vector_load %arg15[%get3A_446, %get3A_447] {strides = array<i32>} : memref<17x64xf32, #tpu.memory_space<vmem>>, vector<1x16xf32>,
      %get3A_449 = vector.shape_cast %get3A_448 : vector<1x16xf32> to vector<16xf32>
      %swap3A_450 = arith.index_cast %add3A_375 : i32 to index
      %swap3A_451 = arith.constant 32 : index
      %swap3A_452 = tpu.vector_load %arg22[%swap3A_450, %swap3A_451] {strides = array<i32>} : memref<128x128xf32, #tpu.memory_space<vmem>>, vector<1x16xf32>,
      %swap3A_453 = vector.shape_cast %swap3A_452 : vector<1x16xf32> to vector<16xf32>
      %swap3A_454 = vector.shape_cast %get3A_449 : vector<16xf32> to vector<1x16xf32>
      tpu.vector_store %arg22[%swap3A_450, %swap3A_451], %swap3A_454 {strides = array<i32>} : memref<128x128xf32, #tpu.memory_space<vmem>>, vector<1x16xf32>,
      %get3A_455 = arith.index_cast %squeeze3A_427 : i32 to index
      %get3A_456 = arith.constant 48 : index
      %get3A_457 = tpu.vector_load %arg15[%get3A_455, %get3A_456] {strides = array<i32>} : memref<17x64xf32, #tpu.memory_space<vmem>>, vector<1x16xf32>,
      %get3A_458 = vector.shape_cast %get3A_457 : vector<1x16xf32> to vector<16xf32>
      %swap3A_459 = arith.index_cast %add3A_375 : i32 to index
      %swap3A_460 = arith.constant 48 : index
      %swap3A_461 = tpu.vector_load %arg22[%swap3A_459, %swap3A_460] {strides = array<i32>} : memref<128x128xf32, #tpu.memory_space<vmem>>, vector<1x16xf32>,
      %swap3A_462 = vector.shape_cast %swap3A_461 : vector<1x16xf32> to vector<16xf32>
      %swap3A_463 = vector.shape_cast %get3A_458 : vector<16xf32> to vector<1x16xf32>
      tpu.vector_store %arg22[%swap3A_459, %swap3A_460], %swap3A_463 {strides = array<i32>} : memref<128x128xf32, #tpu.memory_space<vmem>>, vector<1x16xf32>,
      %add3A_464 = arith.constant 384 : i32
      %add3A_465 = arith.addi %add3A_464, %add3A_375 : i32
      %get3A_466 = arith.constant 4 : i32
      %get3A_467 = arith.index_cast %get3A_466 : i32 to index
      %get3A_468 = arith.index_cast %add3A_465 : i32 to index
      %get3A_469 = tpu.vector_load %arg13[%get3A_467, %get3A_468] {strides = array<i32>} : memref<5x512xi32, #tpu.memory_space<vmem>>, vector<1x1xi32>,
      %get3A_470 = vector.shape_cast %get3A_469 : vector<1x1xi32> to vector<1xi32>
      %squeeze3A_471 = vector.extract %get3A_470[0] : i32 from vector<1xi32>
      %get3A_472 = arith.index_cast %squeeze3A_471 : i32 to index
      %get3A_473 = arith.constant 0 : index
      %get3A_474 = tpu.vector_load %arg16[%get3A_472, %get3A_473] {strides = array<i32>} : memref<81x64xf32, #tpu.memory_space<vmem>>, vector<1x16xf32>,
      %get3A_475 = vector.shape_cast %get3A_474 : vector<1x16xf32> to vector<16xf32>
      %swap3A_476 = arith.index_cast %add3A_375 : i32 to index
      %swap3A_477 = arith.constant 64 : index
      %swap3A_478 = tpu.vector_load %arg22[%swap3A_476, %swap3A_477] {strides = array<i32>} : memref<128x128xf32, #tpu.memory_space<vmem>>, vector<1x16xf32>,
      %swap3A_479 = vector.shape_cast %swap3A_478 : vector<1x16xf32> to vector<16xf32>
      %swap3A_480 = vector.shape_cast %get3A_475 : vector<16xf32> to vector<1x16xf32>
      tpu.vector_store %arg22[%swap3A_476, %swap3A_477], %swap3A_480 {strides = array<i32>} : memref<128x128xf32, #tpu.memory_space<vmem>>, vector<1x16xf32>,
      %get3A_481 = arith.index_cast %squeeze3A_471 : i32 to index
      %get3A_482 = arith.constant 16 : index
      %get3A_483 = tpu.vector_load %arg16[%get3A_481, %get3A_482] {strides = array<i32>} : memref<81x64xf32, #tpu.memory_space<vmem>>, vector<1x16xf32>,
      %get3A_484 = vector.shape_cast %get3A_483 : vector<1x16xf32> to vector<16xf32>
      %swap3A_485 = arith.index_cast %add3A_375 : i32 to index
      %swap3A_486 = arith.constant 80 : index
      %swap3A_487 = tpu.vector_load %arg22[%swap3A_485, %swap3A_486] {strides = array<i32>} : memref<128x128xf32, #tpu.memory_space<vmem>>, vector<1x16xf32>,
      %swap3A_488 = vector.shape_cast %swap3A_487 : vector<1x16xf32> to vector<16xf32>
      %swap3A_489 = vector.shape_cast %get3A_484 : vector<16xf32> to vector<1x16xf32>
      tpu.vector_store %arg22[%swap3A_485, %swap3A_486], %swap3A_489 {strides = array<i32>} : memref<128x128xf32, #tpu.memory_space<vmem>>, vector<1x16xf32>,
      %get3A_490 = arith.index_cast %squeeze3A_471 : i32 to index
      %get3A_491 = arith.constant 32 : index
      %get3A_492 = tpu.vector_load %arg16[%get3A_490, %get3A_491] {strides = array<i32>} : memref<81x64xf32, #tpu.memory_space<vmem>>, vector<1x16xf32>,
      %get3A_493 = vector.shape_cast %get3A_492 : vector<1x16xf32> to vector<16xf32>
      %swap3A_494 = arith.index_cast %add3A_375 : i32 to index
      %swap3A_495 = arith.constant 96 : index
      %swap3A_496 = tpu.vector_load %arg22[%swap3A_494, %swap3A_495] {strides = array<i32>} : memref<128x128xf32, #tpu.memory_space<vmem>>, vector<1x16xf32>,
      %swap3A_497 = vector.shape_cast %swap3A_496 : vector<1x16xf32> to vector<16xf32>
      %swap3A_498 = vector.shape_cast %get3A_493 : vector<16xf32> to vector<1x16xf32>
      tpu.vector_store %arg22[%swap3A_494, %swap3A_495], %swap3A_498 {strides = array<i32>} : memref<128x128xf32, #tpu.memory_space<vmem>>, vector<1x16xf32>,
      %get3A_499 = arith.index_cast %squeeze3A_471 : i32 to index
      %get3A_500 = arith.constant 48 : index
      %get3A_501 = tpu.vector_load %arg16[%get3A_499, %get3A_500] {strides = array<i32>} : memref<81x64xf32, #tpu.memory_space<vmem>>, vector<1x16xf32>,
      %get3A_502 = vector.shape_cast %get3A_501 : vector<1x16xf32> to vector<16xf32>
      %swap3A_503 = arith.index_cast %add3A_375 : i32 to index
      %swap3A_504 = arith.constant 112 : index
      %swap3A_505 = tpu.vector_load %arg22[%swap3A_503, %swap3A_504] {strides = array<i32>} : memref<128x128xf32, #tpu.memory_space<vmem>>, vector<1x16xf32>,
      %swap3A_506 = vector.shape_cast %swap3A_505 : vector<1x16xf32> to vector<16xf32>
      %swap3A_507 = vector.shape_cast %get3A_502 : vector<16xf32> to vector<1x16xf32>
      tpu.vector_store %arg22[%swap3A_503, %swap3A_504], %swap3A_507 {strides = array<i32>} : memref<128x128xf32, #tpu.memory_space<vmem>>, vector<1x16xf32>,
      %mul3A_508 = arith.constant 4 : i32
      %mul3A_509 = arith.muli %scan3A_238, %mul3A_508 : i32
      %add3A_510 = arith.constant 2 : i32
      %add3A_511 = arith.addi %mul3A_509, %add3A_510 : i32
      %add3A_512 = arith.constant 384 : i32
      %add3A_513 = arith.addi %add3A_512, %add3A_511 : i32
      %get3A_514 = arith.constant 2 : i32
      %get3A_515 = arith.index_cast %get3A_514 : i32 to index
      %get3A_516 = arith.index_cast %add3A_513 : i32 to index
      %get3A_517 = tpu.vector_load %arg13[%get3A_515, %get3A_516] {strides = array<i32>} : memref<5x512xi32, #tpu.memory_space<vmem>>, vector<1x1xi32>,
      %get3A_518 = vector.shape_cast %get3A_517 : vector<1x1xi32> to vector<1xi32>
      %squeeze3A_519 = vector.extract %get3A_518[0] : i32 from vector<1xi32>
      %get3A_520 = arith.index_cast %squeeze3A_519 : i32 to index
      %get3A_521 = arith.constant 0 : index
      %get3A_522 = tpu.vector_load %arg14[%get3A_520, %get3A_521] {strides = array<i32>} : memref<11x64xf32, #tpu.memory_space<vmem>>, vector<1x16xf32>,
      %get3A_523 = vector.shape_cast %get3A_522 : vector<1x16xf32> to vector<16xf32>
      %swap3A_524 = arith.index_cast %add3A_511 : i32 to index
      %swap3A_525 = arith.constant 0 : index
      %swap3A_526 = tpu.vector_load %arg21[%swap3A_524, %swap3A_525] {strides = array<i32>} : memref<128x64xf32, #tpu.memory_space<vmem>>, vector<1x16xf32>,
      %swap3A_527 = vector.shape_cast %swap3A_526 : vector<1x16xf32> to vector<16xf32>
      %swap3A_528 = vector.shape_cast %get3A_523 : vector<16xf32> to vector<1x16xf32>
      tpu.vector_store %arg21[%swap3A_524, %swap3A_525], %swap3A_528 {strides = array<i32>} : memref<128x64xf32, #tpu.memory_space<vmem>>, vector<1x16xf32>,
      %get3A_529 = arith.index_cast %squeeze3A_519 : i32 to index
      %get3A_530 = arith.constant 16 : index
      %get3A_531 = tpu.vector_load %arg14[%get3A_529, %get3A_530] {strides = array<i32>} : memref<11x64xf32, #tpu.memory_space<vmem>>, vector<1x16xf32>,
      %get3A_532 = vector.shape_cast %get3A_531 : vector<1x16xf32> to vector<16xf32>
      %swap3A_533 = arith.index_cast %add3A_511 : i32 to index
      %swap3A_534 = arith.constant 16 : index
      %swap3A_535 = tpu.vector_load %arg21[%swap3A_533, %swap3A_534] {strides = array<i32>} : memref<128x64xf32, #tpu.memory_space<vmem>>, vector<1x16xf32>,
      %swap3A_536 = vector.shape_cast %swap3A_535 : vector<1x16xf32> to vector<16xf32>
      %swap3A_537 = vector.shape_cast %get3A_532 : vector<16xf32> to vector<1x16xf32>
      tpu.vector_store %arg21[%swap3A_533, %swap3A_534], %swap3A_537 {strides = array<i32>} : memref<128x64xf32, #tpu.memory_space<vmem>>, vector<1x16xf32>,
      %get3A_538 = arith.index_cast %squeeze3A_519 : i32 to index
      %get3A_539 = arith.constant 32 : index
      %get3A_540 = tpu.vector_load %arg14[%get3A_538, %get3A_539] {strides = array<i32>} : memref<11x64xf32, #tpu.memory_space<vmem>>, vector<1x16xf32>,
      %get3A_541 = vector.shape_cast %get3A_540 : vector<1x16xf32> to vector<16xf32>
      %swap3A_542 = arith.index_cast %add3A_511 : i32 to index
      %swap3A_543 = arith.constant 32 : index
      %swap3A_544 = tpu.vector_load %arg21[%swap3A_542, %swap3A_543] {strides = array<i32>} : memref<128x64xf32, #tpu.memory_space<vmem>>, vector<1x16xf32>,
      %swap3A_545 = vector.shape_cast %swap3A_544 : vector<1x16xf32> to vector<16xf32>
      %swap3A_546 = vector.shape_cast %get3A_541 : vector<16xf32> to vector<1x16xf32>
      tpu.vector_store %arg21[%swap3A_542, %swap3A_543], %swap3A_546 {strides = array<i32>} : memref<128x64xf32, #tpu.memory_space<vmem>>, vector<1x16xf32>,
      %get3A_547 = arith.index_cast %squeeze3A_519 : i32 to index
      %get3A_548 = arith.constant 48 : index
      %get3A_549 = tpu.vector_load %arg14[%get3A_547, %get3A_548] {strides = array<i32>} : memref<11x64xf32, #tpu.memory_space<vmem>>, vector<1x16xf32>,
      %get3A_550 = vector.shape_cast %get3A_549 : vector<1x16xf32> to vector<16xf32>
      %swap3A_551 = arith.index_cast %add3A_511 : i32 to index
      %swap3A_552 = arith.constant 48 : index
      %swap3A_553 = tpu.vector_load %arg21[%swap3A_551, %swap3A_552] {strides = array<i32>} : memref<128x64xf32, #tpu.memory_space<vmem>>, vector<1x16xf32>,
      %swap3A_554 = vector.shape_cast %swap3A_553 : vector<1x16xf32> to vector<16xf32>
      %swap3A_555 = vector.shape_cast %get3A_550 : vector<16xf32> to vector<1x16xf32>
      tpu.vector_store %arg21[%swap3A_551, %swap3A_552], %swap3A_555 {strides = array<i32>} : memref<128x64xf32, #tpu.memory_space<vmem>>, vector<1x16xf32>,
      %add3A_556 = arith.constant 384 : i32
      %add3A_557 = arith.addi %add3A_556, %add3A_511 : i32
      %get3A_558 = arith.constant 3 : i32
      %get3A_559 = arith.index_cast %get3A_558 : i32 to index
      %get3A_560 = arith.index_cast %add3A_557 : i32 to index
      %get3A_561 = tpu.vector_load %arg13[%get3A_559, %get3A_560] {strides = array<i32>} : memref<5x512xi32, #tpu.memory_space<vmem>>, vector<1x1xi32>,
      %get3A_562 = vector.shape_cast %get3A_561 : vector<1x1xi32> to vector<1xi32>
      %squeeze3A_563 = vector.extract %get3A_562[0] : i32 from vector<1xi32>
      %get3A_564 = arith.index_cast %squeeze3A_563 : i32 to index
      %get3A_565 = arith.constant 0 : index
      %get3A_566 = tpu.vector_load %arg15[%get3A_564, %get3A_565] {strides = array<i32>} : memref<17x64xf32, #tpu.memory_space<vmem>>, vector<1x16xf32>,
      %get3A_567 = vector.shape_cast %get3A_566 : vector<1x16xf32> to vector<16xf32>
      %swap3A_568 = arith.index_cast %add3A_511 : i32 to index
      %swap3A_569 = arith.constant 0 : index
      %swap3A_570 = tpu.vector_load %arg22[%swap3A_568, %swap3A_569] {strides = array<i32>} : memref<128x128xf32, #tpu.memory_space<vmem>>, vector<1x16xf32>,
      %swap3A_571 = vector.shape_cast %swap3A_570 : vector<1x16xf32> to vector<16xf32>
      %swap3A_572 = vector.shape_cast %get3A_567 : vector<16xf32> to vector<1x16xf32>
      tpu.vector_store %arg22[%swap3A_568, %swap3A_569], %swap3A_572 {strides = array<i32>} : memref<128x128xf32, #tpu.memory_space<vmem>>, vector<1x16xf32>,
      %get3A_573 = arith.index_cast %squeeze3A_563 : i32 to index
      %get3A_574 = arith.constant 16 : index
      %get3A_575 = tpu.vector_load %arg15[%get3A_573, %get3A_574] {strides = array<i32>} : memref<17x64xf32, #tpu.memory_space<vmem>>, vector<1x16xf32>,
      %get3A_576 = vector.shape_cast %get3A_575 : vector<1x16xf32> to vector<16xf32>
      %swap3A_577 = arith.index_cast %add3A_511 : i32 to index
      %swap3A_578 = arith.constant 16 : index
      %swap3A_579 = tpu.vector_load %arg22[%swap3A_577, %swap3A_578] {strides = array<i32>} : memref<128x128xf32, #tpu.memory_space<vmem>>, vector<1x16xf32>,
      %swap3A_580 = vector.shape_cast %swap3A_579 : vector<1x16xf32> to vector<16xf32>
      %swap3A_581 = vector.shape_cast %get3A_576 : vector<16xf32> to vector<1x16xf32>
      tpu.vector_store %arg22[%swap3A_577, %swap3A_578], %swap3A_581 {strides = array<i32>} : memref<128x128xf32, #tpu.memory_space<vmem>>, vector<1x16xf32>,
      %get3A_582 = arith.index_cast %squeeze3A_563 : i32 to index
      %get3A_583 = arith.constant 32 : index
      %get3A_584 = tpu.vector_load %arg15[%get3A_582, %get3A_583] {strides = array<i32>} : memref<17x64xf32, #tpu.memory_space<vmem>>, vector<1x16xf32>,
      %get3A_585 = vector.shape_cast %get3A_584 : vector<1x16xf32> to vector<16xf32>
      %swap3A_586 = arith.index_cast %add3A_511 : i32 to index
      %swap3A_587 = arith.constant 32 : index
      %swap3A_588 = tpu.vector_load %arg22[%swap3A_586, %swap3A_587] {strides = array<i32>} : memref<128x128xf32, #tpu.memory_space<vmem>>, vector<1x16xf32>,
      %swap3A_589 = vector.shape_cast %swap3A_588 : vector<1x16xf32> to vector<16xf32>
      %swap3A_590 = vector.shape_cast %get3A_585 : vector<16xf32> to vector<1x16xf32>
      tpu.vector_store %arg22[%swap3A_586, %swap3A_587], %swap3A_590 {strides = array<i32>} : memref<128x128xf32, #tpu.memory_space<vmem>>, vector<1x16xf32>,
      %get3A_591 = arith.index_cast %squeeze3A_563 : i32 to index
      %get3A_592 = arith.constant 48 : index
      %get3A_593 = tpu.vector_load %arg15[%get3A_591, %get3A_592] {strides = array<i32>} : memref<17x64xf32, #tpu.memory_space<vmem>>, vector<1x16xf32>,
      %get3A_594 = vector.shape_cast %get3A_593 : vector<1x16xf32> to vector<16xf32>
      %swap3A_595 = arith.index_cast %add3A_511 : i32 to index
      %swap3A_596 = arith.constant 48 : index
      %swap3A_597 = tpu.vector_load %arg22[%swap3A_595, %swap3A_596] {strides = array<i32>} : memref<128x128xf32, #tpu.memory_space<vmem>>, vector<1x16xf32>,
      %swap3A_598 = vector.shape_cast %swap3A_597 : vector<1x16xf32> to vector<16xf32>
      %swap3A_599 = vector.shape_cast %get3A_594 : vector<16xf32> to vector<1x16xf32>
      tpu.vector_store %arg22[%swap3A_595, %swap3A_596], %swap3A_599 {strides = array<i32>} : memref<128x128xf32, #tpu.memory_space<vmem>>, vector<1x16xf32>,
      %add3A_600 = arith.constant 384 : i32
      %add3A_601 = arith.addi %add3A_600, %add3A_511 : i32
      %get3A_602 = arith.constant 4 : i32
      %get3A_603 = arith.index_cast %get3A_602 : i32 to index
      %get3A_604 = arith.index_cast %add3A_601 : i32 to index
      %get3A_605 = tpu.vector_load %arg13[%get3A_603, %get3A_604] {strides = array<i32>} : memref<5x512xi32, #tpu.memory_space<vmem>>, vector<1x1xi32>,
      %get3A_606 = vector.shape_cast %get3A_605 : vector<1x1xi32> to vector<1xi32>
      %squeeze3A_607 = vector.extract %get3A_606[0] : i32 from vector<1xi32>
      %get3A_608 = arith.index_cast %squeeze3A_607 : i32 to index
      %get3A_609 = arith.constant 0 : index
      %get3A_610 = tpu.vector_load %arg16[%get3A_608, %get3A_609] {strides = array<i32>} : memref<81x64xf32, #tpu.memory_space<vmem>>, vector<1x16xf32>,
      %get3A_611 = vector.shape_cast %get3A_610 : vector<1x16xf32> to vector<16xf32>
      %swap3A_612 = arith.index_cast %add3A_511 : i32 to index
      %swap3A_613 = arith.constant 64 : index
      %swap3A_614 = tpu.vector_load %arg22[%swap3A_612, %swap3A_613] {strides = array<i32>} : memref<128x128xf32, #tpu.memory_space<vmem>>, vector<1x16xf32>,
      %swap3A_615 = vector.shape_cast %swap3A_614 : vector<1x16xf32> to vector<16xf32>
      %swap3A_616 = vector.shape_cast %get3A_611 : vector<16xf32> to vector<1x16xf32>
      tpu.vector_store %arg22[%swap3A_612, %swap3A_613], %swap3A_616 {strides = array<i32>} : memref<128x128xf32, #tpu.memory_space<vmem>>, vector<1x16xf32>,
      %get3A_617 = arith.index_cast %squeeze3A_607 : i32 to index
      %get3A_618 = arith.constant 16 : index
      %get3A_619 = tpu.vector_load %arg16[%get3A_617, %get3A_618] {strides = array<i32>} : memref<81x64xf32, #tpu.memory_space<vmem>>, vector<1x16xf32>,
      %get3A_620 = vector.shape_cast %get3A_619 : vector<1x16xf32> to vector<16xf32>
      %swap3A_621 = arith.index_cast %add3A_511 : i32 to index
      %swap3A_622 = arith.constant 80 : index
      %swap3A_623 = tpu.vector_load %arg22[%swap3A_621, %swap3A_622] {strides = array<i32>} : memref<128x128xf32, #tpu.memory_space<vmem>>, vector<1x16xf32>,
      %swap3A_624 = vector.shape_cast %swap3A_623 : vector<1x16xf32> to vector<16xf32>
      %swap3A_625 = vector.shape_cast %get3A_620 : vector<16xf32> to vector<1x16xf32>
      tpu.vector_store %arg22[%swap3A_621, %swap3A_622], %swap3A_625 {strides = array<i32>} : memref<128x128xf32, #tpu.memory_space<vmem>>, vector<1x16xf32>,
      %get3A_626 = arith.index_cast %squeeze3A_607 : i32 to index
      %get3A_627 = arith.constant 32 : index
      %get3A_628 = tpu.vector_load %arg16[%get3A_626, %get3A_627] {strides = array<i32>} : memref<81x64xf32, #tpu.memory_space<vmem>>, vector<1x16xf32>,
      %get3A_629 = vector.shape_cast %get3A_628 : vector<1x16xf32> to vector<16xf32>
      %swap3A_630 = arith.index_cast %add3A_511 : i32 to index
      %swap3A_631 = arith.constant 96 : index
      %swap3A_632 = tpu.vector_load %arg22[%swap3A_630, %swap3A_631] {strides = array<i32>} : memref<128x128xf32, #tpu.memory_space<vmem>>, vector<1x16xf32>,
      %swap3A_633 = vector.shape_cast %swap3A_632 : vector<1x16xf32> to vector<16xf32>
      %swap3A_634 = vector.shape_cast %get3A_629 : vector<16xf32> to vector<1x16xf32>
      tpu.vector_store %arg22[%swap3A_630, %swap3A_631], %swap3A_634 {strides = array<i32>} : memref<128x128xf32, #tpu.memory_space<vmem>>, vector<1x16xf32>,
      %get3A_635 = arith.index_cast %squeeze3A_607 : i32 to index
      %get3A_636 = arith.constant 48 : index
      %get3A_637 = tpu.vector_load %arg16[%get3A_635, %get3A_636] {strides = array<i32>} : memref<81x64xf32, #tpu.memory_space<vmem>>, vector<1x16xf32>,
      %get3A_638 = vector.shape_cast %get3A_637 : vector<1x16xf32> to vector<16xf32>
      %swap3A_639 = arith.index_cast %add3A_511 : i32 to index
      %swap3A_640 = arith.constant 112 : index
      %swap3A_641 = tpu.vector_load %arg22[%swap3A_639, %swap3A_640] {strides = array<i32>} : memref<128x128xf32, #tpu.memory_space<vmem>>, vector<1x16xf32>,
      %swap3A_642 = vector.shape_cast %swap3A_641 : vector<1x16xf32> to vector<16xf32>
      %swap3A_643 = vector.shape_cast %get3A_638 : vector<16xf32> to vector<1x16xf32>
      tpu.vector_store %arg22[%swap3A_639, %swap3A_640], %swap3A_643 {strides = array<i32>} : memref<128x128xf32, #tpu.memory_space<vmem>>, vector<1x16xf32>,
      %mul3A_644 = arith.constant 4 : i32
      %mul3A_645 = arith.muli %scan3A_238, %mul3A_644 : i32
      %add3A_646 = arith.constant 3 : i32
      %add3A_647 = arith.addi %mul3A_645, %add3A_646 : i32
      %add3A_648 = arith.constant 384 : i32
      %add3A_649 = arith.addi %add3A_648, %add3A_647 : i32
      %get3A_650 = arith.constant 2 : i32
      %get3A_651 = arith.index_cast %get3A_650 : i32 to index
      %get3A_652 = arith.index_cast %add3A_649 : i32 to index
      %get3A_653 = tpu.vector_load %arg13[%get3A_651, %get3A_652] {strides = array<i32>} : memref<5x512xi32, #tpu.memory_space<vmem>>, vector<1x1xi32>,
      %get3A_654 = vector.shape_cast %get3A_653 : vector<1x1xi32> to vector<1xi32>
      %squeeze3A_655 = vector.extract %get3A_654[0] : i32 from vector<1xi32>
      %get3A_656 = arith.index_cast %squeeze3A_655 : i32 to index
      %get3A_657 = arith.constant 0 : index
      %get3A_658 = tpu.vector_load %arg14[%get3A_656, %get3A_657] {strides = array<i32>} : memref<11x64xf32, #tpu.memory_space<vmem>>, vector<1x16xf32>,
      %get3A_659 = vector.shape_cast %get3A_658 : vector<1x16xf32> to vector<16xf32>
      %swap3A_660 = arith.index_cast %add3A_647 : i32 to index
      %swap3A_661 = arith.constant 0 : index
      %swap3A_662 = tpu.vector_load %arg21[%swap3A_660, %swap3A_661] {strides = array<i32>} : memref<128x64xf32, #tpu.memory_space<vmem>>, vector<1x16xf32>,
      %swap3A_663 = vector.shape_cast %swap3A_662 : vector<1x16xf32> to vector<16xf32>
      %swap3A_664 = vector.shape_cast %get3A_659 : vector<16xf32> to vector<1x16xf32>
      tpu.vector_store %arg21[%swap3A_660, %swap3A_661], %swap3A_664 {strides = array<i32>} : memref<128x64xf32, #tpu.memory_space<vmem>>, vector<1x16xf32>,
      %get3A_665 = arith.index_cast %squeeze3A_655 : i32 to index
      %get3A_666 = arith.constant 16 : index
      %get3A_667 = tpu.vector_load %arg14[%get3A_665, %get3A_666] {strides = array<i32>} : memref<11x64xf32, #tpu.memory_space<vmem>>, vector<1x16xf32>,
      %get3A_668 = vector.shape_cast %get3A_667 : vector<1x16xf32> to vector<16xf32>
      %swap3A_669 = arith.index_cast %add3A_647 : i32 to index
      %swap3A_670 = arith.constant 16 : index
      %swap3A_671 = tpu.vector_load %arg21[%swap3A_669, %swap3A_670] {strides = array<i32>} : memref<128x64xf32, #tpu.memory_space<vmem>>, vector<1x16xf32>,
      %swap3A_672 = vector.shape_cast %swap3A_671 : vector<1x16xf32> to vector<16xf32>
      %swap3A_673 = vector.shape_cast %get3A_668 : vector<16xf32> to vector<1x16xf32>
      tpu.vector_store %arg21[%swap3A_669, %swap3A_670], %swap3A_673 {strides = array<i32>} : memref<128x64xf32, #tpu.memory_space<vmem>>, vector<1x16xf32>,
      %get3A_674 = arith.index_cast %squeeze3A_655 : i32 to index
      %get3A_675 = arith.constant 32 : index
      %get3A_676 = tpu.vector_load %arg14[%get3A_674, %get3A_675] {strides = array<i32>} : memref<11x64xf32, #tpu.memory_space<vmem>>, vector<1x16xf32>,
      %get3A_677 = vector.shape_cast %get3A_676 : vector<1x16xf32> to vector<16xf32>
      %swap3A_678 = arith.index_cast %add3A_647 : i32 to index
      %swap3A_679 = arith.constant 32 : index
      %swap3A_680 = tpu.vector_load %arg21[%swap3A_678, %swap3A_679] {strides = array<i32>} : memref<128x64xf32, #tpu.memory_space<vmem>>, vector<1x16xf32>,
      %swap3A_681 = vector.shape_cast %swap3A_680 : vector<1x16xf32> to vector<16xf32>
      %swap3A_682 = vector.shape_cast %get3A_677 : vector<16xf32> to vector<1x16xf32>
      tpu.vector_store %arg21[%swap3A_678, %swap3A_679], %swap3A_682 {strides = array<i32>} : memref<128x64xf32, #tpu.memory_space<vmem>>, vector<1x16xf32>,
      %get3A_683 = arith.index_cast %squeeze3A_655 : i32 to index
      %get3A_684 = arith.constant 48 : index
      %get3A_685 = tpu.vector_load %arg14[%get3A_683, %get3A_684] {strides = array<i32>} : memref<11x64xf32, #tpu.memory_space<vmem>>, vector<1x16xf32>,
      %get3A_686 = vector.shape_cast %get3A_685 : vector<1x16xf32> to vector<16xf32>
      %swap3A_687 = arith.index_cast %add3A_647 : i32 to index
      %swap3A_688 = arith.constant 48 : index
      %swap3A_689 = tpu.vector_load %arg21[%swap3A_687, %swap3A_688] {strides = array<i32>} : memref<128x64xf32, #tpu.memory_space<vmem>>, vector<1x16xf32>,
      %swap3A_690 = vector.shape_cast %swap3A_689 : vector<1x16xf32> to vector<16xf32>
      %swap3A_691 = vector.shape_cast %get3A_686 : vector<16xf32> to vector<1x16xf32>
      tpu.vector_store %arg21[%swap3A_687, %swap3A_688], %swap3A_691 {strides = array<i32>} : memref<128x64xf32, #tpu.memory_space<vmem>>, vector<1x16xf32>,
      %add3A_692 = arith.constant 384 : i32
      %add3A_693 = arith.addi %add3A_692, %add3A_647 : i32
      %get3A_694 = arith.constant 3 : i32
      %get3A_695 = arith.index_cast %get3A_694 : i32 to index
      %get3A_696 = arith.index_cast %add3A_693 : i32 to index
      %get3A_697 = tpu.vector_load %arg13[%get3A_695, %get3A_696] {strides = array<i32>} : memref<5x512xi32, #tpu.memory_space<vmem>>, vector<1x1xi32>,
      %get3A_698 = vector.shape_cast %get3A_697 : vector<1x1xi32> to vector<1xi32>
      %squeeze3A_699 = vector.extract %get3A_698[0] : i32 from vector<1xi32>
      %get3A_700 = arith.index_cast %squeeze3A_699 : i32 to index
      %get3A_701 = arith.constant 0 : index
      %get3A_702 = tpu.vector_load %arg15[%get3A_700, %get3A_701] {strides = array<i32>} : memref<17x64xf32, #tpu.memory_space<vmem>>, vector<1x16xf32>,
      %get3A_703 = vector.shape_cast %get3A_702 : vector<1x16xf32> to vector<16xf32>
      %swap3A_704 = arith.index_cast %add3A_647 : i32 to index
      %swap3A_705 = arith.constant 0 : index
      %swap3A_706 = tpu.vector_load %arg22[%swap3A_704, %swap3A_705] {strides = array<i32>} : memref<128x128xf32, #tpu.memory_space<vmem>>, vector<1x16xf32>,
      %swap3A_707 = vector.shape_cast %swap3A_706 : vector<1x16xf32> to vector<16xf32>
      %swap3A_708 = vector.shape_cast %get3A_703 : vector<16xf32> to vector<1x16xf32>
      tpu.vector_store %arg22[%swap3A_704, %swap3A_705], %swap3A_708 {strides = array<i32>} : memref<128x128xf32, #tpu.memory_space<vmem>>, vector<1x16xf32>,
      %get3A_709 = arith.index_cast %squeeze3A_699 : i32 to index
      %get3A_710 = arith.constant 16 : index
      %get3A_711 = tpu.vector_load %arg15[%get3A_709, %get3A_710] {strides = array<i32>} : memref<17x64xf32, #tpu.memory_space<vmem>>, vector<1x16xf32>,
      %get3A_712 = vector.shape_cast %get3A_711 : vector<1x16xf32> to vector<16xf32>
      %swap3A_713 = arith.index_cast %add3A_647 : i32 to index
      %swap3A_714 = arith.constant 16 : index
      %swap3A_715 = tpu.vector_load %arg22[%swap3A_713, %swap3A_714] {strides = array<i32>} : memref<128x128xf32, #tpu.memory_space<vmem>>, vector<1x16xf32>,
      %swap3A_716 = vector.shape_cast %swap3A_715 : vector<1x16xf32> to vector<16xf32>
      %swap3A_717 = vector.shape_cast %get3A_712 : vector<16xf32> to vector<1x16xf32>
      tpu.vector_store %arg22[%swap3A_713, %swap3A_714], %swap3A_717 {strides = array<i32>} : memref<128x128xf32, #tpu.memory_space<vmem>>, vector<1x16xf32>,
      %get3A_718 = arith.index_cast %squeeze3A_699 : i32 to index
      %get3A_719 = arith.constant 32 : index
      %get3A_720 = tpu.vector_load %arg15[%get3A_718, %get3A_719] {strides = array<i32>} : memref<17x64xf32, #tpu.memory_space<vmem>>, vector<1x16xf32>,
      %get3A_721 = vector.shape_cast %get3A_720 : vector<1x16xf32> to vector<16xf32>
      %swap3A_722 = arith.index_cast %add3A_647 : i32 to index
      %swap3A_723 = arith.constant 32 : index
      %swap3A_724 = tpu.vector_load %arg22[%swap3A_722, %swap3A_723] {strides = array<i32>} : memref<128x128xf32, #tpu.memory_space<vmem>>, vector<1x16xf32>,
      %swap3A_725 = vector.shape_cast %swap3A_724 : vector<1x16xf32> to vector<16xf32>
      %swap3A_726 = vector.shape_cast %get3A_721 : vector<16xf32> to vector<1x16xf32>
      tpu.vector_store %arg22[%swap3A_722, %swap3A_723], %swap3A_726 {strides = array<i32>} : memref<128x128xf32, #tpu.memory_space<vmem>>, vector<1x16xf32>,
      %get3A_727 = arith.index_cast %squeeze3A_699 : i32 to index
      %get3A_728 = arith.constant 48 : index
      %get3A_729 = tpu.vector_load %arg15[%get3A_727, %get3A_728] {strides = array<i32>} : memref<17x64xf32, #tpu.memory_space<vmem>>, vector<1x16xf32>,
      %get3A_730 = vector.shape_cast %get3A_729 : vector<1x16xf32> to vector<16xf32>
      %swap3A_731 = arith.index_cast %add3A_647 : i32 to index
      %swap3A_732 = arith.constant 48 : index
      %swap3A_733 = tpu.vector_load %arg22[%swap3A_731, %swap3A_732] {strides = array<i32>} : memref<128x128xf32, #tpu.memory_space<vmem>>, vector<1x16xf32>,
      %swap3A_734 = vector.shape_cast %swap3A_733 : vector<1x16xf32> to vector<16xf32>
      %swap3A_735 = vector.shape_cast %get3A_730 : vector<16xf32> to vector<1x16xf32>
      tpu.vector_store %arg22[%swap3A_731, %swap3A_732], %swap3A_735 {strides = array<i32>} : memref<128x128xf32, #tpu.memory_space<vmem>>, vector<1x16xf32>,
      %add3A_736 = arith.constant 384 : i32
      %add3A_737 = arith.addi %add3A_736, %add3A_647 : i32
      %get3A_738 = arith.constant 4 : i32
      %get3A_739 = arith.index_cast %get3A_738 : i32 to index
      %get3A_740 = arith.index_cast %add3A_737 : i32 to index
      %get3A_741 = tpu.vector_load %arg13[%get3A_739, %get3A_740] {strides = array<i32>} : memref<5x512xi32, #tpu.memory_space<vmem>>, vector<1x1xi32>,
      %get3A_742 = vector.shape_cast %get3A_741 : vector<1x1xi32> to vector<1xi32>
      %squeeze3A_743 = vector.extract %get3A_742[0] : i32 from vector<1xi32>
      %get3A_744 = arith.index_cast %squeeze3A_743 : i32 to index
      %get3A_745 = arith.constant 0 : index
      %get3A_746 = tpu.vector_load %arg16[%get3A_744, %get3A_745] {strides = array<i32>} : memref<81x64xf32, #tpu.memory_space<vmem>>, vector<1x16xf32>,
      %get3A_747 = vector.shape_cast %get3A_746 : vector<1x16xf32> to vector<16xf32>
      %swap3A_748 = arith.index_cast %add3A_647 : i32 to index
      %swap3A_749 = arith.constant 64 : index
      %swap3A_750 = tpu.vector_load %arg22[%swap3A_748, %swap3A_749] {strides = array<i32>} : memref<128x128xf32, #tpu.memory_space<vmem>>, vector<1x16xf32>,
      %swap3A_751 = vector.shape_cast %swap3A_750 : vector<1x16xf32> to vector<16xf32>
      %swap3A_752 = vector.shape_cast %get3A_747 : vector<16xf32> to vector<1x16xf32>
      tpu.vector_store %arg22[%swap3A_748, %swap3A_749], %swap3A_752 {strides = array<i32>} : memref<128x128xf32, #tpu.memory_space<vmem>>, vector<1x16xf32>,
      %get3A_753 = arith.index_cast %squeeze3A_743 : i32 to index
      %get3A_754 = arith.constant 16 : index
      %get3A_755 = tpu.vector_load %arg16[%get3A_753, %get3A_754] {strides = array<i32>} : memref<81x64xf32, #tpu.memory_space<vmem>>, vector<1x16xf32>,
      %get3A_756 = vector.shape_cast %get3A_755 : vector<1x16xf32> to vector<16xf32>
      %swap3A_757 = arith.index_cast %add3A_647 : i32 to index
      %swap3A_758 = arith.constant 80 : index
      %swap3A_759 = tpu.vector_load %arg22[%swap3A_757, %swap3A_758] {strides = array<i32>} : memref<128x128xf32, #tpu.memory_space<vmem>>, vector<1x16xf32>,
      %swap3A_760 = vector.shape_cast %swap3A_759 : vector<1x16xf32> to vector<16xf32>
      %swap3A_761 = vector.shape_cast %get3A_756 : vector<16xf32> to vector<1x16xf32>
      tpu.vector_store %arg22[%swap3A_757, %swap3A_758], %swap3A_761 {strides = array<i32>} : memref<128x128xf32, #tpu.memory_space<vmem>>, vector<1x16xf32>,
      %get3A_762 = arith.index_cast %squeeze3A_743 : i32 to index
      %get3A_763 = arith.constant 32 : index
      %get3A_764 = tpu.vector_load %arg16[%get3A_762, %get3A_763] {strides = array<i32>} : memref<81x64xf32, #tpu.memory_space<vmem>>, vector<1x16xf32>,
      %get3A_765 = vector.shape_cast %get3A_764 : vector<1x16xf32> to vector<16xf32>
      %swap3A_766 = arith.index_cast %add3A_647 : i32 to index
      %swap3A_767 = arith.constant 96 : index
      %swap3A_768 = tpu.vector_load %arg22[%swap3A_766, %swap3A_767] {strides = array<i32>} : memref<128x128xf32, #tpu.memory_space<vmem>>, vector<1x16xf32>,
      %swap3A_769 = vector.shape_cast %swap3A_768 : vector<1x16xf32> to vector<16xf32>
      %swap3A_770 = vector.shape_cast %get3A_765 : vector<16xf32> to vector<1x16xf32>
      tpu.vector_store %arg22[%swap3A_766, %swap3A_767], %swap3A_770 {strides = array<i32>} : memref<128x128xf32, #tpu.memory_space<vmem>>, vector<1x16xf32>,
      %get3A_771 = arith.index_cast %squeeze3A_743 : i32 to index
      %get3A_772 = arith.constant 48 : index
      %get3A_773 = tpu.vector_load %arg16[%get3A_771, %get3A_772] {strides = array<i32>} : memref<81x64xf32, #tpu.memory_space<vmem>>, vector<1x16xf32>,
      %get3A_774 = vector.shape_cast %get3A_773 : vector<1x16xf32> to vector<16xf32>
      %swap3A_775 = arith.index_cast %add3A_647 : i32 to index
      %swap3A_776 = arith.constant 112 : index
      %swap3A_777 = tpu.vector_load %arg22[%swap3A_775, %swap3A_776] {strides = array<i32>} : memref<128x128xf32, #tpu.memory_space<vmem>>, vector<1x16xf32>,
      %swap3A_778 = vector.shape_cast %swap3A_777 : vector<1x16xf32> to vector<16xf32>
      %swap3A_779 = vector.shape_cast %get3A_774 : vector<16xf32> to vector<1x16xf32>
      tpu.vector_store %arg22[%swap3A_775, %swap3A_776], %swap3A_779 {strides = array<i32>} : memref<128x128xf32, #tpu.memory_space<vmem>>, vector<1x16xf32>,
    }
    %scan3A_179 = arith.constant 32 : i32
    %add3A_180 = arith.constant 384 : i32
    %add3A_181 = arith.addi %mul3A_2, %add3A_180 : i32
    %dma_start3A_182 = arith.constant 64 : i32
    %dma_start3A_183 = tpu.memref_slice %arg12[%add3A_181, %dma_start3A_182] : memref<16384x320xf32, #tpu.memory_space<hbm>> -> memref<128x64xf32, #tpu.memory_space<hbm>>
    %dma_start3A_184 = arith.constant 64 : i32
    %dma_start3A_185 = tpu.memref_slice %arg12[%add3A_181, %dma_start3A_184] : memref<16384x320xf32, #tpu.memory_space<hbm>> -> memref<128x64xf32, #tpu.memory_space<hbm>>
    tpu.enqueue_dma source(%arg21 : memref<128x64xf32, #tpu.memory_space<vmem>>) target(%dma_start3A_185 : memref<128x64xf32, #tpu.memory_space<hbm>>) target_semaphore(%arg29 : memref<!tpu.dma_semaphore, #tpu.memory_space<semaphore_mem>>)
    %add3A_186 = arith.constant 384 : i32
    %add3A_187 = arith.addi %mul3A_2, %add3A_186 : i32
    %dma_start3A_188 = arith.constant 192 : i32
    %dma_start3A_189 = tpu.memref_slice %arg12[%add3A_187, %dma_start3A_188] : memref<16384x320xf32, #tpu.memory_space<hbm>> -> memref<128x128xf32, #tpu.memory_space<hbm>>
    %dma_start3A_190 = arith.constant 192 : i32
    %dma_start3A_191 = tpu.memref_slice %arg12[%add3A_187, %dma_start3A_190] : memref<16384x320xf32, #tpu.memory_space<hbm>> -> memref<128x128xf32, #tpu.memory_space<hbm>>
    tpu.enqueue_dma source(%arg22 : memref<128x128xf32, #tpu.memory_space<vmem>>) target(%dma_start3A_191 : memref<128x128xf32, #tpu.memory_space<hbm>>) target_semaphore(%arg29 : memref<!tpu.dma_semaphore, #tpu.memory_space<semaphore_mem>>)
    %dma_wait3A_192 = arith.constant 0 : i32
    %dma_wait3A_193 = arith.constant 0 : i32
    %dma_wait3A_194 = tpu.memref_slice %arg13[%dma_wait3A_192, %dma_wait3A_193] : memref<5x512xi32, #tpu.memory_space<vmem>> -> memref<1x512xi32, #tpu.memory_space<vmem>>
    %dma_wait3A_195 = tpu.memref_squeeze %dma_wait3A_194 : memref<1x512xi32, #tpu.memory_space<vmem>> -> memref<512xi32, #tpu.memory_space<vmem>>
    %dma_wait3A_196 = arith.constant 0 : i32
    %dma_wait3A_197 = arith.constant 0 : i32
    %dma_wait3A_198 = tpu.memref_slice %arg7[%dma_wait3A_196, %dma_wait3A_197] : memref<100001x64xf32, #tpu.memory_space<hbm>> -> memref<100001x64xf32, #tpu.memory_space<hbm>>
    tpu.wait_indirect_dma semaphore(%arg24 : memref<!tpu.dma_semaphore, #tpu.memory_space<semaphore_mem>>) src(%dma_wait3A_198 : memref<100001x64xf32, #tpu.memory_space<hbm>>) dst(%arg17 : memref<512x64xf32, #tpu.memory_space<vmem>>)
    %dma_start3A_199 = arith.constant 0 : i32
    %dma_start3A_200 = tpu.memref_slice %arg12[%mul3A_2, %dma_start3A_199] : memref<16384x320xf32, #tpu.memory_space<hbm>> -> memref<512x64xf32, #tpu.memory_space<hbm>>
    %dma_start3A_201 = arith.constant 0 : i32
    %dma_start3A_202 = tpu.memref_slice %arg12[%mul3A_2, %dma_start3A_201] : memref<16384x320xf32, #tpu.memory_space<hbm>> -> memref<512x64xf32, #tpu.memory_space<hbm>>
    tpu.enqueue_dma source(%arg17 : memref<512x64xf32, #tpu.memory_space<vmem>>) target(%dma_start3A_202 : memref<512x64xf32, #tpu.memory_space<hbm>>) target_semaphore(%arg26 : memref<!tpu.dma_semaphore, #tpu.memory_space<semaphore_mem>>)
    %dma_wait3A_203 = arith.constant 1 : i32
    %dma_wait3A_204 = arith.constant 0 : i32
    %dma_wait3A_205 = tpu.memref_slice %arg13[%dma_wait3A_203, %dma_wait3A_204] : memref<5x512xi32, #tpu.memory_space<vmem>> -> memref<1x512xi32, #tpu.memory_space<vmem>>
    %dma_wait3A_206 = tpu.memref_squeeze %dma_wait3A_205 : memref<1x512xi32, #tpu.memory_space<vmem>> -> memref<512xi32, #tpu.memory_space<vmem>>
    %dma_wait3A_207 = arith.constant 0 : i32
    %dma_wait3A_208 = arith.constant 0 : i32
    %dma_wait3A_209 = tpu.memref_slice %arg9[%dma_wait3A_207, %dma_wait3A_208] : memref<1001x64xf32, #tpu.memory_space<hbm>> -> memref<1001x64xf32, #tpu.memory_space<hbm>>
    tpu.wait_indirect_dma semaphore(%arg25 : memref<!tpu.dma_semaphore, #tpu.memory_space<semaphore_mem>>) src(%dma_wait3A_209 : memref<1001x64xf32, #tpu.memory_space<hbm>>) dst(%arg18 : memref<512x64xf32, #tpu.memory_space<vmem>>)
    %dma_start3A_210 = arith.constant 128 : i32
    %dma_start3A_211 = tpu.memref_slice %arg12[%mul3A_2, %dma_start3A_210] : memref<16384x320xf32, #tpu.memory_space<hbm>> -> memref<512x64xf32, #tpu.memory_space<hbm>>
    %dma_start3A_212 = arith.constant 128 : i32
    %dma_start3A_213 = tpu.memref_slice %arg12[%mul3A_2, %dma_start3A_212] : memref<16384x320xf32, #tpu.memory_space<hbm>> -> memref<512x64xf32, #tpu.memory_space<hbm>>
    tpu.enqueue_dma source(%arg18 : memref<512x64xf32, #tpu.memory_space<vmem>>) target(%dma_start3A_213 : memref<512x64xf32, #tpu.memory_space<hbm>>) target_semaphore(%arg27 : memref<!tpu.dma_semaphore, #tpu.memory_space<semaphore_mem>>)
    %dma_wait3A_214 = arith.constant 64 : i32
    %dma_wait3A_215 = tpu.memref_slice %arg12[%add3A_155, %dma_wait3A_214] : memref<16384x320xf32, #tpu.memory_space<hbm>> -> memref<128x64xf32, #tpu.memory_space<hbm>>
    %dma_wait3A_216 = arith.constant 64 : i32
    %dma_wait3A_217 = tpu.memref_slice %arg12[%add3A_155, %dma_wait3A_216] : memref<16384x320xf32, #tpu.memory_space<hbm>> -> memref<128x64xf32, #tpu.memory_space<hbm>>
    tpu.wait_dma2 semaphore(%arg28 : memref<!tpu.dma_semaphore, #tpu.memory_space<semaphore_mem>>) src(%arg19 : memref<128x64xf32, #tpu.memory_space<vmem>>) dst(%dma_wait3A_217 : memref<128x64xf32, #tpu.memory_space<hbm>>)
    %dma_wait3A_218 = arith.constant 192 : i32
    %dma_wait3A_219 = tpu.memref_slice %arg12[%add3A_161, %dma_wait3A_218] : memref<16384x320xf32, #tpu.memory_space<hbm>> -> memref<128x128xf32, #tpu.memory_space<hbm>>
    %dma_wait3A_220 = arith.constant 192 : i32
    %dma_wait3A_221 = tpu.memref_slice %arg12[%add3A_161, %dma_wait3A_220] : memref<16384x320xf32, #tpu.memory_space<hbm>> -> memref<128x128xf32, #tpu.memory_space<hbm>>
    tpu.wait_dma2 semaphore(%arg28 : memref<!tpu.dma_semaphore, #tpu.memory_space<semaphore_mem>>) src(%arg20 : memref<128x128xf32, #tpu.memory_space<vmem>>) dst(%dma_wait3A_221 : memref<128x128xf32, #tpu.memory_space<hbm>>)
    %dma_wait3A_222 = arith.constant 64 : i32
    %dma_wait3A_223 = tpu.memref_slice %arg12[%add3A_181, %dma_wait3A_222] : memref<16384x320xf32, #tpu.memory_space<hbm>> -> memref<128x64xf32, #tpu.memory_space<hbm>>
    %dma_wait3A_224 = arith.constant 64 : i32
    %dma_wait3A_225 = tpu.memref_slice %arg12[%add3A_181, %dma_wait3A_224] : memref<16384x320xf32, #tpu.memory_space<hbm>> -> memref<128x64xf32, #tpu.memory_space<hbm>>
    tpu.wait_dma2 semaphore(%arg29 : memref<!tpu.dma_semaphore, #tpu.memory_space<semaphore_mem>>) src(%arg21 : memref<128x64xf32, #tpu.memory_space<vmem>>) dst(%dma_wait3A_225 : memref<128x64xf32, #tpu.memory_space<hbm>>)
    %dma_wait3A_226 = arith.constant 192 : i32
    %dma_wait3A_227 = tpu.memref_slice %arg12[%add3A_187, %dma_wait3A_226] : memref<16384x320xf32, #tpu.memory_space<hbm>> -> memref<128x128xf32, #tpu.memory_space<hbm>>
    %dma_wait3A_228 = arith.constant 192 : i32
    %dma_wait3A_229 = tpu.memref_slice %arg12[%add3A_187, %dma_wait3A_228] : memref<16384x320xf32, #tpu.memory_space<hbm>> -> memref<128x128xf32, #tpu.memory_space<hbm>>
    tpu.wait_dma2 semaphore(%arg29 : memref<!tpu.dma_semaphore, #tpu.memory_space<semaphore_mem>>) src(%arg22 : memref<128x128xf32, #tpu.memory_space<vmem>>) dst(%dma_wait3A_229 : memref<128x128xf32, #tpu.memory_space<hbm>>)
    %dma_wait3A_230 = arith.constant 0 : i32
    %dma_wait3A_231 = tpu.memref_slice %arg12[%mul3A_2, %dma_wait3A_230] : memref<16384x320xf32, #tpu.memory_space<hbm>> -> memref<512x64xf32, #tpu.memory_space<hbm>>
    %dma_wait3A_232 = arith.constant 0 : i32
    %dma_wait3A_233 = tpu.memref_slice %arg12[%mul3A_2, %dma_wait3A_232] : memref<16384x320xf32, #tpu.memory_space<hbm>> -> memref<512x64xf32, #tpu.memory_space<hbm>>
    tpu.wait_dma2 semaphore(%arg26 : memref<!tpu.dma_semaphore, #tpu.memory_space<semaphore_mem>>) src(%arg17 : memref<512x64xf32, #tpu.memory_space<vmem>>) dst(%dma_wait3A_233 : memref<512x64xf32, #tpu.memory_space<hbm>>)
    %dma_wait3A_234 = arith.constant 128 : i32
    %dma_wait3A_235 = tpu.memref_slice %arg12[%mul3A_2, %dma_wait3A_234] : memref<16384x320xf32, #tpu.memory_space<hbm>> -> memref<512x64xf32, #tpu.memory_space<hbm>>
    %dma_wait3A_236 = arith.constant 128 : i32
    %dma_wait3A_237 = tpu.memref_slice %arg12[%mul3A_2, %dma_wait3A_236] : memref<16384x320xf32, #tpu.memory_space<hbm>> -> memref<512x64xf32, #tpu.memory_space<hbm>>
    tpu.wait_dma2 semaphore(%arg27 : memref<!tpu.dma_semaphore, #tpu.memory_space<semaphore_mem>>) src(%arg18 : memref<512x64xf32, #tpu.memory_space<vmem>>) dst(%dma_wait3A_237 : memref<512x64xf32, #tpu.memory_space<hbm>>)
    return
  }
}

</mosaic_0001>

<sc_bundles>
// kernel: kernel.3.cloned.1.call-start
scs
__scs_entry_jumppad:
0x0: {  	(pc) =	sbr.rel $0x88, $3  }
0x1: {  	(tag) =	ssettag $0x0;
	lr =	simm.s32 $0x1  }
0x2: {  	[smem:$0x3F97] =	sst lr;
	_ =	strace $0xD0000000  }
0x3: {  	_ = 	snop  }
0x4: {  	_ = 	snop  }
0x5: {  	_ = 	snop  }
0x6: {  	_ = 	snop  }
0x7: {  	_ = 	snop  }
__scs_overlays_trampoline_lowered:
0x8: {  	[smem:$0x3FA6] =	sst s0  }
0x9: {  	[smem:$0x3FA7] =	sst s1  }
0xa: {  	[smem:$0x3FA8] =	sst s2  }
0xb: {  	[smem:$0x3FA9] =	sst s3  }
0xc: {  	[smem:$0x3FAA] =	sst s4  }
0xd: {  	[smem:$0x3FAB] =	sst s5  }
0xe: {  	[smem:$0x3FAC] =	sst s6  }
0xf: {  	[smem:$0x3FAD] =	sst s7  }
0x10: {  	[smem:$0x3FAE] =	sst s8  }
0x11: {  	[smem:$0x3FAF] =	sst s9;
	s0 =	simm.s32 @!p0 $0x0  }
0x12: {  	s1 =	sld [smem:$0x3F95];
	s0 =	simm.s32 @p0 $0x1  }
0x13: {  	[smem:$0x3FB0] =	sst s0;
	s0 =	simm.s32 @!p1 $0x0  }
0x14: {  	s2 =	sld [smem:$0x3F94];
	s0 =	simm.s32 @p1 $0x1  }
0x15: {  	[smem:$0x3FB1] =	sst s0;
	s0 =	simm.s32 @!p2 $0x0  }
0x16: {  	s3 =	sld [smem:$0x3FDB];
	s0 =	simm.s32 @p2 $0x1  }
0x17: {  	s4 =	simm.s32 $0x1BF5;
	[smem:$0x3FB3] =	sst s0  }
0x18: {  	s0 =	sld [smem:$0x3F96];
	_ =	swait.ge [sflag:s4], $0x0  }
0x19: {  	s7 =	sld [smem:$0x3F97]  }
0x1a: {  	s8 =	sadd.s32 $0xFFFFE003, lr  }
0x1b: {  	s9 =	sadd.s32 $0xFFFFFEF7, lr;
	s5 =	simm.s32 $0xFFFFFFFF;
	p2 =	slt.u32 s8, $0xFFFFF086  }
0x1c: {  	p1 =	slt.u32 s9, $0xF7A;
	s5 =	simm.s32 @!p2 $0x0  }
0x1d: {  	s5 =	simm.s32 @p1 $0x1;
	p0 =	seq.s32 s7, s2  }
0x1e: {  	s7 =	smul.u32 @!p0 $0xF7A, s2;
	p2 =	seq.s32 @!p0 s5, $0x0  }
0x1f: {  	s9 =	smul.u32 $0xF7A, s1;
	s8 =	simm.s32 @!p0 $0x1BF5;
	p2 =	por !p2, p0  }
0x20: {  	[sflag:s8] =	ssyncset.s32 @!p0 $0xFFFFF086;
	s6 =	sadd.s32 @!p0 s3, s7;
	s7 =	simm.s32 @!p0 $0x108  }
0x21: {  	s3 =	sadd.s32 s3, s9;
	s6 =	sadd.s32 @!p0 $0x88, s6;
	s7 =	simm.s32 @p2 $0x1082  }
0x22: {  	[simem:s7], [sflag:s8] =	dma.local @!p0 [hbm:s6], $0xF7A  }
0x23: {  	s9 =	sor.u32 $0xD0000000, s2;
	s6 =	simm.s32 $0x108;
	_ =	swait.ge @!p0 [sflag:s8], $0x0  }
0x24: {  	s3 =	sadd.s32 $0x88, s3;
	s6 =	simm.s32 @!p1 $0x1082;
	[sflag:s4] =	ssyncset.s32 $0xFFFFF086  }
0x25: {  	[simem:s6], [sflag:s4] =	dma.local [hbm:s3], $0xF7A  }
0x26: {  	[smem:$0x3F97] =	sst s1;
	(tag) =	ssettag s2;
	_ =	strace s9  }
0x27: {  	s1 =	sld [smem:$0x3FA7]  }
0x28: {  	s2 =	sld [smem:$0x3FA8]  }
0x29: {  	s4 =	sld [smem:$0x3FAA]  }
0x2a: {  	p0 =	seq.s32 s5, $0x0;
	s5 =	sld [smem:$0x3FAB]  }
0x2b: {  	s6 =	sld [smem:$0x3FAC]  }
0x2c: {  	s7 =	sld [smem:$0x3FAD]  }
0x2d: {  	s3 =	simm.s32 $0x108;
	s8 =	sld [smem:$0x3FAE]  }
0x2e: {  	s3 =	simm.s32 @!p0 $0x1082;
	s9 =	sld [smem:$0x3FAF]  }
0x2f: {  	lr =	sadd.s32 s0, s3;
	s0 =	sld [smem:$0x3FA6]  }
0x30: {  	s3 =	sld [smem:$0x3FA9]  }
0x31: {  	[smem:$0x3FB2] =	sst s10  }
0x32: {  	s10 =	sld [smem:$0x3FB0];
	_ =	sdelay $0x3  }
0x33: {  	p0 =	seq.s32 s10, $0x1;
	s10 =	sld [smem:$0x3FB2];
	_ =	sdelay $0x3  }
0x34: {  	[smem:$0x3FB2] =	sst s10  }
0x35: {  	s10 =	sld [smem:$0x3FB1];
	_ =	sdelay $0x3  }
0x36: {  	p1 =	seq.s32 s10, $0x1;
	s10 =	sld [smem:$0x3FB2];
	_ =	sdelay $0x3  }
0x37: {  	[smem:$0x3FB2] =	sst s10  }
0x38: {  	s10 =	sld [smem:$0x3FB3]  }
0x39: {  	_ = 	snop;
	(pc) =	sbr.ind lr, $3  }
0x3a: {  	_ = 	snop  }
0x3b: {  	_ = 	snop  }
0x3c: {  	p2 =	seq.s32 s10, $0x1;
	s10 =	sld [smem:$0x3FB2]  }
0x3d: {  	_ =	shalt  }
0x3e: {  	_ =	shalt  }
0x3f: {  	_ =	shalt  }
0x40: {  	_ =	shalt  }
0x41: {  	_ =	shalt  }
0x42: {  	_ =	shalt  }
0x43: {  	_ =	shalt  }
0x44: {  	_ =	shalt  }
0x45: {  	_ =	shalt  }
0x46: {  	_ =	shalt  }
0x47: {  	_ =	shalt  }
0x48: {  	_ =	shalt  }
0x49: {  	_ =	shalt  }
0x4a: {  	_ =	shalt  }
0x4b: {  	_ =	shalt  }
0x4c: {  	_ =	shalt  }
0x4d: {  	_ =	shalt  }
0x4e: {  	_ =	shalt  }
0x4f: {  	_ =	shalt  }
0x50: {  	_ =	shalt  }
0x51: {  	_ =	shalt  }
0x52: {  	_ =	shalt  }
0x53: {  	_ =	shalt  }
0x54: {  	_ =	shalt  }
0x55: {  	_ =	shalt  }
0x56: {  	_ =	shalt  }
0x57: {  	_ =	shalt  }
0x58: {  	_ =	shalt  }
0x59: {  	_ =	shalt  }
0x5a: {  	_ =	shalt  }
0x5b: {  	_ =	shalt  }
0x5c: {  	_ =	shalt  }
0x5d: {  	_ =	shalt  }
0x5e: {  	_ =	shalt  }
0x5f: {  	_ =	shalt  }
0x60: {  	_ =	shalt  }
0x61: {  	_ =	shalt  }
0x62: {  	_ =	shalt  }
0x63: {  	_ =	shalt  }
0x64: {  	_ =	shalt  }
0x65: {  	_ =	shalt  }
0x66: {  	_ =	shalt  }
0x67: {  	_ =	shalt  }
0x68: {  	_ =	shalt  }
0x69: {  	_ =	shalt  }
0x6a: {  	_ =	shalt  }
0x6b: {  	_ =	shalt  }
0x6c: {  	_ =	shalt  }
0x6d: {  	_ =	shalt  }
0x6e: {  	_ =	shalt  }
0x6f: {  	_ =	shalt  }
0x70: {  	_ =	shalt  }
0x71: {  	_ =	shalt  }
0x72: {  	_ =	shalt  }
0x73: {  	_ =	shalt  }
0x74: {  	_ =	shalt  }
0x75: {  	_ =	shalt  }
0x76: {  	_ =	shalt  }
0x77: {  	_ =	shalt  }
0x78: {  	_ =	shalt  }
0x79: {  	_ =	shalt  }
0x7a: {  	_ =	shalt  }
0x7b: {  	_ =	shalt  }
0x7c: {  	_ =	shalt  }
0x7d: {  	_ =	shalt  }
0x7e: {  	_ =	shalt  }
0x7f: {  	_ =	shalt  }
0x80: {  	_ =	shalt  }
0x81: {  	_ =	shalt  }
0x82: {  	_ =	shalt  }
0x83: {  	_ =	shalt  }
0x84: {  	_ =	shalt  }
0x85: {  	_ =	shalt  }
0x86: {  	_ =	shalt  }
0x87: {  	_ =	shalt  }
.Lfunc_end0:
.L_simem_size_0:
called_computation_lowered:
.L_overlay_start_0:
0x88: {  	s2 =	sld [smem:$0x3FD9]  }
0x89: {  	s3 =	sld [smem:$0x3FFE];
	_ =	sdelay $0x1  }
0x8a: {  	s1 =	srdreg.scid  }
0x8b: {  	s0 =	sand.u32 $0x1, s1  }
0x8c: {  	s17 =	sshll.u32 s0, $0xA;
	s2 =	sadd.s32 s3, s2  }
0x8d: {  	s2 =	sadd.s32 s2, s17  }
0x8e: {  	[smem:$0x3FBE] =	sst s2  }
0x8f: {  	_ = 	snop  }
0x90: {  	s2 =	sld [smem:$0x3FC9]  }
0x91: {  	s18 =	sld [smem:$0x3FC8]  }
0x92: {  	s4 =	sld [smem:$0x3FC7]  }
0x93: {  	s5 =	sld [smem:$0x3FC6]  }
0x94: {  	s6 =	sld [smem:$0x3FC5]  }
0x95: {  	s7 =	sld [smem:$0x3FD0];
	(tm) =	ssettm $0x1  }
0x96: {  	s8 =	sld [smem:$0x3FFB];
	_ =	sdelay $0x3  }
0x97: {  	_ =	strace s8  }
0x98: {  	s8 =	sld [smem:$0x3FFC];
	_ =	sdelay $0x3  }
0x99: {  	_ =	strace s8  }
0x9a: {  	s8 =	sld [smem:$0x3FFD];
	_ =	sdelay $0x3  }
0x9b: {  	_ =	strace s8  }
0x9c: {  	_ =	strace $0x8FFFFFFF  }
0x9d: {  	s19 =	sld [smem:$0x3FDB];
	_ =	sdelay $0x1  }
0x9e: {  	s9 =	simm.s32 $_scs_section_size  }
0x9f: {  	s10 =	simm.s32 $_size__tile_overlayer_lowered;
	s11 =	simm.s32 $_tile_overlayer_lowered  }
0xa0: {  	s22 =	simm.s32 $0x1BFF;
	s21 =	sshll.u32 s11, $0x1;
	s8 =	sadd.s32 s9, s19  }
0xa1: {  	s12 =	simm.s32 $0x0;
	s20 =	sshll.u32 s10, $0x1;
	s10 =	sadd.s32 s21, s8  }
0xa2: {  	[timem:s12], [sflag:s22] =	dma.local [hbm:s10], s20  }
0xa3: {  	_ =	swait.ge [sflag:s22], s20  }
0xa4: {  	s9 =	ssub.s32 $0x0, s20;
	[sflag:s22] =	ssyncset.done $0x0  }
0xa5: {  	[sflag:s22] =	ssyncadd.s32 s9;
	_ =	sdelay $0x1  }
0xa6: {  	s23 =	simm.s32 $0x1B8B  }
0xa7: {  	_ =	swait.ge [sflag:s23], $0x1  }
0xa8: {  	[sflag:s23] =	ssyncset.done $0x0  }
0xa9: {  	s25 =	simm.s32 $0x1B8E;
	s24 =	sld [smem:$0x3FFE];
	[sflag:s23] =	ssyncadd.s32 $0xFFFFFFFF  }
0xaa: {  	s26 =	simm.s32 $execute0_lowered;
	[smem:$0x3FD2] =	sst s25  }
0xab: {  	s10 =	sshll.u32 s26, $0x1;
	_ =	strace $0x80000046;
	[dreg:$0x1] =	wrdreg $0xFFFFFFFF  }
0xac: {  	s28 =	simm.s32 $_size_execute0_lowered;
	s8 =	sadd.s32 s8, s10;
	[dreg:$0x0] =	wrdreg $0x0  }
0xad: {  	s10 =	sshll.u32 s28, $0x1;
	[dreg:$0x2] =	wrdreg s8  }
0xae: {  	[dreg:$0x3] =	wrdreg s10  }
0xaf: {  	[dreg:$0x4] =	wrdreg $0xC0  }
0xb0: {  	_ =	task [dreg:s12], $0x5FFFF  }
0xb1: {  	[dreg:$0x1] =	wrdreg $0xFFFFFFFF  }
0xb2: {  	[dreg:$0x0] =	wrdreg $0x60  }
0xb3: {  	[dreg:$0x2] =	wrdreg s2  }
0xb4: {  	[dreg:$0x3] =	wrdreg s18  }
0xb5: {  	[dreg:$0x4] =	wrdreg s4  }
0xb6: {  	[dreg:$0x5] =	wrdreg s5  }
0xb7: {  	[dreg:$0x6] =	wrdreg s6  }
0xb8: {  	[dreg:$0x7] =	wrdreg s24  }
0xb9: {  	[dreg:$0x8] =	wrdreg s7  }
0xba: {  	[dreg:$0x9] =	wrdreg $0x9  }
0xbb: {  	_ =	task.clear_ibuf [dreg:s12], $0xAFFFF;
	_ =	strace $0x90000046  }
0xbc: {  	s29 =	simm.s32 $0x9;
	_ =	strace $0x80000048  }
0xbd: {  	_ =	swait.ge [sflag:s29], $0x1  }
0xbe: {  	[sflag:s29] =	ssyncadd.s32 $0xFFFFFFFF  }
0xbf: {  	_ =	strace $0x90000048  }
0xc0: {  	_ =	sfence  }
0xc1: {  	s30 =	sld [smem:$0x0];
	_ =	sdelay $0x2  }
0xc2: {  	s31 =	sshll.u32 s1, $0xD;
	s1 =	sshrl.u32 s1, $0x2  }
0xc3: {  	s3 =	sand.u32 $0x4000, s31;
	s1 =	sadd.s32 s1, s30  }
0xc4: {  	s0 =	sor.u32 s3, s0;
	s1 =	sshll.u32 s1, $0x11  }
0xc5: {  	s0 =	sor.u32 s1, s0  }
0xc6: {  	s0 =	sadd.s32 $0x8F2B, s0  }
0xc7: {  	[sflag:s0] =	ssyncadd.remote.s32 $0x1  }
0xc8: {  	_ =	sfence.sel $0xFFFF  }
0xc9: {  	[dreg:$0x0] =	wrdreg $0xFFFFFFFF;
	(pc) =	sbr.abs _section_cstart, $3  }
0xca: {  	[dreg:$0x1] =	wrdreg $0xFFFFFFFF  }
0xcb: {  	_ =	task.clear_ibuf [dreg:s12], $0x2FFFF;
	_ =	strace $0x9FFFFFFF  }
0xcc: {  	(tm) =	ssettm $0x7FFFFFFF  }
0xcd: {  	_ =	shalt  }
tec
execute0_lowered:
.L_overlay_start_1:
0x0: {  	(tag) =	ssettag $0x1  }
0x1: {  	s0 =	rddreg [dreg:$0x0]  }
0x2: {  	s1 =	rddreg [dreg:$0x1]  }
0x3: {  	s3 =	rddreg [dreg:$0x2]  }
0x4: {  	s4 =	rddreg [dreg:$0x3]  }
0x5: {  	s5 =	rddreg [dreg:$0x4]  }
0x6: {  	s6 =	rddreg [dreg:$0x5]  }
0x7: {  	s7 =	rddreg [dreg:$0x6];
	s2 =	simm.s32 $0x0  }
0x8: {  	s8 =	srdreg.scid;
	s9 =	stileid.u32;
	s28 =	simm.s32 $0x140  }
0x9: {  	s29 =	simm.s32 $0x12540;
	s30 =	simm.s32 $0x80;
	s31 =	simm.s32 $0x14540  }
0xa: {  	s12 =	simm.s32 $0x0;
	[smem:$0x7FF] =	sst s2;
	s10 =	sadd.s32 $0x187800, s6  }
0xb: {  	s11 =	sadd.s32 $0x3200, s6;
	_ =	strace $0x80000047;
	[dreg:$0x8] =	wrdreg s10  }
0xc: {  	s8 =	sand.u32 $0x1, s8;
	s14 =	sadd.s32 $0xC00, s6;
	[dreg:$0x9] =	wrdreg s11  }
0xd: {  	s9 =	sshll.u32 s9, $0xA;
	s15 =	sadd.s32 $0x3000, s6;
	[dreg:$0xa] =	wrdreg s14  }
0xe: {  	s6 =	sadd.s32 $0x2C00, s6;
	s13 =	sshll.u32 s8, $0x9;
	[dreg:$0xb] =	wrdreg s15  }
0xf: {  	s8 =	ssub.s32 $0x2, s8;
	[dreg:$0xc] =	wrdreg s6;
	s9 =	sor.u32 s13, s9  }
0x10: {  	s14 =	simm.s32 $0x2540;
	s16 =	smul.u32 $0x140, s9;
	s9 =	sshrl.u32 s9, $0x3  }
0x11: {  	s10 =	simm.s32 $0x5;
	s17 =	sshrl.u32 s8, $0x1;
	s0 =	sadd.s32 s0, s9  }
0x12: {  	s6 =	ssub.s32 s8, s17;
	s3 =	sadd.s32 s3, s9;
	[dreg:$0xd] =	wrdreg s0  }
0x13: {  	s8 =	simm.s32 $0x3;
	s1 =	sadd.s32 s1, s9;
	[dreg:$0xe] =	wrdreg s3  }
0x14: {  	s19 =	sadd.s32 s4, s9;
	s18 =	sshrl.u32 s16, $0x3;
	[dreg:$0xf] =	wrdreg s1  }
0x15: {  	s20 =	sadd.s32 s5, s9;
	[dreg:$0x10] =	wrdreg s19;
	s11 =	sadd.s32 s7, s18  }
0x16: {  	s4 =	simm.s32 $0x1A540;
	[dreg:$0x11] =	wrdreg s20;
	s21 =	sadd.s32 $0x8, s11  }
0x17: {  	s5 =	simm.s32 $0x6;
	s22 =	sadd.s32 $0x18, s11;
	[dreg:$0x12] =	wrdreg s21  }
0x18: {  	s9 =	simm.s32 $0x4;
	s23 =	sadd.s32 $0x1408, s11;
	[dreg:$0x13] =	wrdreg s22  }
0x19: {  	s0 =	simm.s32 $0x1;
	s24 =	sadd.s32 $0x1418, s11;
	[dreg:$0x14] =	wrdreg s23  }
0x1a: {  	s3 =	simm.s32 $0x18540;
	s25 =	sadd.s32 $0x2808, s11;
	[dreg:$0x15] =	wrdreg s24  }
0x1b: {  	s7 =	simm.s32 $0x2;
	s26 =	sadd.s32 $0x2818, s11;
	[dreg:$0x16] =	wrdreg s25  }
0x1c: {  	s20 =	sadd.s32 $0x3C08, s11;
	[dreg:$0x17] =	wrdreg s26;
	s21 =	sadd.s32 $0x3C18, s11  }
0x1d: {  	s22 =	sadd.s32 $0x10, s11;
	s23 =	smax.u32 s6, $0x1;
	s24 =	simm.s32 $0x200  }
0x1e: {  	s25 =	simm.s32 $0xA540;
	s26 =	simm.s32 $0x40;
	s6 =	simm.s32 $0x7  }
.LBB2_1:
0x1f: {  	s1 =	rddreg [dreg:$0xd]  }
0x20: {  	[tilespmem:s2], [sflag:$0x1] =	stream.linear.gather [hbm4b:s1+s2], $0x200, $0x38;
	[tilespmem:$0x1E540] =	vst v63  }
0x21: {  	s18 =	rddreg [dreg:$0xe]  }
0x22: {  	[tilespmem:s24], [sflag:$0x1] =	stream.linear.gather [hbm4b:s18+s2], $0x200, $0x38;
	[tilespmem:$0x1E540] =	vst v63  }
0x23: {  	s19 =	rddreg [dreg:$0xf];
	s13 =	simm.s32 $0x400  }
0x24: {  	[tilespmem:s13], [sflag:$0x1] =	stream.linear.gather [hbm4b:s19+s2], $0x200, $0x38;
	[tilespmem:$0x1E540] =	vst v63  }
0x25: {  	s15 =	simm.s32 $0x600;
	s13 =	rddreg [dreg:$0x10]  }
0x26: {  	[tilespmem:s15], [sflag:$0x1] =	stream.linear.gather [hbm4b:s13+s2], $0x200, $0x38;
	[tilespmem:$0x1E540] =	vst v63  }
0x27: {  	s16 =	rddreg [dreg:$0x11];
	s17 =	simm.s32 $0x800  }
0x28: {  	[tilespmem:s17], [sflag:$0x1] =	stream.linear.gather [hbm4b:s16+s2], $0x200, $0x38;
	[tilespmem:$0x1E540] =	vst v63  }
0x29: {  	s18 =	rddreg [dreg:$0x9];
	s19 =	simm.s32 $0xA00  }
0x2a: {  	[tilespmem:s19], [sflag:$0x1] =	stream.linear.gather [hbm4b:s18+s2], $0x2C0, $0x38;
	[tilespmem:$0x1E540] =	vst v63  }
0x2b: {  	s13 =	rddreg [dreg:$0xb];
	s15 =	simm.s32 $0xCC0  }
0x2c: {  	[tilespmem:s15], [sflag:$0x1] =	stream.linear.gather [hbm4b:s13+s2], $0x440, $0x38;
	[tilespmem:$0x1E540] =	vst v63  }
0x2d: {  	s16 =	rddreg [dreg:$0xc];
	s17 =	simm.s32 $0x1100  }
0x2e: {  	[tilespmem:s17], [sflag:$0x1] =	stream.linear.gather [hbm4b:s16+s2], $0x1440, $0x38;
	[tilespmem:$0x1E540] =	vst v63  }
0x2f: {  	_ =	swait.ge [sflag:s0], $0x200  }
0x30: {  	[sflag:s0] =	ssyncset.done $0x0  }
0x31: {  	[sflag:s0] =	ssyncadd.s32 $0xFFFFFE00  }
0x32: {  	_ =	swait.ge [sflag:s0], $0x200  }
0x33: {  	[sflag:s0] =	ssyncset.done $0x0  }
0x34: {  	s18 =	rddreg [dreg:$0x8];
	[sflag:s0] =	ssyncadd.s32 $0xFFFFFE00  }
0x35: {  	[tilespmem:s14], [sflag:$0x2] =	stream.indirect.gather [hbm4b:s18+s24], $0x40, s2, s24, $0xb8;
	[tilespmem:$0x1E540] =	vst v63  }
0x36: {  	s19 =	rddreg [dreg:$0xa]  }
0x37: {  	[tilespmem:s25], [sflag:$0x3] =	stream.indirect.gather [hbm4b:s19+s24], $0x40, s24, s24, $0xb8;
	[tilespmem:$0x1E540] =	vst v63  }
0x38: {  	_ =	swait.ge [sflag:s0], $0x200  }
0x39: {  	[sflag:s0] =	ssyncset.done $0x0  }
0x3a: {  	[sflag:s0] =	ssyncadd.s32 $0xFFFFFE00  }
0x3b: {  	_ =	swait.ge [sflag:s0], $0x200  }
0x3c: {  	[sflag:s0] =	ssyncset.done $0x0  }
0x3d: {  	[sflag:s0] =	ssyncadd.s32 $0xFFFFFE00  }
0x3e: {  	_ =	swait.ge [sflag:s0], $0x200  }
0x3f: {  	[sflag:s0] =	ssyncset.done $0x0  }
0x40: {  	[sflag:s0] =	ssyncadd.s32 $0xFFFFFE00  }
0x41: {  	_ =	swait.ge [sflag:s0], $0x2C0  }
0x42: {  	[sflag:s0] =	ssyncset.done $0x0  }
0x43: {  	[sflag:s0] =	ssyncadd.s32 $0xFFFFFD40  }
0x44: {  	_ =	swait.ge [sflag:s0], $0x440  }
0x45: {  	[sflag:s0] =	ssyncset.done $0x0  }
0x46: {  	[sflag:s0] =	ssyncadd.s32 $0xFFFFFBC0  }
0x47: {  	_ =	swait.ge [sflag:s0], $0x1440  }
0x48: {  	s13 =	simm.s32 $0x125C0;
	[sflag:s0] =	ssyncset.done $0x0  }
0x49: {  	s15 =	simm.s32 $0x0;
	s14 =	simm.s32 $0x14640;
	[sflag:s0] =	ssyncadd.s32 $0xFFFFEBC0  }
.LBB2_2:
0x4a: {  	s18 =	sand.u32 $0x78, s15  }
0x4b: {  	s1 =	sand.u32 $0x4, s15;
	s16 =	sor.u32 $0x400, s18  }
0x4c: {  	s17 =	sor.u32 s1, s16  }
0x4d: {  	v0 =	vld.msk [tilespmem:s17+$0x0], $0x1;
	_ =	sdelay $0x4  }
0x4e: {  	(v2sf) =	vpush v0, $0x0;
	_ =	sdelay $0xe  }
0x4f: {  	s19 =	spop (v2sf)  }
0x50: {  	s17 =	sshll.u32 s19, $0x8  }
0x51: {  	s17 =	sshra.s32 s17, $0x2  }
0x52: {  	v52 =	vld [tilespmem:s17+$0xA00];
	_ =	sdelay $0x4  }
0x53: {  	[tilespmem:s13+$0xFFFFFF80] =	vst v52  }
0x54: {  	v0 =	vld [tilespmem:s17+$0xA10];
	_ =	sdelay $0x4  }
0x55: {  	[tilespmem:s13+$0xFFFFFF90] =	vst v0  }
0x56: {  	v0 =	vld [tilespmem:s17+$0xA20];
	_ =	sdelay $0x4  }
0x57: {  	[tilespmem:s13+$0xFFFFFFA0] =	vst v0  }
0x58: {  	v0 =	vld [tilespmem:s17+$0xA30];
	_ =	sdelay $0x3  }
0x59: {  	s17 =	sor.u32 $0x600, s18  }
0x5a: {  	s19 =	sor.u32 s1, s17;
	[tilespmem:s13+$0xFFFFFFB0] =	vst v0  }
0x5b: {  	v0 =	vld.msk [tilespmem:s19+$0x0], $0x1;
	_ =	sdelay $0x4  }
0x5c: {  	(v2sf) =	vpush v0, $0x0;
	_ =	sdelay $0xe  }
0x5d: {  	s19 =	spop (v2sf)  }
0x5e: {  	s19 =	sshll.u32 s19, $0x8  }
0x5f: {  	s19 =	sshra.s32 s19, $0x2  }
0x60: {  	v53 =	vld [tilespmem:s19+$0xCC0];
	_ =	sdelay $0x4  }
0x61: {  	[tilespmem:s14+$0xFFFFFF00] =	vst v53  }
0x62: {  	v0 =	vld [tilespmem:s19+$0xCD0];
	_ =	sdelay $0x4  }
0x63: {  	[tilespmem:s14+$0xFFFFFF10] =	vst v0  }
0x64: {  	v0 =	vld [tilespmem:s19+$0xCE0];
	_ =	sdelay $0x4  }
0x65: {  	[tilespmem:s14+$0xFFFFFF20] =	vst v0  }
0x66: {  	v0 =	vld [tilespmem:s19+$0xCF0];
	_ =	sdelay $0x3  }
0x67: {  	s18 =	sor.u32 $0x800, s18  }
0x68: {  	s1 =	sor.u32 s1, s18;
	[tilespmem:s14+$0xFFFFFF30] =	vst v0  }
0x69: {  	v0 =	vld.msk [tilespmem:s1+$0x0], $0x1;
	_ =	sdelay $0x4  }
0x6a: {  	(v2sf) =	vpush v0, $0x0;
	_ =	sdelay $0xe  }
0x6b: {  	s19 =	spop (v2sf)  }
0x6c: {  	s1 =	sshll.u32 s19, $0x8  }
0x6d: {  	s1 =	sshra.s32 s1, $0x2  }
0x6e: {  	v54 =	vld [tilespmem:s1+$0x1100];
	_ =	sdelay $0x4  }
0x6f: {  	[tilespmem:s14+$0xFFFFFF40] =	vst v54  }
0x70: {  	v0 =	vld [tilespmem:s1+$0x1110];
	_ =	sdelay $0x4  }
0x71: {  	[tilespmem:s14+$0xFFFFFF50] =	vst v0  }
0x72: {  	v0 =	vld [tilespmem:s1+$0x1120];
	_ =	sdelay $0x4  }
0x73: {  	[tilespmem:s14+$0xFFFFFF60] =	vst v0  }
0x74: {  	v0 =	vld [tilespmem:s1+$0x1130];
	_ =	sdelay $0x2  }
0x75: {  	s19 =	sadd.s32 $0x1, s15  }
0x76: {  	s1 =	sand.u32 $0x5, s19  }
0x77: {  	s19 =	sor.u32 s1, s16;
	[tilespmem:s14+$0xFFFFFF70] =	vst v0  }
0x78: {  	v0 =	vld.msk [tilespmem:s19+$0x0], $0x1;
	_ =	sdelay $0x4  }
0x79: {  	(v2sf) =	vpush v0, $0x0;
	_ =	sdelay $0xe  }
0x7a: {  	s19 =	spop (v2sf)  }
0x7b: {  	s19 =	sshll.u32 s19, $0x8  }
0x7c: {  	s19 =	sshra.s32 s19, $0x2  }
0x7d: {  	v55 =	vld [tilespmem:s19+$0xA00];
	_ =	sdelay $0x4  }
0x7e: {  	[tilespmem:s13+$0xFFFFFFC0] =	vst v55  }
0x7f: {  	v0 =	vld [tilespmem:s19+$0xA10];
	_ =	sdelay $0x4  }
0x80: {  	[tilespmem:s13+$0xFFFFFFD0] =	vst v0  }
0x81: {  	v0 =	vld [tilespmem:s19+$0xA20];
	_ =	sdelay $0x4  }
0x82: {  	[tilespmem:s13+$0xFFFFFFE0] =	vst v0  }
0x83: {  	v0 =	vld [tilespmem:s19+$0xA30];
	_ =	sdelay $0x4  }
0x84: {  	s19 =	sor.u32 s1, s17;
	[tilespmem:s13+$0xFFFFFFF0] =	vst v0  }
0x85: {  	v0 =	vld.msk [tilespmem:s19+$0x0], $0x1;
	_ =	sdelay $0x4  }
0x86: {  	(v2sf) =	vpush v0, $0x0;
	_ =	sdelay $0xe  }
0x87: {  	s19 =	spop (v2sf)  }
0x88: {  	s19 =	sshll.u32 s19, $0x8  }
0x89: {  	s19 =	sshra.s32 s19, $0x2  }
0x8a: {  	v56 =	vld [tilespmem:s19+$0xCC0];
	_ =	sdelay $0x4  }
0x8b: {  	[tilespmem:s14+$0xFFFFFF80] =	vst v56  }
0x8c: {  	v0 =	vld [tilespmem:s19+$0xCD0];
	_ =	sdelay $0x4  }
0x8d: {  	[tilespmem:s14+$0xFFFFFF90] =	vst v0  }
0x8e: {  	v0 =	vld [tilespmem:s19+$0xCE0];
	_ =	sdelay $0x4  }
0x8f: {  	[tilespmem:s14+$0xFFFFFFA0] =	vst v0  }
0x90: {  	v0 =	vld [tilespmem:s19+$0xCF0];
	_ =	sdelay $0x4  }
0x91: {  	s1 =	sor.u32 s1, s18;
	[tilespmem:s14+$0xFFFFFFB0] =	vst v0  }
0x92: {  	v0 =	vld.msk [tilespmem:s1+$0x0], $0x1;
	_ =	sdelay $0x4  }
0x93: {  	(v2sf) =	vpush v0, $0x0;
	_ =	sdelay $0xe  }
0x94: {  	s19 =	spop (v2sf)  }
0x95: {  	s1 =	sshll.u32 s19, $0x8  }
0x96: {  	s1 =	sshra.s32 s1, $0x2  }
0x97: {  	v57 =	vld [tilespmem:s1+$0x1100];
	_ =	sdelay $0x4  }
0x98: {  	[tilespmem:s14+$0xFFFFFFC0] =	vst v57  }
0x99: {  	v0 =	vld [tilespmem:s1+$0x1110];
	_ =	sdelay $0x4  }
0x9a: {  	[tilespmem:s14+$0xFFFFFFD0] =	vst v0  }
0x9b: {  	v0 =	vld [tilespmem:s1+$0x1120];
	_ =	sdelay $0x4  }
0x9c: {  	[tilespmem:s14+$0xFFFFFFE0] =	vst v0  }
0x9d: {  	v0 =	vld [tilespmem:s1+$0x1130];
	_ =	sdelay $0x2  }
0x9e: {  	s19 =	sadd.s32 $0x2, s15  }
0x9f: {  	s1 =	sand.u32 $0x6, s19  }
0xa0: {  	s19 =	sor.u32 s1, s16;
	[tilespmem:s14+$0xFFFFFFF0] =	vst v0  }
0xa1: {  	v0 =	vld.msk [tilespmem:s19+$0x0], $0x1;
	_ =	sdelay $0x4  }
0xa2: {  	(v2sf) =	vpush v0, $0x0;
	_ =	sdelay $0xe  }
0xa3: {  	s19 =	spop (v2sf)  }
0xa4: {  	s19 =	sshll.u32 s19, $0x8  }
0xa5: {  	s19 =	sshra.s32 s19, $0x2  }
0xa6: {  	v58 =	vld [tilespmem:s19+$0xA00];
	_ =	sdelay $0x4  }
0xa7: {  	[tilespmem:s13+$0x0] =	vst v58  }
0xa8: {  	v0 =	vld [tilespmem:s19+$0xA10];
	_ =	sdelay $0x4  }
0xa9: {  	[tilespmem:s13+$0x10] =	vst v0  }
0xaa: {  	v0 =	vld [tilespmem:s19+$0xA20];
	_ =	sdelay $0x4  }
0xab: {  	[tilespmem:s13+$0x20] =	vst v0  }
0xac: {  	v0 =	vld [tilespmem:s19+$0xA30];
	_ =	sdelay $0x4  }
0xad: {  	s19 =	sor.u32 s1, s17;
	[tilespmem:s13+$0x30] =	vst v0  }
0xae: {  	v0 =	vld.msk [tilespmem:s19+$0x0], $0x1;
	_ =	sdelay $0x4  }
0xaf: {  	(v2sf) =	vpush v0, $0x0;
	_ =	sdelay $0xe  }
0xb0: {  	s19 =	spop (v2sf)  }
0xb1: {  	s19 =	sshll.u32 s19, $0x8  }
0xb2: {  	s19 =	sshra.s32 s19, $0x2  }
0xb3: {  	v59 =	vld [tilespmem:s19+$0xCC0];
	_ =	sdelay $0x4  }
0xb4: {  	[tilespmem:s14+$0x0] =	vst v59  }
0xb5: {  	v0 =	vld [tilespmem:s19+$0xCD0];
	_ =	sdelay $0x4  }
0xb6: {  	[tilespmem:s14+$0x10] =	vst v0  }
0xb7: {  	v0 =	vld [tilespmem:s19+$0xCE0];
	_ =	sdelay $0x4  }
0xb8: {  	[tilespmem:s14+$0x20] =	vst v0  }
0xb9: {  	v0 =	vld [tilespmem:s19+$0xCF0];
	_ =	sdelay $0x4  }
0xba: {  	s1 =	sor.u32 s1, s18;
	[tilespmem:s14+$0x30] =	vst v0  }
0xbb: {  	v0 =	vld.msk [tilespmem:s1+$0x0], $0x1;
	_ =	sdelay $0x4  }
0xbc: {  	(v2sf) =	vpush v0, $0x0;
	_ =	sdelay $0xe  }
0xbd: {  	s19 =	spop (v2sf)  }
0xbe: {  	s1 =	sshll.u32 s19, $0x8  }
0xbf: {  	s1 =	sshra.s32 s1, $0x2  }
0xc0: {  	v60 =	vld [tilespmem:s1+$0x1100];
	_ =	sdelay $0x4  }
0xc1: {  	[tilespmem:s14+$0x40] =	vst v60  }
0xc2: {  	v0 =	vld [tilespmem:s1+$0x1110];
	_ =	sdelay $0x4  }
0xc3: {  	[tilespmem:s14+$0x50] =	vst v0  }
0xc4: {  	v0 =	vld [tilespmem:s1+$0x1120];
	_ =	sdelay $0x4  }
0xc5: {  	[tilespmem:s14+$0x60] =	vst v0  }
0xc6: {  	v0 =	vld [tilespmem:s1+$0x1130];
	_ =	sdelay $0x2  }
0xc7: {  	s19 =	sadd.s32 $0x3, s15  }
0xc8: {  	s1 =	sand.u32 $0x7, s19  }
0xc9: {  	s16 =	sor.u32 s1, s16;
	[tilespmem:s14+$0x70] =	vst v0  }
0xca: {  	v0 =	vld.msk [tilespmem:s16+$0x0], $0x1;
	_ =	sdelay $0x4  }
0xcb: {  	(v2sf) =	vpush v0, $0x0;
	_ =	sdelay $0xe  }
0xcc: {  	s19 =	spop (v2sf)  }
0xcd: {  	s16 =	sshll.u32 s19, $0x8  }
0xce: {  	s16 =	sshra.s32 s16, $0x2  }
0xcf: {  	v61 =	vld [tilespmem:s16+$0xA00];
	_ =	sdelay $0x4  }
0xd0: {  	[tilespmem:s13+$0x40] =	vst v61  }
0xd1: {  	v0 =	vld [tilespmem:s16+$0xA10];
	_ =	sdelay $0x4  }
0xd2: {  	[tilespmem:s13+$0x50] =	vst v0  }
0xd3: {  	v0 =	vld [tilespmem:s16+$0xA20];
	_ =	sdelay $0x4  }
0xd4: {  	[tilespmem:s13+$0x60] =	vst v0  }
0xd5: {  	v0 =	vld [tilespmem:s16+$0xA30];
	_ =	sdelay $0x4  }
0xd6: {  	s19 =	sor.u32 s1, s17;
	[tilespmem:s13+$0x70] =	vst v0  }
0xd7: {  	v0 =	vld.msk [tilespmem:s19+$0x0], $0x1;
	_ =	sdelay $0x4  }
0xd8: {  	(v2sf) =	vpush v0, $0x0;
	_ =	sdelay $0xe  }
0xd9: {  	s17 =	spop (v2sf)  }
0xda: {  	s16 =	sshll.u32 s17, $0x8  }
0xdb: {  	s16 =	sshra.s32 s16, $0x2  }
0xdc: {  	v62 =	vld [tilespmem:s16+$0xCC0];
	_ =	sdelay $0x4  }
0xdd: {  	[tilespmem:s14+$0x80] =	vst v62  }
0xde: {  	v0 =	vld [tilespmem:s16+$0xCD0];
	_ =	sdelay $0x4  }
0xdf: {  	[tilespmem:s14+$0x90] =	vst v0  }
0xe0: {  	v0 =	vld [tilespmem:s16+$0xCE0];
	_ =	sdelay $0x4  }
0xe1: {  	[tilespmem:s14+$0xA0] =	vst v0  }
0xe2: {  	v0 =	vld [tilespmem:s16+$0xCF0];
	_ =	sdelay $0x4  }
0xe3: {  	s1 =	sor.u32 s1, s18;
	[tilespmem:s14+$0xB0] =	vst v0  }
0xe4: {  	v0 =	vld.msk [tilespmem:s1+$0x0], $0x1;
	_ =	sdelay $0x4  }
0xe5: {  	(v2sf) =	vpush v0, $0x0;
	_ =	sdelay $0xe  }
0xe6: {  	s19 =	spop (v2sf)  }
0xe7: {  	s1 =	sshll.u32 s19, $0x8  }
0xe8: {  	s1 =	sshra.s32 s1, $0x2  }
0xe9: {  	v63 =	vld [tilespmem:s1+$0x1100];
	_ =	sdelay $0x4  }
0xea: {  	[tilespmem:s14+$0xC0] =	vst v63  }
0xeb: {  	v0 =	vld [tilespmem:s1+$0x1110];
	_ =	sdelay $0x4  }
0xec: {  	[tilespmem:s14+$0xD0] =	vst v0  }
0xed: {  	v0 =	vld [tilespmem:s1+$0x1120];
	_ =	sdelay $0x4  }
0xee: {  	[tilespmem:s14+$0xE0] =	vst v0  }
0xef: {  	p0 =	sne.s32 s15, $0x7C;
	v0 =	vld [tilespmem:s1+$0x1130]  }
.Ltmp0:
0xf0: {  	_ = 	snop;
	(pc) =	sbr.rel @p0 .LBB2_2-.Ltmp0, $2  }
0xf1: {  	_ =	sdelay $0x2  }
0xf2: {  	s15 =	sadd.s32 $0x4, s15;
	s13 =	sadd.s32 $0x100, s13;
	[tilespmem:s14+$0xF0] =	vst v0;
	s14 =	sadd.s32 $0x200, s14  }
0xf3: {  	s1 =	rddreg [dreg:$0x12]  }
0xf4: {  	s19 =	rddreg [dreg:$0x13]  }
0xf5: {  	[hbm4b:s1+s26] =	stream.strided.scatter [tilespmem:s29], [sflag:$0x6], $0x2000, s28, s26, $0x38;
	[tilespmem:$0x1E540] =	vst v63  }
0xf6: {  	s13 =	simm.s32 $0x0;
	s14 =	simm.s32 $0x185C0;
	s15 =	simm.s32 $0x1A640  }
0xf7: {  	[hbm4b:s19+s30] =	stream.strided.scatter [tilespmem:s31], [sflag:$0x6], $0x4000, s28, s30, $0x38;
	[tilespmem:$0x1E540] =	vst v63  }
.LBB2_4:
0xf8: {  	s1 =	sand.u32 $0x7C, s13  }
0xf9: {  	s16 =	sor.u32 $0x480, s1  }
0xfa: {  	v0 =	vld.msk [tilespmem:s16+$0x0], $0x1;
	_ =	sdelay $0x4  }
0xfb: {  	(v2sf) =	vpush v0, $0x0;
	_ =	sdelay $0xe  }
0xfc: {  	s17 =	spop (v2sf)  }
0xfd: {  	s16 =	sshll.u32 s17, $0x8  }
0xfe: {  	s16 =	sshra.s32 s16, $0x2  }
0xff: {  	v52 =	vld [tilespmem:s16+$0xA00];
	_ =	sdelay $0x4  }
0x100: {  	[tilespmem:s14+$0xFFFFFF80] =	vst v52  }
0x101: {  	v0 =	vld [tilespmem:s16+$0xA10];
	_ =	sdelay $0x4  }
0x102: {  	[tilespmem:s14+$0xFFFFFF90] =	vst v0  }
0x103: {  	v0 =	vld [tilespmem:s16+$0xA20];
	_ =	sdelay $0x4  }
0x104: {  	[tilespmem:s14+$0xFFFFFFA0] =	vst v0  }
0x105: {  	v0 =	vld [tilespmem:s16+$0xA30];
	_ =	sdelay $0x4  }
0x106: {  	s18 =	sor.u32 $0x680, s1;
	[tilespmem:s14+$0xFFFFFFB0] =	vst v0  }
0x107: {  	v0 =	vld.msk [tilespmem:s18+$0x0], $0x1;
	_ =	sdelay $0x4  }
0x108: {  	(v2sf) =	vpush v0, $0x0;
	_ =	sdelay $0xe  }
0x109: {  	s19 =	spop (v2sf)  }
0x10a: {  	s16 =	sshll.u32 s19, $0x8  }
0x10b: {  	s16 =	sshra.s32 s16, $0x2  }
0x10c: {  	v53 =	vld [tilespmem:s16+$0xCC0];
	_ =	sdelay $0x4  }
0x10d: {  	[tilespmem:s15+$0xFFFFFF00] =	vst v53  }
0x10e: {  	v0 =	vld [tilespmem:s16+$0xCD0];
	_ =	sdelay $0x4  }
0x10f: {  	[tilespmem:s15+$0xFFFFFF10] =	vst v0  }
0x110: {  	v0 =	vld [tilespmem:s16+$0xCE0];
	_ =	sdelay $0x4  }
0x111: {  	[tilespmem:s15+$0xFFFFFF20] =	vst v0  }
0x112: {  	v0 =	vld [tilespmem:s16+$0xCF0];
	_ =	sdelay $0x4  }
0x113: {  	s1 =	sor.u32 $0x880, s1;
	[tilespmem:s15+$0xFFFFFF30] =	vst v0  }
0x114: {  	v0 =	vld.msk [tilespmem:s1+$0x0], $0x1;
	_ =	sdelay $0x4  }
0x115: {  	(v2sf) =	vpush v0, $0x0;
	_ =	sdelay $0xe  }
0x116: {  	s17 =	spop (v2sf)  }
0x117: {  	s1 =	sshll.u32 s17, $0x8  }
0x118: {  	s1 =	sshra.s32 s1, $0x2  }
0x119: {  	v54 =	vld [tilespmem:s1+$0x1100];
	_ =	sdelay $0x4  }
0x11a: {  	[tilespmem:s15+$0xFFFFFF40] =	vst v54  }
0x11b: {  	v0 =	vld [tilespmem:s1+$0x1110];
	_ =	sdelay $0x4  }
0x11c: {  	[tilespmem:s15+$0xFFFFFF50] =	vst v0  }
0x11d: {  	v0 =	vld [tilespmem:s1+$0x1120];
	_ =	sdelay $0x4  }
0x11e: {  	[tilespmem:s15+$0xFFFFFF60] =	vst v0  }
0x11f: {  	v0 =	vld [tilespmem:s1+$0x1130];
	_ =	sdelay $0x2  }
0x120: {  	s18 =	sadd.s32 $0x81, s13  }
0x121: {  	s1 =	sand.u32 $0xFD, s18  }
0x122: {  	s19 =	sor.u32 $0x400, s1;
	[tilespmem:s15+$0xFFFFFF70] =	vst v0  }
0x123: {  	v0 =	vld.msk [tilespmem:s19+$0x0], $0x1;
	_ =	sdelay $0x4  }
0x124: {  	(v2sf) =	vpush v0, $0x0;
	_ =	sdelay $0xe  }
0x125: {  	s17 =	spop (v2sf)  }
0x126: {  	s16 =	sshll.u32 s17, $0x8  }
0x127: {  	s16 =	sshra.s32 s16, $0x2  }
0x128: {  	v55 =	vld [tilespmem:s16+$0xA00];
	_ =	sdelay $0x4  }
0x129: {  	[tilespmem:s14+$0xFFFFFFC0] =	vst v55  }
0x12a: {  	v0 =	vld [tilespmem:s16+$0xA10];
	_ =	sdelay $0x4  }
0x12b: {  	[tilespmem:s14+$0xFFFFFFD0] =	vst v0  }
0x12c: {  	v0 =	vld [tilespmem:s16+$0xA20];
	_ =	sdelay $0x4  }
0x12d: {  	[tilespmem:s14+$0xFFFFFFE0] =	vst v0  }
0x12e: {  	v0 =	vld [tilespmem:s16+$0xA30];
	_ =	sdelay $0x4  }
0x12f: {  	s18 =	sor.u32 $0x600, s1;
	[tilespmem:s14+$0xFFFFFFF0] =	vst v0  }
0x130: {  	v0 =	vld.msk [tilespmem:s18+$0x0], $0x1;
	_ =	sdelay $0x4  }
0x131: {  	(v2sf) =	vpush v0, $0x0;
	_ =	sdelay $0xe  }
0x132: {  	s19 =	spop (v2sf)  }
0x133: {  	s16 =	sshll.u32 s19, $0x8  }
0x134: {  	s16 =	sshra.s32 s16, $0x2  }
0x135: {  	v56 =	vld [tilespmem:s16+$0xCC0];
	_ =	sdelay $0x4  }
0x136: {  	[tilespmem:s15+$0xFFFFFF80] =	vst v56  }
0x137: {  	v0 =	vld [tilespmem:s16+$0xCD0];
	_ =	sdelay $0x4  }
0x138: {  	[tilespmem:s15+$0xFFFFFF90] =	vst v0  }
0x139: {  	v0 =	vld [tilespmem:s16+$0xCE0];
	_ =	sdelay $0x4  }
0x13a: {  	[tilespmem:s15+$0xFFFFFFA0] =	vst v0  }
0x13b: {  	v0 =	vld [tilespmem:s16+$0xCF0];
	_ =	sdelay $0x4  }
0x13c: {  	s1 =	sor.u32 $0x800, s1;
	[tilespmem:s15+$0xFFFFFFB0] =	vst v0  }
0x13d: {  	v0 =	vld.msk [tilespmem:s1+$0x0], $0x1;
	_ =	sdelay $0x4  }
0x13e: {  	(v2sf) =	vpush v0, $0x0;
	_ =	sdelay $0xe  }
0x13f: {  	s17 =	spop (v2sf)  }
0x140: {  	s1 =	sshll.u32 s17, $0x8  }
0x141: {  	s1 =	sshra.s32 s1, $0x2  }
0x142: {  	v57 =	vld [tilespmem:s1+$0x1100];
	_ =	sdelay $0x4  }
0x143: {  	[tilespmem:s15+$0xFFFFFFC0] =	vst v57  }
0x144: {  	v0 =	vld [tilespmem:s1+$0x1110];
	_ =	sdelay $0x4  }
0x145: {  	[tilespmem:s15+$0xFFFFFFD0] =	vst v0  }
0x146: {  	v0 =	vld [tilespmem:s1+$0x1120];
	_ =	sdelay $0x4  }
0x147: {  	[tilespmem:s15+$0xFFFFFFE0] =	vst v0  }
0x148: {  	v0 =	vld [tilespmem:s1+$0x1130];
	_ =	sdelay $0x2  }
0x149: {  	s18 =	sadd.s32 $0x82, s13  }
0x14a: {  	s1 =	sand.u32 $0xFE, s18  }
0x14b: {  	s19 =	sor.u32 $0x400, s1;
	[tilespmem:s15+$0xFFFFFFF0] =	vst v0  }
0x14c: {  	v0 =	vld.msk [tilespmem:s19+$0x0], $0x1;
	_ =	sdelay $0x4  }
0x14d: {  	(v2sf) =	vpush v0, $0x0;
	_ =	sdelay $0xe  }
0x14e: {  	s17 =	spop (v2sf)  }
0x14f: {  	s16 =	sshll.u32 s17, $0x8  }
0x150: {  	s16 =	sshra.s32 s16, $0x2  }
0x151: {  	v58 =	vld [tilespmem:s16+$0xA00];
	_ =	sdelay $0x4  }
0x152: {  	[tilespmem:s14+$0x0] =	vst v58  }
0x153: {  	v0 =	vld [tilespmem:s16+$0xA10];
	_ =	sdelay $0x4  }
0x154: {  	[tilespmem:s14+$0x10] =	vst v0  }
0x155: {  	v0 =	vld [tilespmem:s16+$0xA20];
	_ =	sdelay $0x4  }
0x156: {  	[tilespmem:s14+$0x20] =	vst v0  }
0x157: {  	v0 =	vld [tilespmem:s16+$0xA30];
	_ =	sdelay $0x4  }
0x158: {  	s18 =	sor.u32 $0x600, s1;
	[tilespmem:s14+$0x30] =	vst v0  }
0x159: {  	v0 =	vld.msk [tilespmem:s18+$0x0], $0x1;
	_ =	sdelay $0x4  }
0x15a: {  	(v2sf) =	vpush v0, $0x0;
	_ =	sdelay $0xe  }
0x15b: {  	s19 =	spop (v2sf)  }
0x15c: {  	s16 =	sshll.u32 s19, $0x8  }
0x15d: {  	s16 =	sshra.s32 s16, $0x2  }
0x15e: {  	v59 =	vld [tilespmem:s16+$0xCC0];
	_ =	sdelay $0x4  }
0x15f: {  	[tilespmem:s15+$0x0] =	vst v59  }
0x160: {  	v0 =	vld [tilespmem:s16+$0xCD0];
	_ =	sdelay $0x4  }
0x161: {  	[tilespmem:s15+$0x10] =	vst v0  }
0x162: {  	v0 =	vld [tilespmem:s16+$0xCE0];
	_ =	sdelay $0x4  }
0x163: {  	[tilespmem:s15+$0x20] =	vst v0  }
0x164: {  	v0 =	vld [tilespmem:s16+$0xCF0];
	_ =	sdelay $0x4  }
0x165: {  	s1 =	sor.u32 $0x800, s1;
	[tilespmem:s15+$0x30] =	vst v0  }
0x166: {  	v0 =	vld.msk [tilespmem:s1+$0x0], $0x1;
	_ =	sdelay $0x4  }
0x167: {  	(v2sf) =	vpush v0, $0x0;
	_ =	sdelay $0xe  }
0x168: {  	s16 =	spop (v2sf)  }
0x169: {  	s1 =	sshll.u32 s16, $0x8  }
0x16a: {  	s1 =	sshra.s32 s1, $0x2  }
0x16b: {  	v60 =	vld [tilespmem:s1+$0x1100];
	_ =	sdelay $0x4  }
0x16c: {  	[tilespmem:s15+$0x40] =	vst v60  }
0x16d: {  	v0 =	vld [tilespmem:s1+$0x1110];
	_ =	sdelay $0x4  }
0x16e: {  	[tilespmem:s15+$0x50] =	vst v0  }
0x16f: {  	v0 =	vld [tilespmem:s1+$0x1120];
	_ =	sdelay $0x4  }
0x170: {  	[tilespmem:s15+$0x60] =	vst v0  }
0x171: {  	v0 =	vld [tilespmem:s1+$0x1130];
	_ =	sdelay $0x2  }
0x172: {  	s17 =	sadd.s32 $0x83, s13  }
0x173: {  	s1 =	sand.u32 $0xFF, s17  }
0x174: {  	s18 =	sor.u32 $0x400, s1;
	[tilespmem:s15+$0x70] =	vst v0  }
0x175: {  	v0 =	vld.msk [tilespmem:s18+$0x0], $0x1;
	_ =	sdelay $0x4  }
0x176: {  	(v2sf) =	vpush v0, $0x0;
	_ =	sdelay $0xe  }
0x177: {  	s19 =	spop (v2sf)  }
0x178: {  	s16 =	sshll.u32 s19, $0x8  }
0x179: {  	s16 =	sshra.s32 s16, $0x2  }
0x17a: {  	v61 =	vld [tilespmem:s16+$0xA00];
	_ =	sdelay $0x4  }
0x17b: {  	[tilespmem:s14+$0x40] =	vst v61  }
0x17c: {  	v0 =	vld [tilespmem:s16+$0xA10];
	_ =	sdelay $0x4  }
0x17d: {  	[tilespmem:s14+$0x50] =	vst v0  }
0x17e: {  	v0 =	vld [tilespmem:s16+$0xA20];
	_ =	sdelay $0x4  }
0x17f: {  	[tilespmem:s14+$0x60] =	vst v0  }
0x180: {  	v0 =	vld [tilespmem:s16+$0xA30];
	_ =	sdelay $0x4  }
0x181: {  	s17 =	sor.u32 $0x600, s1;
	[tilespmem:s14+$0x70] =	vst v0  }
0x182: {  	v0 =	vld.msk [tilespmem:s17+$0x0], $0x1;
	_ =	sdelay $0x4  }
0x183: {  	(v2sf) =	vpush v0, $0x0;
	_ =	sdelay $0xe  }
0x184: {  	s18 =	spop (v2sf)  }
0x185: {  	s16 =	sshll.u32 s18, $0x8  }
0x186: {  	s16 =	sshra.s32 s16, $0x2  }
0x187: {  	v62 =	vld [tilespmem:s16+$0xCC0];
	_ =	sdelay $0x4  }
0x188: {  	[tilespmem:s15+$0x80] =	vst v62  }
0x189: {  	v0 =	vld [tilespmem:s16+$0xCD0];
	_ =	sdelay $0x4  }
0x18a: {  	[tilespmem:s15+$0x90] =	vst v0  }
0x18b: {  	v0 =	vld [tilespmem:s16+$0xCE0];
	_ =	sdelay $0x4  }
0x18c: {  	[tilespmem:s15+$0xA0] =	vst v0  }
0x18d: {  	v0 =	vld [tilespmem:s16+$0xCF0];
	_ =	sdelay $0x4  }
0x18e: {  	s1 =	sor.u32 $0x800, s1;
	[tilespmem:s15+$0xB0] =	vst v0  }
0x18f: {  	v0 =	vld.msk [tilespmem:s1+$0x0], $0x1;
	_ =	sdelay $0x4  }
0x190: {  	(v2sf) =	vpush v0, $0x0;
	_ =	sdelay $0xe  }
0x191: {  	s19 =	spop (v2sf)  }
0x192: {  	s1 =	sshll.u32 s19, $0x8  }
0x193: {  	s1 =	sshra.s32 s1, $0x2  }
0x194: {  	v63 =	vld [tilespmem:s1+$0x1100];
	_ =	sdelay $0x4  }
0x195: {  	[tilespmem:s15+$0xC0] =	vst v63  }
0x196: {  	v0 =	vld [tilespmem:s1+$0x1110];
	_ =	sdelay $0x4  }
0x197: {  	[tilespmem:s15+$0xD0] =	vst v0  }
0x198: {  	v0 =	vld [tilespmem:s1+$0x1120];
	_ =	sdelay $0x4  }
0x199: {  	[tilespmem:s15+$0xE0] =	vst v0  }
0x19a: {  	p0 =	sne.s32 s13, $0x7C;
	v0 =	vld [tilespmem:s1+$0x1130]  }
.Ltmp1:
0x19b: {  	_ = 	snop;
	(pc) =	sbr.rel @p0 .LBB2_4-.Ltmp1, $2  }
0x19c: {  	_ =	sdelay $0x2  }
0x19d: {  	s13 =	sadd.s32 $0x4, s13;
	s14 =	sadd.s32 $0x100, s14;
	[tilespmem:s15+$0xF0] =	vst v0;
	s15 =	sadd.s32 $0x200, s15  }
0x19e: {  	s1 =	rddreg [dreg:$0x14]  }
0x19f: {  	[hbm4b:s1+s26] =	stream.strided.scatter [tilespmem:s3], [sflag:$0x7], $0x2000, s28, s26, $0x38;
	[tilespmem:$0x1E540] =	vst v63  }
0x1a0: {  	s19 =	rddreg [dreg:$0x15]  }
0x1a1: {  	[hbm4b:s19+s30] =	stream.strided.scatter [tilespmem:s4], [sflag:$0x7], $0x4000, s28, s30, $0x38;
	[tilespmem:$0x1E540] =	vst v63  }
0x1a2: {  	_ =	swait.ge [sflag:s5], $0x2000  }
0x1a3: {  	[sflag:s5] =	ssyncset.done $0x0  }
0x1a4: {  	[sflag:s5] =	ssyncadd.s32 $0xFFFFE000  }
0x1a5: {  	_ =	swait.ge [sflag:s5], $0x4000  }
0x1a6: {  	s13 =	simm.s32 $0x0;
	[sflag:s5] =	ssyncset.done $0x0  }
0x1a7: {  	s14 =	simm.s32 $0x125C0;
	s15 =	simm.s32 $0x14640;
	[sflag:s5] =	ssyncadd.s32 $0xFFFFC000  }
.LBB2_6:
0x1a8: {  	s1 =	sand.u32 $0x7C, s13  }
0x1a9: {  	s16 =	sor.u32 $0x500, s1  }
0x1aa: {  	v0 =	vld.msk [tilespmem:s16+$0x0], $0x1;
	_ =	sdelay $0x4  }
0x1ab: {  	(v2sf) =	vpush v0, $0x0;
	_ =	sdelay $0xe  }
0x1ac: {  	s17 =	spop (v2sf)  }
0x1ad: {  	s16 =	sshll.u32 s17, $0x8  }
0x1ae: {  	s16 =	sshra.s32 s16, $0x2  }
0x1af: {  	v52 =	vld [tilespmem:s16+$0xA00];
	_ =	sdelay $0x4  }
0x1b0: {  	[tilespmem:s14+$0xFFFFFF80] =	vst v52  }
0x1b1: {  	v0 =	vld [tilespmem:s16+$0xA10];
	_ =	sdelay $0x4  }
0x1b2: {  	[tilespmem:s14+$0xFFFFFF90] =	vst v0  }
0x1b3: {  	v0 =	vld [tilespmem:s16+$0xA20];
	_ =	sdelay $0x4  }
0x1b4: {  	[tilespmem:s14+$0xFFFFFFA0] =	vst v0  }
0x1b5: {  	v0 =	vld [tilespmem:s16+$0xA30];
	_ =	sdelay $0x4  }
0x1b6: {  	s18 =	sor.u32 $0x700, s1;
	[tilespmem:s14+$0xFFFFFFB0] =	vst v0  }
0x1b7: {  	v0 =	vld.msk [tilespmem:s18+$0x0], $0x1;
	_ =	sdelay $0x4  }
0x1b8: {  	(v2sf) =	vpush v0, $0x0;
	_ =	sdelay $0xe  }
0x1b9: {  	s19 =	spop (v2sf)  }
0x1ba: {  	s16 =	sshll.u32 s19, $0x8  }
0x1bb: {  	s16 =	sshra.s32 s16, $0x2  }
0x1bc: {  	v53 =	vld [tilespmem:s16+$0xCC0];
	_ =	sdelay $0x4  }
0x1bd: {  	[tilespmem:s15+$0xFFFFFF00] =	vst v53  }
0x1be: {  	v0 =	vld [tilespmem:s16+$0xCD0];
	_ =	sdelay $0x4  }
0x1bf: {  	[tilespmem:s15+$0xFFFFFF10] =	vst v0  }
0x1c0: {  	v0 =	vld [tilespmem:s16+$0xCE0];
	_ =	sdelay $0x4  }
0x1c1: {  	[tilespmem:s15+$0xFFFFFF20] =	vst v0  }
0x1c2: {  	v0 =	vld [tilespmem:s16+$0xCF0];
	_ =	sdelay $0x4  }
0x1c3: {  	s1 =	sor.u32 $0x900, s1;
	[tilespmem:s15+$0xFFFFFF30] =	vst v0  }
0x1c4: {  	v0 =	vld.msk [tilespmem:s1+$0x0], $0x1;
	_ =	sdelay $0x4  }
0x1c5: {  	(v2sf) =	vpush v0, $0x0;
	_ =	sdelay $0xe  }
0x1c6: {  	s17 =	spop (v2sf)  }
0x1c7: {  	s1 =	sshll.u32 s17, $0x8  }
0x1c8: {  	s1 =	sshra.s32 s1, $0x2  }
0x1c9: {  	v54 =	vld [tilespmem:s1+$0x1100];
	_ =	sdelay $0x4  }
0x1ca: {  	[tilespmem:s15+$0xFFFFFF40] =	vst v54  }
0x1cb: {  	v0 =	vld [tilespmem:s1+$0x1110];
	_ =	sdelay $0x4  }
0x1cc: {  	[tilespmem:s15+$0xFFFFFF50] =	vst v0  }
0x1cd: {  	v0 =	vld [tilespmem:s1+$0x1120];
	_ =	sdelay $0x4  }
0x1ce: {  	[tilespmem:s15+$0xFFFFFF60] =	vst v0  }
0x1cf: {  	v0 =	vld [tilespmem:s1+$0x1130];
	_ =	sdelay $0x2  }
0x1d0: {  	s18 =	sadd.s32 $0x101, s13  }
0x1d1: {  	s1 =	sand.u32 $0x17D, s18  }
0x1d2: {  	s19 =	sor.u32 $0x400, s1;
	[tilespmem:s15+$0xFFFFFF70] =	vst v0  }
0x1d3: {  	v0 =	vld.msk [tilespmem:s19+$0x0], $0x1;
	_ =	sdelay $0x4  }
0x1d4: {  	(v2sf) =	vpush v0, $0x0;
	_ =	sdelay $0xe  }
0x1d5: {  	s17 =	spop (v2sf)  }
0x1d6: {  	s16 =	sshll.u32 s17, $0x8  }
0x1d7: {  	s16 =	sshra.s32 s16, $0x2  }
0x1d8: {  	v55 =	vld [tilespmem:s16+$0xA00];
	_ =	sdelay $0x4  }
0x1d9: {  	[tilespmem:s14+$0xFFFFFFC0] =	vst v55  }
0x1da: {  	v0 =	vld [tilespmem:s16+$0xA10];
	_ =	sdelay $0x4  }
0x1db: {  	[tilespmem:s14+$0xFFFFFFD0] =	vst v0  }
0x1dc: {  	v0 =	vld [tilespmem:s16+$0xA20];
	_ =	sdelay $0x4  }
0x1dd: {  	[tilespmem:s14+$0xFFFFFFE0] =	vst v0  }
0x1de: {  	v0 =	vld [tilespmem:s16+$0xA30];
	_ =	sdelay $0x4  }
0x1df: {  	s18 =	sor.u32 $0x600, s1;
	[tilespmem:s14+$0xFFFFFFF0] =	vst v0  }
0x1e0: {  	v0 =	vld.msk [tilespmem:s18+$0x0], $0x1;
	_ =	sdelay $0x4  }
0x1e1: {  	(v2sf) =	vpush v0, $0x0;
	_ =	sdelay $0xe  }
0x1e2: {  	s19 =	spop (v2sf)  }
0x1e3: {  	s16 =	sshll.u32 s19, $0x8  }
0x1e4: {  	s16 =	sshra.s32 s16, $0x2  }
0x1e5: {  	v56 =	vld [tilespmem:s16+$0xCC0];
	_ =	sdelay $0x4  }
0x1e6: {  	[tilespmem:s15+$0xFFFFFF80] =	vst v56  }
0x1e7: {  	v0 =	vld [tilespmem:s16+$0xCD0];
	_ =	sdelay $0x4  }
0x1e8: {  	[tilespmem:s15+$0xFFFFFF90] =	vst v0  }
0x1e9: {  	v0 =	vld [tilespmem:s16+$0xCE0];
	_ =	sdelay $0x4  }
0x1ea: {  	[tilespmem:s15+$0xFFFFFFA0] =	vst v0  }
0x1eb: {  	v0 =	vld [tilespmem:s16+$0xCF0];
	_ =	sdelay $0x4  }
0x1ec: {  	s1 =	sor.u32 $0x800, s1;
	[tilespmem:s15+$0xFFFFFFB0] =	vst v0  }
0x1ed: {  	v0 =	vld.msk [tilespmem:s1+$0x0], $0x1;
	_ =	sdelay $0x4  }
0x1ee: {  	(v2sf) =	vpush v0, $0x0;
	_ =	sdelay $0xe  }
0x1ef: {  	s17 =	spop (v2sf)  }
0x1f0: {  	s1 =	sshll.u32 s17, $0x8  }
0x1f1: {  	s1 =	sshra.s32 s1, $0x2  }
0x1f2: {  	v57 =	vld [tilespmem:s1+$0x1100];
	_ =	sdelay $0x4  }
0x1f3: {  	[tilespmem:s15+$0xFFFFFFC0] =	vst v57  }
0x1f4: {  	v0 =	vld [tilespmem:s1+$0x1110];
	_ =	sdelay $0x4  }
0x1f5: {  	[tilespmem:s15+$0xFFFFFFD0] =	vst v0  }
0x1f6: {  	v0 =	vld [tilespmem:s1+$0x1120];
	_ =	sdelay $0x4  }
0x1f7: {  	[tilespmem:s15+$0xFFFFFFE0] =	vst v0  }
0x1f8: {  	v0 =	vld [tilespmem:s1+$0x1130];
	_ =	sdelay $0x2  }
0x1f9: {  	s18 =	sadd.s32 $0x102, s13  }
0x1fa: {  	s1 =	sand.u32 $0x17E, s18  }
0x1fb: {  	s19 =	sor.u32 $0x400, s1;
	[tilespmem:s15+$0xFFFFFFF0] =	vst v0  }
0x1fc: {  	v0 =	vld.msk [tilespmem:s19+$0x0], $0x1;
	_ =	sdelay $0x4  }
0x1fd: {  	(v2sf) =	vpush v0, $0x0;
	_ =	sdelay $0xe  }
0x1fe: {  	s17 =	spop (v2sf)  }
0x1ff: {  	s16 =	sshll.u32 s17, $0x8  }
0x200: {  	s16 =	sshra.s32 s16, $0x2  }
0x201: {  	v58 =	vld [tilespmem:s16+$0xA00];
	_ =	sdelay $0x4  }
0x202: {  	[tilespmem:s14+$0x0] =	vst v58  }
0x203: {  	v0 =	vld [tilespmem:s16+$0xA10];
	_ =	sdelay $0x4  }
0x204: {  	[tilespmem:s14+$0x10] =	vst v0  }
0x205: {  	v0 =	vld [tilespmem:s16+$0xA20];
	_ =	sdelay $0x4  }
0x206: {  	[tilespmem:s14+$0x20] =	vst v0  }
0x207: {  	v0 =	vld [tilespmem:s16+$0xA30];
	_ =	sdelay $0x4  }
0x208: {  	s18 =	sor.u32 $0x600, s1;
	[tilespmem:s14+$0x30] =	vst v0  }
0x209: {  	v0 =	vld.msk [tilespmem:s18+$0x0], $0x1;
	_ =	sdelay $0x4  }
0x20a: {  	(v2sf) =	vpush v0, $0x0;
	_ =	sdelay $0xe  }
0x20b: {  	s19 =	spop (v2sf)  }
0x20c: {  	s16 =	sshll.u32 s19, $0x8  }
0x20d: {  	s16 =	sshra.s32 s16, $0x2  }
0x20e: {  	v59 =	vld [tilespmem:s16+$0xCC0];
	_ =	sdelay $0x4  }
0x20f: {  	[tilespmem:s15+$0x0] =	vst v59  }
0x210: {  	v0 =	vld [tilespmem:s16+$0xCD0];
	_ =	sdelay $0x4  }
0x211: {  	[tilespmem:s15+$0x10] =	vst v0  }
0x212: {  	v0 =	vld [tilespmem:s16+$0xCE0];
	_ =	sdelay $0x4  }
0x213: {  	[tilespmem:s15+$0x20] =	vst v0  }
0x214: {  	v0 =	vld [tilespmem:s16+$0xCF0];
	_ =	sdelay $0x4  }
0x215: {  	s1 =	sor.u32 $0x800, s1;
	[tilespmem:s15+$0x30] =	vst v0  }
0x216: {  	v0 =	vld.msk [tilespmem:s1+$0x0], $0x1;
	_ =	sdelay $0x4  }
0x217: {  	(v2sf) =	vpush v0, $0x0;
	_ =	sdelay $0xe  }
0x218: {  	s16 =	spop (v2sf)  }
0x219: {  	s1 =	sshll.u32 s16, $0x8  }
0x21a: {  	s1 =	sshra.s32 s1, $0x2  }
0x21b: {  	v60 =	vld [tilespmem:s1+$0x1100];
	_ =	sdelay $0x4  }
0x21c: {  	[tilespmem:s15+$0x40] =	vst v60  }
0x21d: {  	v0 =	vld [tilespmem:s1+$0x1110];
	_ =	sdelay $0x4  }
0x21e: {  	[tilespmem:s15+$0x50] =	vst v0  }
0x21f: {  	v0 =	vld [tilespmem:s1+$0x1120];
	_ =	sdelay $0x4  }
0x220: {  	[tilespmem:s15+$0x60] =	vst v0  }
0x221: {  	v0 =	vld [tilespmem:s1+$0x1130];
	_ =	sdelay $0x2  }
0x222: {  	s17 =	sadd.s32 $0x103, s13  }
0x223: {  	s1 =	sand.u32 $0x17F, s17  }
0x224: {  	s18 =	sor.u32 $0x400, s1;
	[tilespmem:s15+$0x70] =	vst v0  }
0x225: {  	v0 =	vld.msk [tilespmem:s18+$0x0], $0x1;
	_ =	sdelay $0x4  }
0x226: {  	(v2sf) =	vpush v0, $0x0;
	_ =	sdelay $0xe  }
0x227: {  	s19 =	spop (v2sf)  }
0x228: {  	s16 =	sshll.u32 s19, $0x8  }
0x229: {  	s16 =	sshra.s32 s16, $0x2  }
0x22a: {  	v61 =	vld [tilespmem:s16+$0xA00];
	_ =	sdelay $0x4  }
0x22b: {  	[tilespmem:s14+$0x40] =	vst v61  }
0x22c: {  	v0 =	vld [tilespmem:s16+$0xA10];
	_ =	sdelay $0x4  }
0x22d: {  	[tilespmem:s14+$0x50] =	vst v0  }
0x22e: {  	v0 =	vld [tilespmem:s16+$0xA20];
	_ =	sdelay $0x4  }
0x22f: {  	[tilespmem:s14+$0x60] =	vst v0  }
0x230: {  	v0 =	vld [tilespmem:s16+$0xA30];
	_ =	sdelay $0x4  }
0x231: {  	s17 =	sor.u32 $0x600, s1;
	[tilespmem:s14+$0x70] =	vst v0  }
0x232: {  	v0 =	vld.msk [tilespmem:s17+$0x0], $0x1;
	_ =	sdelay $0x4  }
0x233: {  	(v2sf) =	vpush v0, $0x0;
	_ =	sdelay $0xe  }
0x234: {  	s18 =	spop (v2sf)  }
0x235: {  	s16 =	sshll.u32 s18, $0x8  }
0x236: {  	s16 =	sshra.s32 s16, $0x2  }
0x237: {  	v62 =	vld [tilespmem:s16+$0xCC0];
	_ =	sdelay $0x4  }
0x238: {  	[tilespmem:s15+$0x80] =	vst v62  }
0x239: {  	v0 =	vld [tilespmem:s16+$0xCD0];
	_ =	sdelay $0x4  }
0x23a: {  	[tilespmem:s15+$0x90] =	vst v0  }
0x23b: {  	v0 =	vld [tilespmem:s16+$0xCE0];
	_ =	sdelay $0x4  }
0x23c: {  	[tilespmem:s15+$0xA0] =	vst v0  }
0x23d: {  	v0 =	vld [tilespmem:s16+$0xCF0];
	_ =	sdelay $0x4  }
0x23e: {  	s1 =	sor.u32 $0x800, s1;
	[tilespmem:s15+$0xB0] =	vst v0  }
0x23f: {  	v0 =	vld.msk [tilespmem:s1+$0x0], $0x1;
	_ =	sdelay $0x4  }
0x240: {  	(v2sf) =	vpush v0, $0x0;
	_ =	sdelay $0xe  }
0x241: {  	s19 =	spop (v2sf)  }
0x242: {  	s1 =	sshll.u32 s19, $0x8  }
0x243: {  	s1 =	sshra.s32 s1, $0x2  }
0x244: {  	v63 =	vld [tilespmem:s1+$0x1100];
	_ =	sdelay $0x4  }
0x245: {  	[tilespmem:s15+$0xC0] =	vst v63  }
0x246: {  	v0 =	vld [tilespmem:s1+$0x1110];
	_ =	sdelay $0x4  }
0x247: {  	[tilespmem:s15+$0xD0] =	vst v0  }
0x248: {  	v0 =	vld [tilespmem:s1+$0x1120];
	_ =	sdelay $0x4  }
0x249: {  	[tilespmem:s15+$0xE0] =	vst v0  }
0x24a: {  	p0 =	sne.s32 s13, $0x7C;
	v0 =	vld [tilespmem:s1+$0x1130]  }
.Ltmp2:
0x24b: {  	_ = 	snop;
	(pc) =	sbr.rel @p0 .LBB2_6-.Ltmp2, $2  }
0x24c: {  	_ =	sdelay $0x2  }
0x24d: {  	s13 =	sadd.s32 $0x4, s13;
	s14 =	sadd.s32 $0x100, s14;
	[tilespmem:s15+$0xF0] =	vst v0;
	s15 =	sadd.s32 $0x200, s15  }
0x24e: {  	s1 =	rddreg [dreg:$0x16]  }
0x24f: {  	[hbm4b:s1+s26] =	stream.strided.scatter [tilespmem:s29], [sflag:$0x6], $0x2000, s28, s26, $0x38;
	[tilespmem:$0x1E540] =	vst v63  }
0x250: {  	s19 =	rddreg [dreg:$0x17]  }
0x251: {  	[hbm4b:s19+s30] =	stream.strided.scatter [tilespmem:s31], [sflag:$0x6], $0x4000, s28, s30, $0x38;
	[tilespmem:$0x1E540] =	vst v63  }
0x252: {  	_ =	swait.ge [sflag:s6], $0x2000  }
0x253: {  	[sflag:s6] =	ssyncset.done $0x0  }
0x254: {  	[sflag:s6] =	ssyncadd.s32 $0xFFFFE000  }
0x255: {  	_ =	swait.ge [sflag:s6], $0x4000  }
0x256: {  	s13 =	simm.s32 $0x0;
	[sflag:s6] =	ssyncset.done $0x0  }
0x257: {  	s14 =	simm.s32 $0x185C0;
	s15 =	simm.s32 $0x1A640;
	[sflag:s6] =	ssyncadd.s32 $0xFFFFC000  }
.LBB2_8:
0x258: {  	s1 =	sand.u32 $0x7C, s13  }
0x259: {  	s16 =	sor.u32 $0x580, s1  }
0x25a: {  	v0 =	vld.msk [tilespmem:s16+$0x0], $0x1;
	_ =	sdelay $0x4  }
0x25b: {  	(v2sf) =	vpush v0, $0x0;
	_ =	sdelay $0xe  }
0x25c: {  	s17 =	spop (v2sf)  }
0x25d: {  	s16 =	sshll.u32 s17, $0x8  }
0x25e: {  	s16 =	sshra.s32 s16, $0x2  }
0x25f: {  	v52 =	vld [tilespmem:s16+$0xA00];
	_ =	sdelay $0x4  }
0x260: {  	[tilespmem:s14+$0xFFFFFF80] =	vst v52  }
0x261: {  	v0 =	vld [tilespmem:s16+$0xA10];
	_ =	sdelay $0x4  }
0x262: {  	[tilespmem:s14+$0xFFFFFF90] =	vst v0  }
0x263: {  	v0 =	vld [tilespmem:s16+$0xA20];
	_ =	sdelay $0x4  }
0x264: {  	[tilespmem:s14+$0xFFFFFFA0] =	vst v0  }
0x265: {  	v0 =	vld [tilespmem:s16+$0xA30];
	_ =	sdelay $0x4  }
0x266: {  	s18 =	sor.u32 $0x780, s1;
	[tilespmem:s14+$0xFFFFFFB0] =	vst v0  }
0x267: {  	v0 =	vld.msk [tilespmem:s18+$0x0], $0x1;
	_ =	sdelay $0x4  }
0x268: {  	(v2sf) =	vpush v0, $0x0;
	_ =	sdelay $0xe  }
0x269: {  	s19 =	spop (v2sf)  }
0x26a: {  	s16 =	sshll.u32 s19, $0x8  }
0x26b: {  	s16 =	sshra.s32 s16, $0x2  }
0x26c: {  	v53 =	vld [tilespmem:s16+$0xCC0];
	_ =	sdelay $0x4  }
0x26d: {  	[tilespmem:s15+$0xFFFFFF00] =	vst v53  }
0x26e: {  	v0 =	vld [tilespmem:s16+$0xCD0];
	_ =	sdelay $0x4  }
0x26f: {  	[tilespmem:s15+$0xFFFFFF10] =	vst v0  }
0x270: {  	v0 =	vld [tilespmem:s16+$0xCE0];
	_ =	sdelay $0x4  }
0x271: {  	[tilespmem:s15+$0xFFFFFF20] =	vst v0  }
0x272: {  	v0 =	vld [tilespmem:s16+$0xCF0];
	_ =	sdelay $0x4  }
0x273: {  	s1 =	sor.u32 $0x980, s1;
	[tilespmem:s15+$0xFFFFFF30] =	vst v0  }
0x274: {  	v0 =	vld.msk [tilespmem:s1+$0x0], $0x1;
	_ =	sdelay $0x4  }
0x275: {  	(v2sf) =	vpush v0, $0x0;
	_ =	sdelay $0xe  }
0x276: {  	s17 =	spop (v2sf)  }
0x277: {  	s1 =	sshll.u32 s17, $0x8  }
0x278: {  	s1 =	sshra.s32 s1, $0x2  }
0x279: {  	v54 =	vld [tilespmem:s1+$0x1100];
	_ =	sdelay $0x4  }
0x27a: {  	[tilespmem:s15+$0xFFFFFF40] =	vst v54  }
0x27b: {  	v0 =	vld [tilespmem:s1+$0x1110];
	_ =	sdelay $0x4  }
0x27c: {  	[tilespmem:s15+$0xFFFFFF50] =	vst v0  }
0x27d: {  	v0 =	vld [tilespmem:s1+$0x1120];
	_ =	sdelay $0x4  }
0x27e: {  	[tilespmem:s15+$0xFFFFFF60] =	vst v0  }
0x27f: {  	v0 =	vld [tilespmem:s1+$0x1130];
	_ =	sdelay $0x2  }
0x280: {  	s18 =	sadd.s32 $0x181, s13  }
0x281: {  	s1 =	sand.u32 $0x1FD, s18  }
0x282: {  	s19 =	sor.u32 $0x400, s1;
	[tilespmem:s15+$0xFFFFFF70] =	vst v0  }
0x283: {  	v0 =	vld.msk [tilespmem:s19+$0x0], $0x1;
	_ =	sdelay $0x4  }
0x284: {  	(v2sf) =	vpush v0, $0x0;
	_ =	sdelay $0xe  }
0x285: {  	s17 =	spop (v2sf)  }
0x286: {  	s16 =	sshll.u32 s17, $0x8  }
0x287: {  	s16 =	sshra.s32 s16, $0x2  }
0x288: {  	v55 =	vld [tilespmem:s16+$0xA00];
	_ =	sdelay $0x4  }
0x289: {  	[tilespmem:s14+$0xFFFFFFC0] =	vst v55  }
0x28a: {  	v0 =	vld [tilespmem:s16+$0xA10];
	_ =	sdelay $0x4  }
0x28b: {  	[tilespmem:s14+$0xFFFFFFD0] =	vst v0  }
0x28c: {  	v0 =	vld [tilespmem:s16+$0xA20];
	_ =	sdelay $0x4  }
0x28d: {  	[tilespmem:s14+$0xFFFFFFE0] =	vst v0  }
0x28e: {  	v0 =	vld [tilespmem:s16+$0xA30];
	_ =	sdelay $0x4  }
0x28f: {  	s18 =	sor.u32 $0x600, s1;
	[tilespmem:s14+$0xFFFFFFF0] =	vst v0  }
0x290: {  	v0 =	vld.msk [tilespmem:s18+$0x0], $0x1;
	_ =	sdelay $0x4  }
0x291: {  	(v2sf) =	vpush v0, $0x0;
	_ =	sdelay $0xe  }
0x292: {  	s19 =	spop (v2sf)  }
0x293: {  	s16 =	sshll.u32 s19, $0x8  }
0x294: {  	s16 =	sshra.s32 s16, $0x2  }
0x295: {  	v56 =	vld [tilespmem:s16+$0xCC0];
	_ =	sdelay $0x4  }
0x296: {  	[tilespmem:s15+$0xFFFFFF80] =	vst v56  }
0x297: {  	v0 =	vld [tilespmem:s16+$0xCD0];
	_ =	sdelay $0x4  }
0x298: {  	[tilespmem:s15+$0xFFFFFF90] =	vst v0  }
0x299: {  	v0 =	vld [tilespmem:s16+$0xCE0];
	_ =	sdelay $0x4  }
0x29a: {  	[tilespmem:s15+$0xFFFFFFA0] =	vst v0  }
0x29b: {  	v0 =	vld [tilespmem:s16+$0xCF0];
	_ =	sdelay $0x4  }
0x29c: {  	s1 =	sor.u32 $0x800, s1;
	[tilespmem:s15+$0xFFFFFFB0] =	vst v0  }
0x29d: {  	v0 =	vld.msk [tilespmem:s1+$0x0], $0x1;
	_ =	sdelay $0x4  }
0x29e: {  	(v2sf) =	vpush v0, $0x0;
	_ =	sdelay $0xe  }
0x29f: {  	s17 =	spop (v2sf)  }
0x2a0: {  	s1 =	sshll.u32 s17, $0x8  }
0x2a1: {  	s1 =	sshra.s32 s1, $0x2  }
0x2a2: {  	v57 =	vld [tilespmem:s1+$0x1100];
	_ =	sdelay $0x4  }
0x2a3: {  	[tilespmem:s15+$0xFFFFFFC0] =	vst v57  }
0x2a4: {  	v0 =	vld [tilespmem:s1+$0x1110];
	_ =	sdelay $0x4  }
0x2a5: {  	[tilespmem:s15+$0xFFFFFFD0] =	vst v0  }
0x2a6: {  	v0 =	vld [tilespmem:s1+$0x1120];
	_ =	sdelay $0x4  }
0x2a7: {  	[tilespmem:s15+$0xFFFFFFE0] =	vst v0  }
0x2a8: {  	v0 =	vld [tilespmem:s1+$0x1130];
	_ =	sdelay $0x2  }
0x2a9: {  	s18 =	sadd.s32 $0x182, s13  }
0x2aa: {  	s1 =	sand.u32 $0x1FE, s18  }
0x2ab: {  	s19 =	sor.u32 $0x400, s1;
	[tilespmem:s15+$0xFFFFFFF0] =	vst v0  }
0x2ac: {  	v0 =	vld.msk [tilespmem:s19+$0x0], $0x1;
	_ =	sdelay $0x4  }
0x2ad: {  	(v2sf) =	vpush v0, $0x0;
	_ =	sdelay $0xe  }
0x2ae: {  	s17 =	spop (v2sf)  }
0x2af: {  	s16 =	sshll.u32 s17, $0x8  }
0x2b0: {  	s16 =	sshra.s32 s16, $0x2  }
0x2b1: {  	v58 =	vld [tilespmem:s16+$0xA00];
	_ =	sdelay $0x4  }
0x2b2: {  	[tilespmem:s14+$0x0] =	vst v58  }
0x2b3: {  	v0 =	vld [tilespmem:s16+$0xA10];
	_ =	sdelay $0x4  }
0x2b4: {  	[tilespmem:s14+$0x10] =	vst v0  }
0x2b5: {  	v0 =	vld [tilespmem:s16+$0xA20];
	_ =	sdelay $0x4  }
0x2b6: {  	[tilespmem:s14+$0x20] =	vst v0  }
0x2b7: {  	v0 =	vld [tilespmem:s16+$0xA30];
	_ =	sdelay $0x4  }
0x2b8: {  	s18 =	sor.u32 $0x600, s1;
	[tilespmem:s14+$0x30] =	vst v0  }
0x2b9: {  	v0 =	vld.msk [tilespmem:s18+$0x0], $0x1;
	_ =	sdelay $0x4  }
0x2ba: {  	(v2sf) =	vpush v0, $0x0;
	_ =	sdelay $0xe  }
0x2bb: {  	s19 =	spop (v2sf)  }
0x2bc: {  	s16 =	sshll.u32 s19, $0x8  }
0x2bd: {  	s16 =	sshra.s32 s16, $0x2  }
0x2be: {  	v59 =	vld [tilespmem:s16+$0xCC0];
	_ =	sdelay $0x4  }
0x2bf: {  	[tilespmem:s15+$0x0] =	vst v59  }
0x2c0: {  	v0 =	vld [tilespmem:s16+$0xCD0];
	_ =	sdelay $0x4  }
0x2c1: {  	[tilespmem:s15+$0x10] =	vst v0  }
0x2c2: {  	v0 =	vld [tilespmem:s16+$0xCE0];
	_ =	sdelay $0x4  }
0x2c3: {  	[tilespmem:s15+$0x20] =	vst v0  }
0x2c4: {  	v0 =	vld [tilespmem:s16+$0xCF0];
	_ =	sdelay $0x4  }
0x2c5: {  	s1 =	sor.u32 $0x800, s1;
	[tilespmem:s15+$0x30] =	vst v0  }
0x2c6: {  	v0 =	vld.msk [tilespmem:s1+$0x0], $0x1;
	_ =	sdelay $0x4  }
0x2c7: {  	(v2sf) =	vpush v0, $0x0;
	_ =	sdelay $0xe  }
0x2c8: {  	s16 =	spop (v2sf)  }
0x2c9: {  	s1 =	sshll.u32 s16, $0x8  }
0x2ca: {  	s1 =	sshra.s32 s1, $0x2  }
0x2cb: {  	v60 =	vld [tilespmem:s1+$0x1100];
	_ =	sdelay $0x4  }
0x2cc: {  	[tilespmem:s15+$0x40] =	vst v60  }
0x2cd: {  	v0 =	vld [tilespmem:s1+$0x1110];
	_ =	sdelay $0x4  }
0x2ce: {  	[tilespmem:s15+$0x50] =	vst v0  }
0x2cf: {  	v0 =	vld [tilespmem:s1+$0x1120];
	_ =	sdelay $0x4  }
0x2d0: {  	[tilespmem:s15+$0x60] =	vst v0  }
0x2d1: {  	v0 =	vld [tilespmem:s1+$0x1130];
	_ =	sdelay $0x2  }
0x2d2: {  	s17 =	sadd.s32 $0x183, s13  }
0x2d3: {  	s1 =	sand.u32 $0x1FF, s17  }
0x2d4: {  	s18 =	sor.u32 $0x400, s1;
	[tilespmem:s15+$0x70] =	vst v0  }
0x2d5: {  	v0 =	vld.msk [tilespmem:s18+$0x0], $0x1;
	_ =	sdelay $0x4  }
0x2d6: {  	(v2sf) =	vpush v0, $0x0;
	_ =	sdelay $0xe  }
0x2d7: {  	s19 =	spop (v2sf)  }
0x2d8: {  	s16 =	sshll.u32 s19, $0x8  }
0x2d9: {  	s16 =	sshra.s32 s16, $0x2  }
0x2da: {  	v61 =	vld [tilespmem:s16+$0xA00];
	_ =	sdelay $0x4  }
0x2db: {  	[tilespmem:s14+$0x40] =	vst v61  }
0x2dc: {  	v0 =	vld [tilespmem:s16+$0xA10];
	_ =	sdelay $0x4  }
0x2dd: {  	[tilespmem:s14+$0x50] =	vst v0  }
0x2de: {  	v0 =	vld [tilespmem:s16+$0xA20];
	_ =	sdelay $0x4  }
0x2df: {  	[tilespmem:s14+$0x60] =	vst v0  }
0x2e0: {  	v0 =	vld [tilespmem:s16+$0xA30];
	_ =	sdelay $0x4  }
0x2e1: {  	s17 =	sor.u32 $0x600, s1;
	[tilespmem:s14+$0x70] =	vst v0  }
0x2e2: {  	v0 =	vld.msk [tilespmem:s17+$0x0], $0x1;
	_ =	sdelay $0x4  }
0x2e3: {  	(v2sf) =	vpush v0, $0x0;
	_ =	sdelay $0xe  }
0x2e4: {  	s18 =	spop (v2sf)  }
0x2e5: {  	s16 =	sshll.u32 s18, $0x8  }
0x2e6: {  	s16 =	sshra.s32 s16, $0x2  }
0x2e7: {  	v62 =	vld [tilespmem:s16+$0xCC0];
	_ =	sdelay $0x4  }
0x2e8: {  	[tilespmem:s15+$0x80] =	vst v62  }
0x2e9: {  	v0 =	vld [tilespmem:s16+$0xCD0];
	_ =	sdelay $0x4  }
0x2ea: {  	[tilespmem:s15+$0x90] =	vst v0  }
0x2eb: {  	v0 =	vld [tilespmem:s16+$0xCE0];
	_ =	sdelay $0x4  }
0x2ec: {  	[tilespmem:s15+$0xA0] =	vst v0  }
0x2ed: {  	v0 =	vld [tilespmem:s16+$0xCF0];
	_ =	sdelay $0x4  }
0x2ee: {  	s1 =	sor.u32 $0x800, s1;
	[tilespmem:s15+$0xB0] =	vst v0  }
0x2ef: {  	v0 =	vld.msk [tilespmem:s1+$0x0], $0x1;
	_ =	sdelay $0x4  }
0x2f0: {  	(v2sf) =	vpush v0, $0x0;
	_ =	sdelay $0xe  }
0x2f1: {  	s19 =	spop (v2sf)  }
0x2f2: {  	s1 =	sshll.u32 s19, $0x8  }
0x2f3: {  	s1 =	sshra.s32 s1, $0x2  }
0x2f4: {  	v63 =	vld [tilespmem:s1+$0x1100];
	_ =	sdelay $0x4  }
0x2f5: {  	[tilespmem:s15+$0xC0] =	vst v63  }
0x2f6: {  	v0 =	vld [tilespmem:s1+$0x1110];
	_ =	sdelay $0x4  }
0x2f7: {  	[tilespmem:s15+$0xD0] =	vst v0  }
0x2f8: {  	v0 =	vld [tilespmem:s1+$0x1120];
	_ =	sdelay $0x4  }
0x2f9: {  	[tilespmem:s15+$0xE0] =	vst v0  }
0x2fa: {  	p0 =	sne.s32 s13, $0x7C;
	v0 =	vld [tilespmem:s1+$0x1130]  }
.Ltmp3:
0x2fb: {  	_ = 	snop;
	(pc) =	sbr.rel @p0 .LBB2_8-.Ltmp3, $2  }
0x2fc: {  	_ =	sdelay $0x2  }
0x2fd: {  	s13 =	sadd.s32 $0x4, s13;
	s14 =	sadd.s32 $0x100, s14;
	[tilespmem:s15+$0xF0] =	vst v0;
	s15 =	sadd.s32 $0x200, s15  }
0x2fe: {  	[hbm4b:s20+s26] =	stream.strided.scatter [tilespmem:s3], [sflag:$0x7], $0x2000, s28, s26, $0x38;
	[tilespmem:$0x1E540] =	vst v63  }
0x2ff: {  	_ = 	snop  }
0x300: {  	[hbm4b:s21+s30] =	stream.strided.scatter [tilespmem:s4], [sflag:$0x7], $0x4000, s28, s30, $0x38;
	[tilespmem:$0x1E540] =	vst v63  }
0x301: {  	_ =	swait.ge [sflag:s7], $0x8000  }
0x302: {  	[sflag:s7] =	ssyncset.done $0x0  }
0x303: {  	s14 =	simm.s32 $0x2540;
	[sflag:s7] =	ssyncadd.s32 $0xFFFF8000  }
0x304: {  	[hbm4b:s11+s26] =	stream.strided.scatter [tilespmem:s14], [sflag:$0x4], $0x8000, s28, s26, $0x38;
	[tilespmem:$0x1E540] =	vst v63  }
0x305: {  	_ =	swait.ge [sflag:s8], $0x8000  }
0x306: {  	[sflag:s8] =	ssyncset.done $0x0  }
0x307: {  	[sflag:s8] =	ssyncadd.s32 $0xFFFF8000  }
0x308: {  	[hbm4b:s22+s26] =	stream.strided.scatter [tilespmem:s25], [sflag:$0x5], $0x8000, s28, s26, $0x38;
	[tilespmem:$0x1E540] =	vst v63  }
0x309: {  	_ =	swait.ge [sflag:s5], $0x2000  }
0x30a: {  	[sflag:s5] =	ssyncset.done $0x0  }
0x30b: {  	[sflag:s5] =	ssyncadd.s32 $0xFFFFE000  }
0x30c: {  	_ =	swait.ge [sflag:s5], $0x4000  }
0x30d: {  	[sflag:s5] =	ssyncset.done $0x0  }
0x30e: {  	[sflag:s5] =	ssyncadd.s32 $0xFFFFC000  }
0x30f: {  	_ =	swait.ge [sflag:s6], $0x2000  }
0x310: {  	[sflag:s6] =	ssyncset.done $0x0  }
0x311: {  	[sflag:s6] =	ssyncadd.s32 $0xFFFFE000  }
0x312: {  	_ =	swait.ge [sflag:s6], $0x4000  }
0x313: {  	[sflag:s6] =	ssyncset.done $0x0  }
0x314: {  	s12 =	sadd.s32 $0x1, s12;
	[sflag:s6] =	ssyncadd.s32 $0xFFFFC000  }
0x315: {  	p0 =	sne.s32 s12, s23;
	_ =	swait.ge [sflag:s9], $0x8000  }
.Ltmp4:
0x316: {  	[sflag:s9] =	ssyncset.done $0x0;
	(pc) =	sbr.rel @p0 .LBB2_1-.Ltmp4, $4  }
0x317: {  	[sflag:s9] =	ssyncadd.s32 $0xFFFF8000  }
0x318: {  	_ =	swait.ge [sflag:s10], $0x8000  }
0x319: {  	[sflag:s10] =	ssyncset.done $0x0  }
0x31a: {  	[sflag:s10] =	ssyncadd.s32 $0xFFFF8000  }
0x31b: {  	_ =	sfence.sel $0x180000  }
0x31c: {  	[bflag:$0x0] =	sbarrier.arrive $0xFFFF  }
0x31d: {  	_ =	strace $0x90000047  }
0x31e: {  	s0 =	stileid.u32;
	[bflag:$0x2] =	sbarrier.arrive $0xFFFF  }
0x31f: {  	p0 =	sne.s32 s0, $0x0;
	s0 =	rddreg [dreg:$0x7]  }
0x320: {  	s0 =	sadd.s32 @!p0 $0x100000, s0  }
0x321: {  	[sflag:s0] =	ssyncadd.tile.s32 @!p0 $0x1;
	_ =	shalt  }
.Lfunc_end2:
_tile_overlayer_lowered:
.L_overlay_start_2:
0x322: {  	(tag) =	ssettag $0x2  }
0x323: {  	s0 =	rddreg [dreg:$0x0];
	s2 =	stileid.u32  }
0x324: {  	s1 =	rddreg [dreg:$0x1];
	p0 =	sne.s32 s2, $0x0  }
0x325: {  	s3 =	rddreg [dreg:$0x2];
	[bflag:$0x3] =	sbarrier.arrive $0xFFFF;
	s2 =	simm.s32 @!p0 $0x1C08  }
0x326: {  	[timem:s3], [sflag:s2] =	dma.local @!p0 [hbm:s0], s1  }
0x327: {  	s0 =	simm.s32 @!p0 $0x8  }
0x328: {  	_ =	swait.ge @!p0 [sflag:s0], s1  }
0x329: {  	s1 =	ssub.s32 @!p0 $0x0, s1;
	[sflag:s0] =	ssyncset.done @!p0 $0x0  }
0x32a: {  	[sflag:s0] =	ssyncadd.s32 @!p0 s1  }
0x32b: {  	[bflag:$0x3] =	sbarrier.arrive $0xFFFF  }
0x32c: {  	_ =	shalt  }

</sc_bundles>
